<compile_context>
chip_gen: v7x
topology: tpu7x:2x2x1
jax: 0.10.2.dev20260603
libtpu: 0.0.44.dev20260713+nightly
codegen_flags: <defaults>
</compile_context>

<pallas_src>
import functools

import jax
import jax.numpy as jnp
from jax import lax
from jax.experimental import pallas as pl
from jax.experimental.pallas import tpu as pltpu
from jax.experimental.pallas import tpu_sc as plsc

N = 10000
NP = 10240
E = 320000
D_IN = 128
H = 64
NSC = 2
NTILE = 16
NW = NSC * NTILE
E_PER_W = E // NW
CHUNK = 80
NCHUNK = E_PER_W // CHUNK
RPT = NP // NTILE
NBUF = 5
LAG = 4
NOUT = NCHUNK // NBUF

BM = 5000
NB = N // BM


def _mesh():
    return plsc.VectorSubcoreMesh(core_axis_name="c", subcore_axis_name="s")



@functools.partial(
    pl.kernel,
    out_type=(
        jax.ShapeDtypeStruct((NSC * NP, H), jnp.bfloat16),
        jax.ShapeDtypeStruct((NSC * NP,), jnp.float32),
    ),
    mesh=_mesh(),
    compiler_params=pltpu.CompilerParams(use_tc_tiling_on_sc=False),
    scratch_types=(
        pltpu.VMEM((NCHUNK, CHUNK), jnp.int32),
        pltpu.VMEM((NCHUNK, CHUNK), jnp.int32),
        pltpu.VMEM((NBUF, CHUNK, H), jnp.bfloat16),
        pltpu.VMEM((CHUNK,), jnp.float32),
        pltpu.VMEM_SHARED((NP, H), jnp.bfloat16),
        pltpu.VMEM_SHARED((NP,), jnp.float32),
        pltpu.SemaphoreType.DMA((NBUF,)),
        pltpu.SemaphoreType.DMA((NBUF,)),
        pltpu.SemaphoreType.DMA((NBUF,)),
    ),
)
def _seg_sum_count(y_hbm, ei_hbm, zr_hbm, zc_hbm, ones_hbm,
                   acc_out, cnt_out,
                   src_v, dst_v, rows_v, ones_v, acc_sh, cnt_sh,
                   gsem, ssem, csem):
    c = lax.axis_index("c")
    s = lax.axis_index("s")
    wid = c * NTILE + s
    rbase = s * RPT
    pltpu.sync_copy(zr_hbm, acc_sh.at[pl.ds(rbase, RPT)])
    pltpu.sync_copy(zc_hbm, cnt_sh.at[pl.ds(rbase, RPT)])
    pltpu.sync_copy(ei_hbm.at[0, wid], src_v)
    pltpu.sync_copy(ei_hbm.at[1, wid], dst_v)
    pltpu.sync_copy(ones_hbm, ones_v)
    plsc.subcore_barrier()
    obase = c * NP + rbase

    def start_gather(j, b):
        pltpu.async_copy(y_hbm.at[src_v.at[j]], rows_v.at[b], gsem.at[b])

    def wait_gather(j, b):
        pltpu.make_async_copy(y_hbm.at[src_v.at[j]], rows_v.at[b],
                              gsem.at[b]).wait()

    def start_scatter(j, b):
        pltpu.async_copy(rows_v.at[b], acc_sh.at[dst_v.at[j]], ssem.at[b],
                         add=True)

    def wait_scatter(j, b):
        pltpu.make_async_copy(rows_v.at[b], acc_sh.at[dst_v.at[j]],
                              ssem.at[b]).wait()

    def start_count(j, b):
        pltpu.async_copy(ones_v, cnt_sh.at[dst_v.at[j]], csem.at[b], add=True)

    def wait_count(j, b):
        pltpu.make_async_copy(ones_v, cnt_sh.at[dst_v.at[j]],
                              csem.at[b]).wait()

    for b in range(LAG):
        start_gather(b, b)

    def group(g, carry):
        for b in range(NBUF):
            v = g * NBUF + b
            jg = v + LAG
            bb = (b + LAG) % NBUF

            @pl.when(jg < NCHUNK)
            def _():
                @pl.when(jg >= NBUF)
                def _():
                    wait_scatter(jg - NBUF, bb)
                start_gather(jg, bb)

            wait_gather(v, b)
            start_scatter(v, b)

            @pl.when(v >= NBUF)
            def _():
                wait_count(v - NBUF, b)
            start_count(v, b)
        return carry

    lax.fori_loop(0, NOUT, group, 0)
    for b in range(NBUF):
        wait_scatter(NCHUNK - NBUF + b, b)
        wait_count(NCHUNK - NBUF + b, b)
    plsc.subcore_barrier()

    pltpu.sync_copy(acc_sh.at[pl.ds(rbase, RPT)],
                    acc_out.at[pl.ds(obase, RPT)])
    pltpu.sync_copy(cnt_sh.at[pl.ds(rbase, RPT)],
                    cnt_out.at[pl.ds(obase, RPT)])


@functools.partial(
    pl.kernel,
    out_type=jax.ShapeDtypeStruct((NSC * NP, H), jnp.bfloat16),
    mesh=_mesh(),
    compiler_params=pltpu.CompilerParams(use_tc_tiling_on_sc=False),
    scratch_types=(
        pltpu.VMEM((NCHUNK, CHUNK), jnp.int32),
        pltpu.VMEM((NCHUNK, CHUNK), jnp.int32),
        pltpu.VMEM((NBUF, CHUNK, H), jnp.bfloat16),
        pltpu.VMEM_SHARED((NP, H), jnp.bfloat16),
        pltpu.SemaphoreType.DMA((NBUF,)),
        pltpu.SemaphoreType.DMA((NBUF,)),
    ),
)
def _seg_sum(y_hbm, ei_hbm, zr_hbm,
             acc_out,
             src_v, dst_v, rows_v, acc_sh, gsem, ssem):
    c = lax.axis_index("c")
    s = lax.axis_index("s")
    wid = c * NTILE + s
    rbase = s * RPT
    pltpu.sync_copy(zr_hbm, acc_sh.at[pl.ds(rbase, RPT)])
    pltpu.sync_copy(ei_hbm.at[0, wid], src_v)
    pltpu.sync_copy(ei_hbm.at[1, wid], dst_v)
    plsc.subcore_barrier()
    obase = c * NP + rbase

    def start_gather(j, b):
        pltpu.async_copy(y_hbm.at[src_v.at[j]], rows_v.at[b], gsem.at[b])

    def wait_gather(j, b):
        pltpu.make_async_copy(y_hbm.at[src_v.at[j]], rows_v.at[b],
                              gsem.at[b]).wait()

    def start_scatter(j, b):
        pltpu.async_copy(rows_v.at[b], acc_sh.at[dst_v.at[j]], ssem.at[b],
                         add=True)

    def wait_scatter(j, b):
        pltpu.make_async_copy(rows_v.at[b], acc_sh.at[dst_v.at[j]],
                              ssem.at[b]).wait()

    for b in range(LAG):
        start_gather(b, b)

    def group(g, carry):
        for b in range(NBUF):
            v = g * NBUF + b
            jg = v + LAG
            bb = (b + LAG) % NBUF

            @pl.when(jg < NCHUNK)
            def _():
                @pl.when(jg >= NBUF)
                def _():
                    wait_scatter(jg - NBUF, bb)
                start_gather(jg, bb)

            wait_gather(v, b)
            start_scatter(v, b)
        return carry

    lax.fori_loop(0, NOUT, group, 0)
    for b in range(NBUF):
        wait_scatter(NCHUNK - NBUF + b, b)
    plsc.subcore_barrier()

    pltpu.sync_copy(acc_sh.at[pl.ds(rbase, RPT)],
                    acc_out.at[pl.ds(obase, RPT)])



def _dott(a, w):
    return lax.dot_general(a, w, (((1,), (1,)), ((), ())),
                           preferred_element_type=jnp.float32)


def _lin2_body(x_ref, wl_ref, wr_ref, y_ref, r_ref):
    xb = x_ref[...]
    xb = jnp.where(jnp.isnan(xb), jnp.float32(0), xb)
    y_ref[...] = _dott(xb, wl_ref[...]).astype(jnp.bfloat16)
    r_ref[...] = _dott(xb, wr_ref[...])


def _lin2(x, wl, wr):
    return pl.pallas_call(
        _lin2_body,
        grid=(NB,),
        in_specs=[
            pl.BlockSpec((BM, D_IN), lambda i: (i, 0)),
            pl.BlockSpec((H, D_IN), lambda i: (0, 0)),
            pl.BlockSpec((H, D_IN), lambda i: (0, 0)),
        ],
        out_specs=[
            pl.BlockSpec((BM, H), lambda i: (i, 0)),
            pl.BlockSpec((BM, H), lambda i: (i, 0)),
        ],
        out_shape=[
            jax.ShapeDtypeStruct((N, H), jnp.bfloat16),
            jax.ShapeDtypeStruct((N, H), jnp.float32),
        ],
    )(x, wl, wr)


def _norm_h(a0, a1, c0, c1, bl, r):
    cnt = jnp.maximum(c0[0] + c1[0], 1.0)
    agg = a0[0].astype(jnp.float32) + a1[0].astype(jnp.float32)
    return jnp.maximum(agg / cnt + bl + r, 0.0)


def _comb_body(a0_ref, a1_ref, c0_ref, c1_ref, r_ref, bl_ref, wl_ref, wr_ref,
               y_ref, rr_ref):
    h = _norm_h(a0_ref[...], a1_ref[...], c0_ref[...], c1_ref[...],
                bl_ref[...], r_ref[...])
    y_ref[...] = _dott(h, wl_ref[...]).astype(jnp.bfloat16)
    rr_ref[...] = _dott(h, wr_ref[...])


def _comb(acc, cnt, r, bl, wl, wr):
    return pl.pallas_call(
        _comb_body,
        grid=(NB,),
        in_specs=[
            pl.BlockSpec((1, BM, H), lambda i: (0, i, 0)),
            pl.BlockSpec((1, BM, H), lambda i: (1, i, 0)),
            pl.BlockSpec((1, BM, 1), lambda i: (0, i, 0)),
            pl.BlockSpec((1, BM, 1), lambda i: (1, i, 0)),
            pl.BlockSpec((BM, H), lambda i: (i, 0)),
            pl.BlockSpec((1, H), lambda i: (0, 0)),
            pl.BlockSpec((H, H), lambda i: (0, 0)),
            pl.BlockSpec((H, H), lambda i: (0, 0)),
        ],
        out_specs=[
            pl.BlockSpec((BM, H), lambda i: (i, 0)),
            pl.BlockSpec((BM, H), lambda i: (i, 0)),
        ],
        out_shape=[
            jax.ShapeDtypeStruct((N, H), jnp.bfloat16),
            jax.ShapeDtypeStruct((N, H), jnp.float32),
        ],
    )(acc, acc, cnt, cnt, r, bl, wl, wr)


def _final_body(a0_ref, a1_ref, c0_ref, c1_ref, r_ref, bl_ref, w_ref, bf_ref,
                o_ref):
    h = _norm_h(a0_ref[...], a1_ref[...], c0_ref[...], c1_ref[...],
                bl_ref[...], r_ref[...])
    o_ref[...] = (jnp.sum(h * w_ref[...], axis=1, keepdims=True)
                  + bf_ref[...])


def _final(acc, cnt, r, bl, w, bf):
    return pl.pallas_call(
        _final_body,
        grid=(NB,),
        in_specs=[
            pl.BlockSpec((1, BM, H), lambda i: (0, i, 0)),
            pl.BlockSpec((1, BM, H), lambda i: (1, i, 0)),
            pl.BlockSpec((1, BM, 1), lambda i: (0, i, 0)),
            pl.BlockSpec((1, BM, 1), lambda i: (1, i, 0)),
            pl.BlockSpec((BM, H), lambda i: (i, 0)),
            pl.BlockSpec((1, H), lambda i: (0, 0)),
            pl.BlockSpec((1, H), lambda i: (0, 0)),
            pl.BlockSpec((1, 1), lambda i: (0, 0)),
        ],
        out_specs=pl.BlockSpec((BM, 1), lambda i: (i, 0)),
        out_shape=jax.ShapeDtypeStruct((N, 1), jnp.float32),
    )(acc, acc, cnt, cnt, r, bl, w, bf)



def kernel(x, edge_index, Wl1, bl1, Wr1, Wl2, bl2, Wr2, Wfc, bfc):
    ei = edge_index.reshape(2, NW, NCHUNK, CHUNK)
    zr = jnp.zeros((RPT, H), jnp.bfloat16)
    zc = jnp.zeros((RPT,), jnp.float32)
    ones = jnp.ones((CHUNK,), jnp.float32)

    y1, r1 = _lin2(x, Wl1, Wr1)
    acc1, cnt = _seg_sum_count(y1, ei, zr, zc, ones)
    acc1 = acc1.reshape(NSC, NP, H)
    cnt3 = cnt.reshape(NSC, NP, 1)
    y2, r2 = _comb(acc1, cnt3, r1, bl1.reshape(1, H), Wl2, Wr2)
    acc2 = _seg_sum(y2, ei, zr).reshape(NSC, NP, H)
    out = _final(acc2, cnt3, r2, bl2.reshape(1, H), Wfc, bfc.reshape(1, 1))
    return out[:, 0]

# --- scband reference (transcript-rebuilt; emitter-appended) ---
"""Pipeline reference for scband-gnnmodel-79912161509825 (READ-ONLY COPY).

The authoritative reference and input builder live on the scoring server;
editing this copy changes nothing except your own understanding.
"""

import jax, jax.numpy as jnp
import numpy as np

N = 10000
E = 320000
D_IN = 128
H = 64


def setup_inputs(seed: int = 0) -> dict:
    key = jax.random.key(seed)
    ks = jax.random.split(key, 12)
    x = jax.random.normal(ks[0], (N, D_IN), dtype=jnp.float32)
    edge_index = jax.random.randint(ks[1], (2, E), 0, N, dtype=jnp.int32)
    s1 = 1.0 / np.sqrt(D_IN)
    s2 = 1.0 / np.sqrt(H)
    Wl1 = jax.random.normal(ks[2], (H, D_IN), dtype=jnp.float32) * s1
    bl1 = jnp.zeros((H,), dtype=jnp.float32)
    Wr1 = jax.random.normal(ks[3], (H, D_IN), dtype=jnp.float32) * s1
    Wl2 = jax.random.normal(ks[4], (H, H), dtype=jnp.float32) * s2
    bl2 = jnp.zeros((H,), dtype=jnp.float32)
    Wr2 = jax.random.normal(ks[5], (H, H), dtype=jnp.float32) * s2
    Wfc = jax.random.normal(ks[6], (1, H), dtype=jnp.float32) * s2
    bfc = jnp.zeros((1,), dtype=jnp.float32)
    return {"x": x, "edge_index": edge_index, "Wl1": Wl1, "bl1": bl1, "Wr1": Wr1,
            "Wl2": Wl2, "bl2": bl2, "Wr2": Wr2, "Wfc": Wfc, "bfc": bfc}


def sage_conv(x, edge_index, Wl, bl, Wr):
    # PyG SAGEConv, mean aggregation, flow=source_to_target:
    # out = lin_l(mean_{j in N(i)} x_j) + lin_r(x_i)
    src = edge_index[0]
    dst = edge_index[1]
    msg = jnp.take(x, src, axis=0)                       # gather (SparseCore)
    agg = jax.ops.segment_sum(msg, dst, num_segments=x.shape[0])  # scatter-add
    cnt = jax.ops.segment_sum(jnp.ones((edge_index.shape[1],), dtype=x.dtype), dst,
                              num_segments=x.shape[0])
    agg = agg / jnp.maximum(cnt, 1.0)[:, None]
    return agg @ Wl.T + bl + x @ Wr.T


def reference(x, edge_index, Wl1, bl1, Wr1, Wl2, bl2, Wr2, Wfc, bfc):
    num_nodes = x.shape[0]
    x = jnp.nan_to_num(x, nan=0.0)
    # eval mode: dropout is identity
    h = jax.nn.relu(sage_conv(x, edge_index, Wl1, bl1, Wr1))
    h = jax.nn.relu(sage_conv(h, edge_index, Wl2, bl2, Wr2))
    pred = (h @ Wfc.T + bfc).squeeze(-1)
    assert pred.shape == (num_nodes,)
    return pred

if __name__ == "__main__":
    import jax
    _d = setup_inputs()
    print(jax.jit(kernel)(*tuple(_d.values())))

</pallas_src>

<mosaic_0001>
#map = affine_map<(d0, d1) -> (0, 0)>
#map1 = affine_map<(d0, d1) -> (0, 0, 0, 0)>
module attributes {stable_mosaic.version = 14 : i64} {
  func.func @_seg_sum(%arg0: i32, %arg1: i32, %arg2: memref<10000x64xbf16, #tpu.memory_space<hbm>>, %arg3: memref<2x32x125x80xi32, #tpu.memory_space<hbm>>, %arg4: memref<640x64xbf16, #tpu.memory_space<hbm>>, %arg5: memref<20480x64xbf16, #tpu.memory_space<hbm>>, %arg6: memref<125x80xi32, #tpu.memory_space<vmem>>, %arg7: memref<125x80xi32, #tpu.memory_space<vmem>>, %arg8: memref<5x80x64xbf16, #tpu.memory_space<vmem>>, %arg9: memref<10240x64xbf16, #tpu.memory_space<vmem_shared>>, %arg10: memref<5x!tpu.dma_semaphore, #tpu.memory_space<semaphore_mem>>, %arg11: memref<5x!tpu.dma_semaphore, #tpu.memory_space<semaphore_mem>>) attributes {dimension_semantics = [#tpu.dimension_semantics<core_parallel>, #tpu.dimension_semantics<subcore_parallel>], iteration_bounds = array<i64: 2, 16>, scalar_prefetch = 0 : i64, scratch_operands = 6 : i64, tpu.core_type = #tpu.core_type<sc_vector_subcore>, window_params = [{transform_indices = #map}, {transform_indices = #map1}, {transform_indices = #map}, {transform_indices = #map}]} {
    %mul3A = arith.constant 16 : i32
    %mul3A_0 = arith.muli %arg0, %mul3A : i32
    %add3A = arith.addi %mul3A_0, %arg1 : i32
    %mul3A_1 = arith.constant 640 : i32
    %mul3A_2 = arith.muli %arg1, %mul3A_1 : i32
    "tpu.region"() ({
      %run_scoped3A_146 = tpu.sem_alloc : memref<!tpu.dma_semaphore, #tpu.memory_space<semaphore_mem>>
      %dma_start3A_147 = arith.constant 0 : i32
      %dma_start3A_148 = tpu.memref_slice %arg9[%mul3A_2, %dma_start3A_147] : memref<10240x64xbf16, #tpu.memory_space<vmem_shared>> -> memref<640x64xbf16, #tpu.memory_space<vmem_shared>>
      tpu.enqueue_dma source(%arg4 : memref<640x64xbf16, #tpu.memory_space<hbm>>) target(%dma_start3A_148 : memref<640x64xbf16, #tpu.memory_space<vmem_shared>>) target_semaphore(%run_scoped3A_146 : memref<!tpu.dma_semaphore, #tpu.memory_space<semaphore_mem>>)
      %dma_wait3A_149 = arith.constant 0 : i32
      %dma_wait3A_150 = tpu.memref_slice %arg9[%mul3A_2, %dma_wait3A_149] : memref<10240x64xbf16, #tpu.memory_space<vmem_shared>> -> memref<640x64xbf16, #tpu.memory_space<vmem_shared>>
      tpu.wait_dma2 semaphore(%run_scoped3A_146 : memref<!tpu.dma_semaphore, #tpu.memory_space<semaphore_mem>>) src(%arg4 : memref<640x64xbf16, #tpu.memory_space<hbm>>) dst(%dma_wait3A_150 : memref<640x64xbf16, #tpu.memory_space<vmem_shared>>)
      tpu.yield
    }) : () -> ()
    %run_scoped3A = arith.constant 0 : i32
    "tpu.region"() ({
      %run_scoped3A_146 = tpu.sem_alloc : memref<!tpu.dma_semaphore, #tpu.memory_space<semaphore_mem>>
      %dma_start3A_147 = arith.constant 0 : i32
      %dma_start3A_148 = arith.constant 0 : i32
      %dma_start3A_149 = tpu.memref_slice %arg3[%run_scoped3A, %add3A, %dma_start3A_147, %dma_start3A_148] : memref<2x32x125x80xi32, #tpu.memory_space<hbm>> -> memref<1x1x125x80xi32, #tpu.memory_space<hbm>>
      %dma_start3A_150 = tpu.memref_squeeze %dma_start3A_149 : memref<1x1x125x80xi32, #tpu.memory_space<hbm>> -> memref<125x80xi32, #tpu.memory_space<hbm>>
      %dma_start3A_151 = arith.constant 0 : i32
      %dma_start3A_152 = arith.constant 0 : i32
      %dma_start3A_153 = tpu.memref_slice %arg3[%run_scoped3A, %add3A, %dma_start3A_151, %dma_start3A_152] : memref<2x32x125x80xi32, #tpu.memory_space<hbm>> -> memref<1x1x125x80xi32, #tpu.memory_space<hbm>>
      %dma_start3A_154 = tpu.memref_squeeze %dma_start3A_153 : memref<1x1x125x80xi32, #tpu.memory_space<hbm>> -> memref<125x80xi32, #tpu.memory_space<hbm>>
      tpu.enqueue_dma source(%dma_start3A_154 : memref<125x80xi32, #tpu.memory_space<hbm>>) target(%arg6 : memref<125x80xi32, #tpu.memory_space<vmem>>) target_semaphore(%run_scoped3A_146 : memref<!tpu.dma_semaphore, #tpu.memory_space<semaphore_mem>>)
      %dma_wait3A_155 = arith.constant 0 : i32
      %dma_wait3A_156 = arith.constant 0 : i32
      %dma_wait3A_157 = tpu.memref_slice %arg3[%run_scoped3A, %add3A, %dma_wait3A_155, %dma_wait3A_156] : memref<2x32x125x80xi32, #tpu.memory_space<hbm>> -> memref<1x1x125x80xi32, #tpu.memory_space<hbm>>
      %dma_wait3A_158 = tpu.memref_squeeze %dma_wait3A_157 : memref<1x1x125x80xi32, #tpu.memory_space<hbm>> -> memref<125x80xi32, #tpu.memory_space<hbm>>
      %dma_wait3A_159 = arith.constant 0 : i32
      %dma_wait3A_160 = arith.constant 0 : i32
      %dma_wait3A_161 = tpu.memref_slice %arg3[%run_scoped3A, %add3A, %dma_wait3A_159, %dma_wait3A_160] : memref<2x32x125x80xi32, #tpu.memory_space<hbm>> -> memref<1x1x125x80xi32, #tpu.memory_space<hbm>>
      %dma_wait3A_162 = tpu.memref_squeeze %dma_wait3A_161 : memref<1x1x125x80xi32, #tpu.memory_space<hbm>> -> memref<125x80xi32, #tpu.memory_space<hbm>>
      tpu.wait_dma2 semaphore(%run_scoped3A_146 : memref<!tpu.dma_semaphore, #tpu.memory_space<semaphore_mem>>) src(%dma_wait3A_162 : memref<125x80xi32, #tpu.memory_space<hbm>>) dst(%arg6 : memref<125x80xi32, #tpu.memory_space<vmem>>)
      tpu.yield
    }) : () -> ()
    %run_scoped3A_3 = arith.constant 1 : i32
    "tpu.region"() ({
      %run_scoped3A_146 = tpu.sem_alloc : memref<!tpu.dma_semaphore, #tpu.memory_space<semaphore_mem>>
      %dma_start3A_147 = arith.constant 0 : i32
      %dma_start3A_148 = arith.constant 0 : i32
      %dma_start3A_149 = tpu.memref_slice %arg3[%run_scoped3A_3, %add3A, %dma_start3A_147, %dma_start3A_148] : memref<2x32x125x80xi32, #tpu.memory_space<hbm>> -> memref<1x1x125x80xi32, #tpu.memory_space<hbm>>
      %dma_start3A_150 = tpu.memref_squeeze %dma_start3A_149 : memref<1x1x125x80xi32, #tpu.memory_space<hbm>> -> memref<125x80xi32, #tpu.memory_space<hbm>>
      %dma_start3A_151 = arith.constant 0 : i32
      %dma_start3A_152 = arith.constant 0 : i32
      %dma_start3A_153 = tpu.memref_slice %arg3[%run_scoped3A_3, %add3A, %dma_start3A_151, %dma_start3A_152] : memref<2x32x125x80xi32, #tpu.memory_space<hbm>> -> memref<1x1x125x80xi32, #tpu.memory_space<hbm>>
      %dma_start3A_154 = tpu.memref_squeeze %dma_start3A_153 : memref<1x1x125x80xi32, #tpu.memory_space<hbm>> -> memref<125x80xi32, #tpu.memory_space<hbm>>
      tpu.enqueue_dma source(%dma_start3A_154 : memref<125x80xi32, #tpu.memory_space<hbm>>) target(%arg7 : memref<125x80xi32, #tpu.memory_space<vmem>>) target_semaphore(%run_scoped3A_146 : memref<!tpu.dma_semaphore, #tpu.memory_space<semaphore_mem>>)
      %dma_wait3A_155 = arith.constant 0 : i32
      %dma_wait3A_156 = arith.constant 0 : i32
      %dma_wait3A_157 = tpu.memref_slice %arg3[%run_scoped3A_3, %add3A, %dma_wait3A_155, %dma_wait3A_156] : memref<2x32x125x80xi32, #tpu.memory_space<hbm>> -> memref<1x1x125x80xi32, #tpu.memory_space<hbm>>
      %dma_wait3A_158 = tpu.memref_squeeze %dma_wait3A_157 : memref<1x1x125x80xi32, #tpu.memory_space<hbm>> -> memref<125x80xi32, #tpu.memory_space<hbm>>
      %dma_wait3A_159 = arith.constant 0 : i32
      %dma_wait3A_160 = arith.constant 0 : i32
      %dma_wait3A_161 = tpu.memref_slice %arg3[%run_scoped3A_3, %add3A, %dma_wait3A_159, %dma_wait3A_160] : memref<2x32x125x80xi32, #tpu.memory_space<hbm>> -> memref<1x1x125x80xi32, #tpu.memory_space<hbm>>
      %dma_wait3A_162 = tpu.memref_squeeze %dma_wait3A_161 : memref<1x1x125x80xi32, #tpu.memory_space<hbm>> -> memref<125x80xi32, #tpu.memory_space<hbm>>
      tpu.wait_dma2 semaphore(%run_scoped3A_146 : memref<!tpu.dma_semaphore, #tpu.memory_space<semaphore_mem>>) src(%dma_wait3A_162 : memref<125x80xi32, #tpu.memory_space<hbm>>) dst(%arg7 : memref<125x80xi32, #tpu.memory_space<vmem>>)
      tpu.yield
    }) : () -> ()
    %barrier3A = arith.constant 0 : index
    tpu.barrier barrier_id(%barrier3A)
    %mul3A_4 = arith.constant 10240 : i32
    %mul3A_5 = arith.muli %arg0, %mul3A_4 : i32
    %add3A_6 = arith.addi %mul3A_5, %mul3A_2 : i32
    %dma_start3A = arith.constant 0 : i32
    %dma_start3A_7 = arith.constant 0 : i32
    %dma_start3A_8 = arith.constant 0 : i32
    %dma_start3A_9 = arith.constant 0 : i32
    %dma_start3A_10 = arith.constant 0 : i32
    %dma_start3A_11 = tpu.memref_slice %arg8[%dma_start3A_7, %dma_start3A_9, %dma_start3A_10] : memref<5x80x64xbf16, #tpu.memory_space<vmem>> -> memref<1x80x64xbf16, #tpu.memory_space<vmem>>
    %dma_start3A_12 = tpu.memref_squeeze %dma_start3A_11 : memref<1x80x64xbf16, #tpu.memory_space<vmem>> -> memref<80x64xbf16, #tpu.memory_space<vmem>>
    %dma_start3A_13 = arith.constant 0 : i32
    %dma_start3A_14 = tpu.memref_slice %arg6[%dma_start3A, %dma_start3A_13] : memref<125x80xi32, #tpu.memory_space<vmem>> -> memref<1x80xi32, #tpu.memory_space<vmem>>
    %dma_start3A_15 = tpu.memref_squeeze %dma_start3A_14 : memref<1x80xi32, #tpu.memory_space<vmem>> -> memref<80xi32, #tpu.memory_space<vmem>>
    %dma_start3A_16 = arith.constant 0 : i32
    %dma_start3A_17 = arith.constant 0 : i32
    %dma_start3A_18 = tpu.memref_slice %arg2[%dma_start3A_16, %dma_start3A_17] : memref<10000x64xbf16, #tpu.memory_space<hbm>> -> memref<10000x64xbf16, #tpu.memory_space<hbm>>
    %dma_start3A_19 = tpu.memref_slice %arg10[%dma_start3A_8] : memref<5x!tpu.dma_semaphore, #tpu.memory_space<semaphore_mem>> -> memref<1x!tpu.dma_semaphore, #tpu.memory_space<semaphore_mem>>
    %dma_start3A_20 = tpu.memref_squeeze %dma_start3A_19 : memref<1x!tpu.dma_semaphore, #tpu.memory_space<semaphore_mem>> -> memref<!tpu.dma_semaphore, #tpu.memory_space<semaphore_mem>>
    tpu.enqueue_indirect_dma source(%dma_start3A_18 : memref<10000x64xbf16, #tpu.memory_space<hbm>>) target(%dma_start3A_12 : memref<80x64xbf16, #tpu.memory_space<vmem>>) offsets(%dma_start3A_15 : memref<80xi32, #tpu.memory_space<vmem>>) semaphore(%dma_start3A_20 : memref<!tpu.dma_semaphore, #tpu.memory_space<semaphore_mem>>)
    %dma_start3A_21 = arith.constant 1 : i32
    %dma_start3A_22 = arith.constant 1 : i32
    %dma_start3A_23 = arith.constant 1 : i32
    %dma_start3A_24 = arith.constant 0 : i32
    %dma_start3A_25 = arith.constant 0 : i32
    %dma_start3A_26 = tpu.memref_slice %arg8[%dma_start3A_22, %dma_start3A_24, %dma_start3A_25] : memref<5x80x64xbf16, #tpu.memory_space<vmem>> -> memref<1x80x64xbf16, #tpu.memory_space<vmem>>
    %dma_start3A_27 = tpu.memref_squeeze %dma_start3A_26 : memref<1x80x64xbf16, #tpu.memory_space<vmem>> -> memref<80x64xbf16, #tpu.memory_space<vmem>>
    %dma_start3A_28 = arith.constant 0 : i32
    %dma_start3A_29 = tpu.memref_slice %arg6[%dma_start3A_21, %dma_start3A_28] : memref<125x80xi32, #tpu.memory_space<vmem>> -> memref<1x80xi32, #tpu.memory_space<vmem>>
    %dma_start3A_30 = tpu.memref_squeeze %dma_start3A_29 : memref<1x80xi32, #tpu.memory_space<vmem>> -> memref<80xi32, #tpu.memory_space<vmem>>
    %dma_start3A_31 = arith.constant 0 : i32
    %dma_start3A_32 = arith.constant 0 : i32
    %dma_start3A_33 = tpu.memref_slice %arg2[%dma_start3A_31, %dma_start3A_32] : memref<10000x64xbf16, #tpu.memory_space<hbm>> -> memref<10000x64xbf16, #tpu.memory_space<hbm>>
    %dma_start3A_34 = tpu.memref_slice %arg10[%dma_start3A_23] : memref<5x!tpu.dma_semaphore, #tpu.memory_space<semaphore_mem>> -> memref<1x!tpu.dma_semaphore, #tpu.memory_space<semaphore_mem>>
    %dma_start3A_35 = tpu.memref_squeeze %dma_start3A_34 : memref<1x!tpu.dma_semaphore, #tpu.memory_space<semaphore_mem>> -> memref<!tpu.dma_semaphore, #tpu.memory_space<semaphore_mem>>
    tpu.enqueue_indirect_dma source(%dma_start3A_33 : memref<10000x64xbf16, #tpu.memory_space<hbm>>) target(%dma_start3A_27 : memref<80x64xbf16, #tpu.memory_space<vmem>>) offsets(%dma_start3A_30 : memref<80xi32, #tpu.memory_space<vmem>>) semaphore(%dma_start3A_35 : memref<!tpu.dma_semaphore, #tpu.memory_space<semaphore_mem>>)
    %dma_start3A_36 = arith.constant 2 : i32
    %dma_start3A_37 = arith.constant 2 : i32
    %dma_start3A_38 = arith.constant 2 : i32
    %dma_start3A_39 = arith.constant 0 : i32
    %dma_start3A_40 = arith.constant 0 : i32
    %dma_start3A_41 = tpu.memref_slice %arg8[%dma_start3A_37, %dma_start3A_39, %dma_start3A_40] : memref<5x80x64xbf16, #tpu.memory_space<vmem>> -> memref<1x80x64xbf16, #tpu.memory_space<vmem>>
    %dma_start3A_42 = tpu.memref_squeeze %dma_start3A_41 : memref<1x80x64xbf16, #tpu.memory_space<vmem>> -> memref<80x64xbf16, #tpu.memory_space<vmem>>
    %dma_start3A_43 = arith.constant 0 : i32
    %dma_start3A_44 = tpu.memref_slice %arg6[%dma_start3A_36, %dma_start3A_43] : memref<125x80xi32, #tpu.memory_space<vmem>> -> memref<1x80xi32, #tpu.memory_space<vmem>>
    %dma_start3A_45 = tpu.memref_squeeze %dma_start3A_44 : memref<1x80xi32, #tpu.memory_space<vmem>> -> memref<80xi32, #tpu.memory_space<vmem>>
    %dma_start3A_46 = arith.constant 0 : i32
    %dma_start3A_47 = arith.constant 0 : i32
    %dma_start3A_48 = tpu.memref_slice %arg2[%dma_start3A_46, %dma_start3A_47] : memref<10000x64xbf16, #tpu.memory_space<hbm>> -> memref<10000x64xbf16, #tpu.memory_space<hbm>>
    %dma_start3A_49 = tpu.memref_slice %arg10[%dma_start3A_38] : memref<5x!tpu.dma_semaphore, #tpu.memory_space<semaphore_mem>> -> memref<1x!tpu.dma_semaphore, #tpu.memory_space<semaphore_mem>>
    %dma_start3A_50 = tpu.memref_squeeze %dma_start3A_49 : memref<1x!tpu.dma_semaphore, #tpu.memory_space<semaphore_mem>> -> memref<!tpu.dma_semaphore, #tpu.memory_space<semaphore_mem>>
    tpu.enqueue_indirect_dma source(%dma_start3A_48 : memref<10000x64xbf16, #tpu.memory_space<hbm>>) target(%dma_start3A_42 : memref<80x64xbf16, #tpu.memory_space<vmem>>) offsets(%dma_start3A_45 : memref<80xi32, #tpu.memory_space<vmem>>) semaphore(%dma_start3A_50 : memref<!tpu.dma_semaphore, #tpu.memory_space<semaphore_mem>>)
    %dma_start3A_51 = arith.constant 3 : i32
    %dma_start3A_52 = arith.constant 3 : i32
    %dma_start3A_53 = arith.constant 3 : i32
    %dma_start3A_54 = arith.constant 0 : i32
    %dma_start3A_55 = arith.constant 0 : i32
    %dma_start3A_56 = tpu.memref_slice %arg8[%dma_start3A_52, %dma_start3A_54, %dma_start3A_55] : memref<5x80x64xbf16, #tpu.memory_space<vmem>> -> memref<1x80x64xbf16, #tpu.memory_space<vmem>>
    %dma_start3A_57 = tpu.memref_squeeze %dma_start3A_56 : memref<1x80x64xbf16, #tpu.memory_space<vmem>> -> memref<80x64xbf16, #tpu.memory_space<vmem>>
    %dma_start3A_58 = arith.constant 0 : i32
    %dma_start3A_59 = tpu.memref_slice %arg6[%dma_start3A_51, %dma_start3A_58] : memref<125x80xi32, #tpu.memory_space<vmem>> -> memref<1x80xi32, #tpu.memory_space<vmem>>
    %dma_start3A_60 = tpu.memref_squeeze %dma_start3A_59 : memref<1x80xi32, #tpu.memory_space<vmem>> -> memref<80xi32, #tpu.memory_space<vmem>>
    %dma_start3A_61 = arith.constant 0 : i32
    %dma_start3A_62 = arith.constant 0 : i32
    %dma_start3A_63 = tpu.memref_slice %arg2[%dma_start3A_61, %dma_start3A_62] : memref<10000x64xbf16, #tpu.memory_space<hbm>> -> memref<10000x64xbf16, #tpu.memory_space<hbm>>
    %dma_start3A_64 = tpu.memref_slice %arg10[%dma_start3A_53] : memref<5x!tpu.dma_semaphore, #tpu.memory_space<semaphore_mem>> -> memref<1x!tpu.dma_semaphore, #tpu.memory_space<semaphore_mem>>
    %dma_start3A_65 = tpu.memref_squeeze %dma_start3A_64 : memref<1x!tpu.dma_semaphore, #tpu.memory_space<semaphore_mem>> -> memref<!tpu.dma_semaphore, #tpu.memory_space<semaphore_mem>>
    tpu.enqueue_indirect_dma source(%dma_start3A_63 : memref<10000x64xbf16, #tpu.memory_space<hbm>>) target(%dma_start3A_57 : memref<80x64xbf16, #tpu.memory_space<vmem>>) offsets(%dma_start3A_60 : memref<80xi32, #tpu.memory_space<vmem>>) semaphore(%dma_start3A_65 : memref<!tpu.dma_semaphore, #tpu.memory_space<semaphore_mem>>)
    %scan3A = arith.constant 0 : i32
    %scan3A_66 = arith.constant 0 : i32
    %scan3A_67 = arith.constant 25 : i32
    %scan3A_68 = arith.addi %scan3A_66, %scan3A_67 : i32
    %scan3A_69 = arith.constant 1 : i32
    scf.for %scan3A_146 = %scan3A_66 to %scan3A_68 step %scan3A_69  : i32 {
      %mul3A_147 = arith.constant 5 : i32
      %mul3A_148 = arith.muli %scan3A_146, %mul3A_147 : i32
      %add3A_149 = arith.constant 0 : i32
      %add3A_150 = arith.addi %mul3A_148, %add3A_149 : i32
      %add3A_151 = arith.constant 4 : i32
      %add3A_152 = arith.addi %add3A_150, %add3A_151 : i32
      %lt3A = arith.constant 125 : i32
      %lt3A_153 = arith.cmpi slt, %add3A_152, %lt3A : i32
      %convert_element_type3A = arith.extui %lt3A_153 : i1 to i32
      %cond3A = arith.constant 0 : i32
      %cond3A_154 = arith.cmpi ne, %convert_element_type3A, %cond3A : i32
      scf.if %cond3A_154 {
        %ge3A = arith.constant 5 : i32
        %ge3A_339 = arith.cmpi sge, %add3A_152, %ge3A : i32
        %convert_element_type3A_340 = arith.extui %ge3A_339 : i1 to i32
        %cond3A_341 = arith.constant 0 : i32
        %cond3A_342 = arith.cmpi ne, %convert_element_type3A_340, %cond3A_341 : i32
        scf.if %cond3A_342 {
          %sub3A = arith.constant 5 : i32
          %sub3A_357 = arith.subi %add3A_152, %sub3A : i32
          %dma_wait3A_358 = arith.constant 4 : i32
          %dma_wait3A_359 = arith.constant 4 : i32
          %dma_wait3A_360 = arith.constant 0 : i32
          %dma_wait3A_361 = arith.constant 0 : i32
          %dma_wait3A_362 = tpu.memref_slice %arg8[%dma_wait3A_358, %dma_wait3A_360, %dma_wait3A_361] : memref<5x80x64xbf16, #tpu.memory_space<vmem>> -> memref<1x80x64xbf16, #tpu.memory_space<vmem>>
          %dma_wait3A_363 = tpu.memref_squeeze %dma_wait3A_362 : memref<1x80x64xbf16, #tpu.memory_space<vmem>> -> memref<80x64xbf16, #tpu.memory_space<vmem>>
          %dma_wait3A_364 = arith.constant 0 : i32
          %dma_wait3A_365 = tpu.memref_slice %arg7[%sub3A_357, %dma_wait3A_364] : memref<125x80xi32, #tpu.memory_space<vmem>> -> memref<1x80xi32, #tpu.memory_space<vmem>>
          %dma_wait3A_366 = tpu.memref_squeeze %dma_wait3A_365 : memref<1x80xi32, #tpu.memory_space<vmem>> -> memref<80xi32, #tpu.memory_space<vmem>>
          %dma_wait3A_367 = arith.constant 0 : i32
          %dma_wait3A_368 = arith.constant 0 : i32
          %dma_wait3A_369 = tpu.memref_slice %arg9[%dma_wait3A_367, %dma_wait3A_368] : memref<10240x64xbf16, #tpu.memory_space<vmem_shared>> -> memref<10240x64xbf16, #tpu.memory_space<vmem_shared>>
          %dma_wait3A_370 = tpu.memref_slice %arg11[%dma_wait3A_359] : memref<5x!tpu.dma_semaphore, #tpu.memory_space<semaphore_mem>> -> memref<1x!tpu.dma_semaphore, #tpu.memory_space<semaphore_mem>>
          %dma_wait3A_371 = tpu.memref_squeeze %dma_wait3A_370 : memref<1x!tpu.dma_semaphore, #tpu.memory_space<semaphore_mem>> -> memref<!tpu.dma_semaphore, #tpu.memory_space<semaphore_mem>>
          tpu.wait_indirect_dma semaphore(%dma_wait3A_371 : memref<!tpu.dma_semaphore, #tpu.memory_space<semaphore_mem>>) src(%dma_wait3A_363 : memref<80x64xbf16, #tpu.memory_space<vmem>>) dst(%dma_wait3A_369 : memref<10240x64xbf16, #tpu.memory_space<vmem_shared>>)
        } else {
        }
        %dma_start3A_343 = arith.constant 4 : i32
        %dma_start3A_344 = arith.constant 4 : i32
        %dma_start3A_345 = arith.constant 0 : i32
        %dma_start3A_346 = arith.constant 0 : i32
        %dma_start3A_347 = tpu.memref_slice %arg8[%dma_start3A_343, %dma_start3A_345, %dma_start3A_346] : memref<5x80x64xbf16, #tpu.memory_space<vmem>> -> memref<1x80x64xbf16, #tpu.memory_space<vmem>>
        %dma_start3A_348 = tpu.memref_squeeze %dma_start3A_347 : memref<1x80x64xbf16, #tpu.memory_space<vmem>> -> memref<80x64xbf16, #tpu.memory_space<vmem>>
        %dma_start3A_349 = arith.constant 0 : i32
        %dma_start3A_350 = tpu.memref_slice %arg6[%add3A_152, %dma_start3A_349] : memref<125x80xi32, #tpu.memory_space<vmem>> -> memref<1x80xi32, #tpu.memory_space<vmem>>
        %dma_start3A_351 = tpu.memref_squeeze %dma_start3A_350 : memref<1x80xi32, #tpu.memory_space<vmem>> -> memref<80xi32, #tpu.memory_space<vmem>>
        %dma_start3A_352 = arith.constant 0 : i32
        %dma_start3A_353 = arith.constant 0 : i32
        %dma_start3A_354 = tpu.memref_slice %arg2[%dma_start3A_352, %dma_start3A_353] : memref<10000x64xbf16, #tpu.memory_space<hbm>> -> memref<10000x64xbf16, #tpu.memory_space<hbm>>
        %dma_start3A_355 = tpu.memref_slice %arg10[%dma_start3A_344] : memref<5x!tpu.dma_semaphore, #tpu.memory_space<semaphore_mem>> -> memref<1x!tpu.dma_semaphore, #tpu.memory_space<semaphore_mem>>
        %dma_start3A_356 = tpu.memref_squeeze %dma_start3A_355 : memref<1x!tpu.dma_semaphore, #tpu.memory_space<semaphore_mem>> -> memref<!tpu.dma_semaphore, #tpu.memory_space<semaphore_mem>>
        tpu.enqueue_indirect_dma source(%dma_start3A_354 : memref<10000x64xbf16, #tpu.memory_space<hbm>>) target(%dma_start3A_348 : memref<80x64xbf16, #tpu.memory_space<vmem>>) offsets(%dma_start3A_351 : memref<80xi32, #tpu.memory_space<vmem>>) semaphore(%dma_start3A_356 : memref<!tpu.dma_semaphore, #tpu.memory_space<semaphore_mem>>)
      } else {
      }
      %dma_wait3A_155 = arith.constant 0 : i32
      %dma_wait3A_156 = arith.constant 0 : i32
      %dma_wait3A_157 = arith.constant 0 : i32
      %dma_wait3A_158 = arith.constant 0 : i32
      %dma_wait3A_159 = tpu.memref_slice %arg8[%dma_wait3A_155, %dma_wait3A_157, %dma_wait3A_158] : memref<5x80x64xbf16, #tpu.memory_space<vmem>> -> memref<1x80x64xbf16, #tpu.memory_space<vmem>>
      %dma_wait3A_160 = tpu.memref_squeeze %dma_wait3A_159 : memref<1x80x64xbf16, #tpu.memory_space<vmem>> -> memref<80x64xbf16, #tpu.memory_space<vmem>>
      %dma_wait3A_161 = arith.constant 0 : i32
      %dma_wait3A_162 = tpu.memref_slice %arg6[%add3A_150, %dma_wait3A_161] : memref<125x80xi32, #tpu.memory_space<vmem>> -> memref<1x80xi32, #tpu.memory_space<vmem>>
      %dma_wait3A_163 = tpu.memref_squeeze %dma_wait3A_162 : memref<1x80xi32, #tpu.memory_space<vmem>> -> memref<80xi32, #tpu.memory_space<vmem>>
      %dma_wait3A_164 = arith.constant 0 : i32
      %dma_wait3A_165 = arith.constant 0 : i32
      %dma_wait3A_166 = tpu.memref_slice %arg2[%dma_wait3A_164, %dma_wait3A_165] : memref<10000x64xbf16, #tpu.memory_space<hbm>> -> memref<10000x64xbf16, #tpu.memory_space<hbm>>
      %dma_wait3A_167 = tpu.memref_slice %arg10[%dma_wait3A_156] : memref<5x!tpu.dma_semaphore, #tpu.memory_space<semaphore_mem>> -> memref<1x!tpu.dma_semaphore, #tpu.memory_space<semaphore_mem>>
      %dma_wait3A_168 = tpu.memref_squeeze %dma_wait3A_167 : memref<1x!tpu.dma_semaphore, #tpu.memory_space<semaphore_mem>> -> memref<!tpu.dma_semaphore, #tpu.memory_space<semaphore_mem>>
      tpu.wait_indirect_dma semaphore(%dma_wait3A_168 : memref<!tpu.dma_semaphore, #tpu.memory_space<semaphore_mem>>) src(%dma_wait3A_166 : memref<10000x64xbf16, #tpu.memory_space<hbm>>) dst(%dma_wait3A_160 : memref<80x64xbf16, #tpu.memory_space<vmem>>)
      %dma_start3A_169 = arith.constant 0 : i32
      %dma_start3A_170 = arith.constant 0 : i32
      %dma_start3A_171 = arith.constant 0 : i32
      %dma_start3A_172 = arith.constant 0 : i32
      %dma_start3A_173 = tpu.memref_slice %arg8[%dma_start3A_169, %dma_start3A_171, %dma_start3A_172] : memref<5x80x64xbf16, #tpu.memory_space<vmem>> -> memref<1x80x64xbf16, #tpu.memory_space<vmem>>
      %dma_start3A_174 = tpu.memref_squeeze %dma_start3A_173 : memref<1x80x64xbf16, #tpu.memory_space<vmem>> -> memref<80x64xbf16, #tpu.memory_space<vmem>>
      %dma_start3A_175 = arith.constant 0 : i32
      %dma_start3A_176 = tpu.memref_slice %arg7[%add3A_150, %dma_start3A_175] : memref<125x80xi32, #tpu.memory_space<vmem>> -> memref<1x80xi32, #tpu.memory_space<vmem>>
      %dma_start3A_177 = tpu.memref_squeeze %dma_start3A_176 : memref<1x80xi32, #tpu.memory_space<vmem>> -> memref<80xi32, #tpu.memory_space<vmem>>
      %dma_start3A_178 = arith.constant 0 : i32
      %dma_start3A_179 = arith.constant 0 : i32
      %dma_start3A_180 = tpu.memref_slice %arg9[%dma_start3A_178, %dma_start3A_179] : memref<10240x64xbf16, #tpu.memory_space<vmem_shared>> -> memref<10240x64xbf16, #tpu.memory_space<vmem_shared>>
      %dma_start3A_181 = tpu.memref_slice %arg11[%dma_start3A_170] : memref<5x!tpu.dma_semaphore, #tpu.memory_space<semaphore_mem>> -> memref<1x!tpu.dma_semaphore, #tpu.memory_space<semaphore_mem>>
      %dma_start3A_182 = tpu.memref_squeeze %dma_start3A_181 : memref<1x!tpu.dma_semaphore, #tpu.memory_space<semaphore_mem>> -> memref<!tpu.dma_semaphore, #tpu.memory_space<semaphore_mem>>
      tpu.enqueue_indirect_dma source(%dma_start3A_174 : memref<80x64xbf16, #tpu.memory_space<vmem>>) target(%dma_start3A_180 : memref<10240x64xbf16, #tpu.memory_space<vmem_shared>>) offsets(%dma_start3A_177 : memref<80xi32, #tpu.memory_space<vmem>>) semaphore(%dma_start3A_182 : memref<!tpu.dma_semaphore, #tpu.memory_space<semaphore_mem>>) {add = true}
      %mul3A_183 = arith.constant 5 : i32
      %mul3A_184 = arith.muli %scan3A_146, %mul3A_183 : i32
      %add3A_185 = arith.constant 1 : i32
      %add3A_186 = arith.addi %mul3A_184, %add3A_185 : i32
      %add3A_187 = arith.constant 4 : i32
      %add3A_188 = arith.addi %add3A_186, %add3A_187 : i32
      %lt3A_189 = arith.constant 125 : i32
      %lt3A_190 = arith.cmpi slt, %add3A_188, %lt3A_189 : i32
      %convert_element_type3A_191 = arith.extui %lt3A_190 : i1 to i32
      %cond3A_192 = arith.constant 0 : i32
      %cond3A_193 = arith.cmpi ne, %convert_element_type3A_191, %cond3A_192 : i32
      scf.if %cond3A_193 {
        %ge3A = arith.constant 5 : i32
        %ge3A_339 = arith.cmpi sge, %add3A_188, %ge3A : i32
        %convert_element_type3A_340 = arith.extui %ge3A_339 : i1 to i32
        %cond3A_341 = arith.constant 0 : i32
        %cond3A_342 = arith.cmpi ne, %convert_element_type3A_340, %cond3A_341 : i32
        scf.if %cond3A_342 {
          %sub3A = arith.constant 5 : i32
          %sub3A_357 = arith.subi %add3A_188, %sub3A : i32
          %dma_wait3A_358 = arith.constant 0 : i32
          %dma_wait3A_359 = arith.constant 0 : i32
          %dma_wait3A_360 = arith.constant 0 : i32
          %dma_wait3A_361 = arith.constant 0 : i32
          %dma_wait3A_362 = tpu.memref_slice %arg8[%dma_wait3A_358, %dma_wait3A_360, %dma_wait3A_361] : memref<5x80x64xbf16, #tpu.memory_space<vmem>> -> memref<1x80x64xbf16, #tpu.memory_space<vmem>>
          %dma_wait3A_363 = tpu.memref_squeeze %dma_wait3A_362 : memref<1x80x64xbf16, #tpu.memory_space<vmem>> -> memref<80x64xbf16, #tpu.memory_space<vmem>>
          %dma_wait3A_364 = arith.constant 0 : i32
          %dma_wait3A_365 = tpu.memref_slice %arg7[%sub3A_357, %dma_wait3A_364] : memref<125x80xi32, #tpu.memory_space<vmem>> -> memref<1x80xi32, #tpu.memory_space<vmem>>
          %dma_wait3A_366 = tpu.memref_squeeze %dma_wait3A_365 : memref<1x80xi32, #tpu.memory_space<vmem>> -> memref<80xi32, #tpu.memory_space<vmem>>
          %dma_wait3A_367 = arith.constant 0 : i32
          %dma_wait3A_368 = arith.constant 0 : i32
          %dma_wait3A_369 = tpu.memref_slice %arg9[%dma_wait3A_367, %dma_wait3A_368] : memref<10240x64xbf16, #tpu.memory_space<vmem_shared>> -> memref<10240x64xbf16, #tpu.memory_space<vmem_shared>>
          %dma_wait3A_370 = tpu.memref_slice %arg11[%dma_wait3A_359] : memref<5x!tpu.dma_semaphore, #tpu.memory_space<semaphore_mem>> -> memref<1x!tpu.dma_semaphore, #tpu.memory_space<semaphore_mem>>
          %dma_wait3A_371 = tpu.memref_squeeze %dma_wait3A_370 : memref<1x!tpu.dma_semaphore, #tpu.memory_space<semaphore_mem>> -> memref<!tpu.dma_semaphore, #tpu.memory_space<semaphore_mem>>
          tpu.wait_indirect_dma semaphore(%dma_wait3A_371 : memref<!tpu.dma_semaphore, #tpu.memory_space<semaphore_mem>>) src(%dma_wait3A_363 : memref<80x64xbf16, #tpu.memory_space<vmem>>) dst(%dma_wait3A_369 : memref<10240x64xbf16, #tpu.memory_space<vmem_shared>>)
        } else {
        }
        %dma_start3A_343 = arith.constant 0 : i32
        %dma_start3A_344 = arith.constant 0 : i32
        %dma_start3A_345 = arith.constant 0 : i32
        %dma_start3A_346 = arith.constant 0 : i32
        %dma_start3A_347 = tpu.memref_slice %arg8[%dma_start3A_343, %dma_start3A_345, %dma_start3A_346] : memref<5x80x64xbf16, #tpu.memory_space<vmem>> -> memref<1x80x64xbf16, #tpu.memory_space<vmem>>
        %dma_start3A_348 = tpu.memref_squeeze %dma_start3A_347 : memref<1x80x64xbf16, #tpu.memory_space<vmem>> -> memref<80x64xbf16, #tpu.memory_space<vmem>>
        %dma_start3A_349 = arith.constant 0 : i32
        %dma_start3A_350 = tpu.memref_slice %arg6[%add3A_188, %dma_start3A_349] : memref<125x80xi32, #tpu.memory_space<vmem>> -> memref<1x80xi32, #tpu.memory_space<vmem>>
        %dma_start3A_351 = tpu.memref_squeeze %dma_start3A_350 : memref<1x80xi32, #tpu.memory_space<vmem>> -> memref<80xi32, #tpu.memory_space<vmem>>
        %dma_start3A_352 = arith.constant 0 : i32
        %dma_start3A_353 = arith.constant 0 : i32
        %dma_start3A_354 = tpu.memref_slice %arg2[%dma_start3A_352, %dma_start3A_353] : memref<10000x64xbf16, #tpu.memory_space<hbm>> -> memref<10000x64xbf16, #tpu.memory_space<hbm>>
        %dma_start3A_355 = tpu.memref_slice %arg10[%dma_start3A_344] : memref<5x!tpu.dma_semaphore, #tpu.memory_space<semaphore_mem>> -> memref<1x!tpu.dma_semaphore, #tpu.memory_space<semaphore_mem>>
        %dma_start3A_356 = tpu.memref_squeeze %dma_start3A_355 : memref<1x!tpu.dma_semaphore, #tpu.memory_space<semaphore_mem>> -> memref<!tpu.dma_semaphore, #tpu.memory_space<semaphore_mem>>
        tpu.enqueue_indirect_dma source(%dma_start3A_354 : memref<10000x64xbf16, #tpu.memory_space<hbm>>) target(%dma_start3A_348 : memref<80x64xbf16, #tpu.memory_space<vmem>>) offsets(%dma_start3A_351 : memref<80xi32, #tpu.memory_space<vmem>>) semaphore(%dma_start3A_356 : memref<!tpu.dma_semaphore, #tpu.memory_space<semaphore_mem>>)
      } else {
      }
      %dma_wait3A_194 = arith.constant 1 : i32
      %dma_wait3A_195 = arith.constant 1 : i32
      %dma_wait3A_196 = arith.constant 0 : i32
      %dma_wait3A_197 = arith.constant 0 : i32
      %dma_wait3A_198 = tpu.memref_slice %arg8[%dma_wait3A_194, %dma_wait3A_196, %dma_wait3A_197] : memref<5x80x64xbf16, #tpu.memory_space<vmem>> -> memref<1x80x64xbf16, #tpu.memory_space<vmem>>
      %dma_wait3A_199 = tpu.memref_squeeze %dma_wait3A_198 : memref<1x80x64xbf16, #tpu.memory_space<vmem>> -> memref<80x64xbf16, #tpu.memory_space<vmem>>
      %dma_wait3A_200 = arith.constant 0 : i32
      %dma_wait3A_201 = tpu.memref_slice %arg6[%add3A_186, %dma_wait3A_200] : memref<125x80xi32, #tpu.memory_space<vmem>> -> memref<1x80xi32, #tpu.memory_space<vmem>>
      %dma_wait3A_202 = tpu.memref_squeeze %dma_wait3A_201 : memref<1x80xi32, #tpu.memory_space<vmem>> -> memref<80xi32, #tpu.memory_space<vmem>>
      %dma_wait3A_203 = arith.constant 0 : i32
      %dma_wait3A_204 = arith.constant 0 : i32
      %dma_wait3A_205 = tpu.memref_slice %arg2[%dma_wait3A_203, %dma_wait3A_204] : memref<10000x64xbf16, #tpu.memory_space<hbm>> -> memref<10000x64xbf16, #tpu.memory_space<hbm>>
      %dma_wait3A_206 = tpu.memref_slice %arg10[%dma_wait3A_195] : memref<5x!tpu.dma_semaphore, #tpu.memory_space<semaphore_mem>> -> memref<1x!tpu.dma_semaphore, #tpu.memory_space<semaphore_mem>>
      %dma_wait3A_207 = tpu.memref_squeeze %dma_wait3A_206 : memref<1x!tpu.dma_semaphore, #tpu.memory_space<semaphore_mem>> -> memref<!tpu.dma_semaphore, #tpu.memory_space<semaphore_mem>>
      tpu.wait_indirect_dma semaphore(%dma_wait3A_207 : memref<!tpu.dma_semaphore, #tpu.memory_space<semaphore_mem>>) src(%dma_wait3A_205 : memref<10000x64xbf16, #tpu.memory_space<hbm>>) dst(%dma_wait3A_199 : memref<80x64xbf16, #tpu.memory_space<vmem>>)
      %dma_start3A_208 = arith.constant 1 : i32
      %dma_start3A_209 = arith.constant 1 : i32
      %dma_start3A_210 = arith.constant 0 : i32
      %dma_start3A_211 = arith.constant 0 : i32
      %dma_start3A_212 = tpu.memref_slice %arg8[%dma_start3A_208, %dma_start3A_210, %dma_start3A_211] : memref<5x80x64xbf16, #tpu.memory_space<vmem>> -> memref<1x80x64xbf16, #tpu.memory_space<vmem>>
      %dma_start3A_213 = tpu.memref_squeeze %dma_start3A_212 : memref<1x80x64xbf16, #tpu.memory_space<vmem>> -> memref<80x64xbf16, #tpu.memory_space<vmem>>
      %dma_start3A_214 = arith.constant 0 : i32
      %dma_start3A_215 = tpu.memref_slice %arg7[%add3A_186, %dma_start3A_214] : memref<125x80xi32, #tpu.memory_space<vmem>> -> memref<1x80xi32, #tpu.memory_space<vmem>>
      %dma_start3A_216 = tpu.memref_squeeze %dma_start3A_215 : memref<1x80xi32, #tpu.memory_space<vmem>> -> memref<80xi32, #tpu.memory_space<vmem>>
      %dma_start3A_217 = arith.constant 0 : i32
      %dma_start3A_218 = arith.constant 0 : i32
      %dma_start3A_219 = tpu.memref_slice %arg9[%dma_start3A_217, %dma_start3A_218] : memref<10240x64xbf16, #tpu.memory_space<vmem_shared>> -> memref<10240x64xbf16, #tpu.memory_space<vmem_shared>>
      %dma_start3A_220 = tpu.memref_slice %arg11[%dma_start3A_209] : memref<5x!tpu.dma_semaphore, #tpu.memory_space<semaphore_mem>> -> memref<1x!tpu.dma_semaphore, #tpu.memory_space<semaphore_mem>>
      %dma_start3A_221 = tpu.memref_squeeze %dma_start3A_220 : memref<1x!tpu.dma_semaphore, #tpu.memory_space<semaphore_mem>> -> memref<!tpu.dma_semaphore, #tpu.memory_space<semaphore_mem>>
      tpu.enqueue_indirect_dma source(%dma_start3A_213 : memref<80x64xbf16, #tpu.memory_space<vmem>>) target(%dma_start3A_219 : memref<10240x64xbf16, #tpu.memory_space<vmem_shared>>) offsets(%dma_start3A_216 : memref<80xi32, #tpu.memory_space<vmem>>) semaphore(%dma_start3A_221 : memref<!tpu.dma_semaphore, #tpu.memory_space<semaphore_mem>>) {add = true}
      %mul3A_222 = arith.constant 5 : i32
      %mul3A_223 = arith.muli %scan3A_146, %mul3A_222 : i32
      %add3A_224 = arith.constant 2 : i32
      %add3A_225 = arith.addi %mul3A_223, %add3A_224 : i32
      %add3A_226 = arith.constant 4 : i32
      %add3A_227 = arith.addi %add3A_225, %add3A_226 : i32
      %lt3A_228 = arith.constant 125 : i32
      %lt3A_229 = arith.cmpi slt, %add3A_227, %lt3A_228 : i32
      %convert_element_type3A_230 = arith.extui %lt3A_229 : i1 to i32
      %cond3A_231 = arith.constant 0 : i32
      %cond3A_232 = arith.cmpi ne, %convert_element_type3A_230, %cond3A_231 : i32
      scf.if %cond3A_232 {
        %ge3A = arith.constant 5 : i32
        %ge3A_339 = arith.cmpi sge, %add3A_227, %ge3A : i32
        %convert_element_type3A_340 = arith.extui %ge3A_339 : i1 to i32
        %cond3A_341 = arith.constant 0 : i32
        %cond3A_342 = arith.cmpi ne, %convert_element_type3A_340, %cond3A_341 : i32
        scf.if %cond3A_342 {
          %sub3A = arith.constant 5 : i32
          %sub3A_357 = arith.subi %add3A_227, %sub3A : i32
          %dma_wait3A_358 = arith.constant 1 : i32
          %dma_wait3A_359 = arith.constant 1 : i32
          %dma_wait3A_360 = arith.constant 0 : i32
          %dma_wait3A_361 = arith.constant 0 : i32
          %dma_wait3A_362 = tpu.memref_slice %arg8[%dma_wait3A_358, %dma_wait3A_360, %dma_wait3A_361] : memref<5x80x64xbf16, #tpu.memory_space<vmem>> -> memref<1x80x64xbf16, #tpu.memory_space<vmem>>
          %dma_wait3A_363 = tpu.memref_squeeze %dma_wait3A_362 : memref<1x80x64xbf16, #tpu.memory_space<vmem>> -> memref<80x64xbf16, #tpu.memory_space<vmem>>
          %dma_wait3A_364 = arith.constant 0 : i32
          %dma_wait3A_365 = tpu.memref_slice %arg7[%sub3A_357, %dma_wait3A_364] : memref<125x80xi32, #tpu.memory_space<vmem>> -> memref<1x80xi32, #tpu.memory_space<vmem>>
          %dma_wait3A_366 = tpu.memref_squeeze %dma_wait3A_365 : memref<1x80xi32, #tpu.memory_space<vmem>> -> memref<80xi32, #tpu.memory_space<vmem>>
          %dma_wait3A_367 = arith.constant 0 : i32
          %dma_wait3A_368 = arith.constant 0 : i32
          %dma_wait3A_369 = tpu.memref_slice %arg9[%dma_wait3A_367, %dma_wait3A_368] : memref<10240x64xbf16, #tpu.memory_space<vmem_shared>> -> memref<10240x64xbf16, #tpu.memory_space<vmem_shared>>
          %dma_wait3A_370 = tpu.memref_slice %arg11[%dma_wait3A_359] : memref<5x!tpu.dma_semaphore, #tpu.memory_space<semaphore_mem>> -> memref<1x!tpu.dma_semaphore, #tpu.memory_space<semaphore_mem>>
          %dma_wait3A_371 = tpu.memref_squeeze %dma_wait3A_370 : memref<1x!tpu.dma_semaphore, #tpu.memory_space<semaphore_mem>> -> memref<!tpu.dma_semaphore, #tpu.memory_space<semaphore_mem>>
          tpu.wait_indirect_dma semaphore(%dma_wait3A_371 : memref<!tpu.dma_semaphore, #tpu.memory_space<semaphore_mem>>) src(%dma_wait3A_363 : memref<80x64xbf16, #tpu.memory_space<vmem>>) dst(%dma_wait3A_369 : memref<10240x64xbf16, #tpu.memory_space<vmem_shared>>)
        } else {
        }
        %dma_start3A_343 = arith.constant 1 : i32
        %dma_start3A_344 = arith.constant 1 : i32
        %dma_start3A_345 = arith.constant 0 : i32
        %dma_start3A_346 = arith.constant 0 : i32
        %dma_start3A_347 = tpu.memref_slice %arg8[%dma_start3A_343, %dma_start3A_345, %dma_start3A_346] : memref<5x80x64xbf16, #tpu.memory_space<vmem>> -> memref<1x80x64xbf16, #tpu.memory_space<vmem>>
        %dma_start3A_348 = tpu.memref_squeeze %dma_start3A_347 : memref<1x80x64xbf16, #tpu.memory_space<vmem>> -> memref<80x64xbf16, #tpu.memory_space<vmem>>
        %dma_start3A_349 = arith.constant 0 : i32
        %dma_start3A_350 = tpu.memref_slice %arg6[%add3A_227, %dma_start3A_349] : memref<125x80xi32, #tpu.memory_space<vmem>> -> memref<1x80xi32, #tpu.memory_space<vmem>>
        %dma_start3A_351 = tpu.memref_squeeze %dma_start3A_350 : memref<1x80xi32, #tpu.memory_space<vmem>> -> memref<80xi32, #tpu.memory_space<vmem>>
        %dma_start3A_352 = arith.constant 0 : i32
        %dma_start3A_353 = arith.constant 0 : i32
        %dma_start3A_354 = tpu.memref_slice %arg2[%dma_start3A_352, %dma_start3A_353] : memref<10000x64xbf16, #tpu.memory_space<hbm>> -> memref<10000x64xbf16, #tpu.memory_space<hbm>>
        %dma_start3A_355 = tpu.memref_slice %arg10[%dma_start3A_344] : memref<5x!tpu.dma_semaphore, #tpu.memory_space<semaphore_mem>> -> memref<1x!tpu.dma_semaphore, #tpu.memory_space<semaphore_mem>>
        %dma_start3A_356 = tpu.memref_squeeze %dma_start3A_355 : memref<1x!tpu.dma_semaphore, #tpu.memory_space<semaphore_mem>> -> memref<!tpu.dma_semaphore, #tpu.memory_space<semaphore_mem>>
        tpu.enqueue_indirect_dma source(%dma_start3A_354 : memref<10000x64xbf16, #tpu.memory_space<hbm>>) target(%dma_start3A_348 : memref<80x64xbf16, #tpu.memory_space<vmem>>) offsets(%dma_start3A_351 : memref<80xi32, #tpu.memory_space<vmem>>) semaphore(%dma_start3A_356 : memref<!tpu.dma_semaphore, #tpu.memory_space<semaphore_mem>>)
      } else {
      }
      %dma_wait3A_233 = arith.constant 2 : i32
      %dma_wait3A_234 = arith.constant 2 : i32
      %dma_wait3A_235 = arith.constant 0 : i32
      %dma_wait3A_236 = arith.constant 0 : i32
      %dma_wait3A_237 = tpu.memref_slice %arg8[%dma_wait3A_233, %dma_wait3A_235, %dma_wait3A_236] : memref<5x80x64xbf16, #tpu.memory_space<vmem>> -> memref<1x80x64xbf16, #tpu.memory_space<vmem>>
      %dma_wait3A_238 = tpu.memref_squeeze %dma_wait3A_237 : memref<1x80x64xbf16, #tpu.memory_space<vmem>> -> memref<80x64xbf16, #tpu.memory_space<vmem>>
      %dma_wait3A_239 = arith.constant 0 : i32
      %dma_wait3A_240 = tpu.memref_slice %arg6[%add3A_225, %dma_wait3A_239] : memref<125x80xi32, #tpu.memory_space<vmem>> -> memref<1x80xi32, #tpu.memory_space<vmem>>
      %dma_wait3A_241 = tpu.memref_squeeze %dma_wait3A_240 : memref<1x80xi32, #tpu.memory_space<vmem>> -> memref<80xi32, #tpu.memory_space<vmem>>
      %dma_wait3A_242 = arith.constant 0 : i32
      %dma_wait3A_243 = arith.constant 0 : i32
      %dma_wait3A_244 = tpu.memref_slice %arg2[%dma_wait3A_242, %dma_wait3A_243] : memref<10000x64xbf16, #tpu.memory_space<hbm>> -> memref<10000x64xbf16, #tpu.memory_space<hbm>>
      %dma_wait3A_245 = tpu.memref_slice %arg10[%dma_wait3A_234] : memref<5x!tpu.dma_semaphore, #tpu.memory_space<semaphore_mem>> -> memref<1x!tpu.dma_semaphore, #tpu.memory_space<semaphore_mem>>
      %dma_wait3A_246 = tpu.memref_squeeze %dma_wait3A_245 : memref<1x!tpu.dma_semaphore, #tpu.memory_space<semaphore_mem>> -> memref<!tpu.dma_semaphore, #tpu.memory_space<semaphore_mem>>
      tpu.wait_indirect_dma semaphore(%dma_wait3A_246 : memref<!tpu.dma_semaphore, #tpu.memory_space<semaphore_mem>>) src(%dma_wait3A_244 : memref<10000x64xbf16, #tpu.memory_space<hbm>>) dst(%dma_wait3A_238 : memref<80x64xbf16, #tpu.memory_space<vmem>>)
      %dma_start3A_247 = arith.constant 2 : i32
      %dma_start3A_248 = arith.constant 2 : i32
      %dma_start3A_249 = arith.constant 0 : i32
      %dma_start3A_250 = arith.constant 0 : i32
      %dma_start3A_251 = tpu.memref_slice %arg8[%dma_start3A_247, %dma_start3A_249, %dma_start3A_250] : memref<5x80x64xbf16, #tpu.memory_space<vmem>> -> memref<1x80x64xbf16, #tpu.memory_space<vmem>>
      %dma_start3A_252 = tpu.memref_squeeze %dma_start3A_251 : memref<1x80x64xbf16, #tpu.memory_space<vmem>> -> memref<80x64xbf16, #tpu.memory_space<vmem>>
      %dma_start3A_253 = arith.constant 0 : i32
      %dma_start3A_254 = tpu.memref_slice %arg7[%add3A_225, %dma_start3A_253] : memref<125x80xi32, #tpu.memory_space<vmem>> -> memref<1x80xi32, #tpu.memory_space<vmem>>
      %dma_start3A_255 = tpu.memref_squeeze %dma_start3A_254 : memref<1x80xi32, #tpu.memory_space<vmem>> -> memref<80xi32, #tpu.memory_space<vmem>>
      %dma_start3A_256 = arith.constant 0 : i32
      %dma_start3A_257 = arith.constant 0 : i32
      %dma_start3A_258 = tpu.memref_slice %arg9[%dma_start3A_256, %dma_start3A_257] : memref<10240x64xbf16, #tpu.memory_space<vmem_shared>> -> memref<10240x64xbf16, #tpu.memory_space<vmem_shared>>
      %dma_start3A_259 = tpu.memref_slice %arg11[%dma_start3A_248] : memref<5x!tpu.dma_semaphore, #tpu.memory_space<semaphore_mem>> -> memref<1x!tpu.dma_semaphore, #tpu.memory_space<semaphore_mem>>
      %dma_start3A_260 = tpu.memref_squeeze %dma_start3A_259 : memref<1x!tpu.dma_semaphore, #tpu.memory_space<semaphore_mem>> -> memref<!tpu.dma_semaphore, #tpu.memory_space<semaphore_mem>>
      tpu.enqueue_indirect_dma source(%dma_start3A_252 : memref<80x64xbf16, #tpu.memory_space<vmem>>) target(%dma_start3A_258 : memref<10240x64xbf16, #tpu.memory_space<vmem_shared>>) offsets(%dma_start3A_255 : memref<80xi32, #tpu.memory_space<vmem>>) semaphore(%dma_start3A_260 : memref<!tpu.dma_semaphore, #tpu.memory_space<semaphore_mem>>) {add = true}
      %mul3A_261 = arith.constant 5 : i32
      %mul3A_262 = arith.muli %scan3A_146, %mul3A_261 : i32
      %add3A_263 = arith.constant 3 : i32
      %add3A_264 = arith.addi %mul3A_262, %add3A_263 : i32
      %add3A_265 = arith.constant 4 : i32
      %add3A_266 = arith.addi %add3A_264, %add3A_265 : i32
      %lt3A_267 = arith.constant 125 : i32
      %lt3A_268 = arith.cmpi slt, %add3A_266, %lt3A_267 : i32
      %convert_element_type3A_269 = arith.extui %lt3A_268 : i1 to i32
      %cond3A_270 = arith.constant 0 : i32
      %cond3A_271 = arith.cmpi ne, %convert_element_type3A_269, %cond3A_270 : i32
      scf.if %cond3A_271 {
        %ge3A = arith.constant 5 : i32
        %ge3A_339 = arith.cmpi sge, %add3A_266, %ge3A : i32
        %convert_element_type3A_340 = arith.extui %ge3A_339 : i1 to i32
        %cond3A_341 = arith.constant 0 : i32
        %cond3A_342 = arith.cmpi ne, %convert_element_type3A_340, %cond3A_341 : i32
        scf.if %cond3A_342 {
          %sub3A = arith.constant 5 : i32
          %sub3A_357 = arith.subi %add3A_266, %sub3A : i32
          %dma_wait3A_358 = arith.constant 2 : i32
          %dma_wait3A_359 = arith.constant 2 : i32
          %dma_wait3A_360 = arith.constant 0 : i32
          %dma_wait3A_361 = arith.constant 0 : i32
          %dma_wait3A_362 = tpu.memref_slice %arg8[%dma_wait3A_358, %dma_wait3A_360, %dma_wait3A_361] : memref<5x80x64xbf16, #tpu.memory_space<vmem>> -> memref<1x80x64xbf16, #tpu.memory_space<vmem>>
          %dma_wait3A_363 = tpu.memref_squeeze %dma_wait3A_362 : memref<1x80x64xbf16, #tpu.memory_space<vmem>> -> memref<80x64xbf16, #tpu.memory_space<vmem>>
          %dma_wait3A_364 = arith.constant 0 : i32
          %dma_wait3A_365 = tpu.memref_slice %arg7[%sub3A_357, %dma_wait3A_364] : memref<125x80xi32, #tpu.memory_space<vmem>> -> memref<1x80xi32, #tpu.memory_space<vmem>>
          %dma_wait3A_366 = tpu.memref_squeeze %dma_wait3A_365 : memref<1x80xi32, #tpu.memory_space<vmem>> -> memref<80xi32, #tpu.memory_space<vmem>>
          %dma_wait3A_367 = arith.constant 0 : i32
          %dma_wait3A_368 = arith.constant 0 : i32
          %dma_wait3A_369 = tpu.memref_slice %arg9[%dma_wait3A_367, %dma_wait3A_368] : memref<10240x64xbf16, #tpu.memory_space<vmem_shared>> -> memref<10240x64xbf16, #tpu.memory_space<vmem_shared>>
          %dma_wait3A_370 = tpu.memref_slice %arg11[%dma_wait3A_359] : memref<5x!tpu.dma_semaphore, #tpu.memory_space<semaphore_mem>> -> memref<1x!tpu.dma_semaphore, #tpu.memory_space<semaphore_mem>>
          %dma_wait3A_371 = tpu.memref_squeeze %dma_wait3A_370 : memref<1x!tpu.dma_semaphore, #tpu.memory_space<semaphore_mem>> -> memref<!tpu.dma_semaphore, #tpu.memory_space<semaphore_mem>>
          tpu.wait_indirect_dma semaphore(%dma_wait3A_371 : memref<!tpu.dma_semaphore, #tpu.memory_space<semaphore_mem>>) src(%dma_wait3A_363 : memref<80x64xbf16, #tpu.memory_space<vmem>>) dst(%dma_wait3A_369 : memref<10240x64xbf16, #tpu.memory_space<vmem_shared>>)
        } else {
        }
        %dma_start3A_343 = arith.constant 2 : i32
        %dma_start3A_344 = arith.constant 2 : i32
        %dma_start3A_345 = arith.constant 0 : i32
        %dma_start3A_346 = arith.constant 0 : i32
        %dma_start3A_347 = tpu.memref_slice %arg8[%dma_start3A_343, %dma_start3A_345, %dma_start3A_346] : memref<5x80x64xbf16, #tpu.memory_space<vmem>> -> memref<1x80x64xbf16, #tpu.memory_space<vmem>>
        %dma_start3A_348 = tpu.memref_squeeze %dma_start3A_347 : memref<1x80x64xbf16, #tpu.memory_space<vmem>> -> memref<80x64xbf16, #tpu.memory_space<vmem>>
        %dma_start3A_349 = arith.constant 0 : i32
        %dma_start3A_350 = tpu.memref_slice %arg6[%add3A_266, %dma_start3A_349] : memref<125x80xi32, #tpu.memory_space<vmem>> -> memref<1x80xi32, #tpu.memory_space<vmem>>
        %dma_start3A_351 = tpu.memref_squeeze %dma_start3A_350 : memref<1x80xi32, #tpu.memory_space<vmem>> -> memref<80xi32, #tpu.memory_space<vmem>>
        %dma_start3A_352 = arith.constant 0 : i32
        %dma_start3A_353 = arith.constant 0 : i32
        %dma_start3A_354 = tpu.memref_slice %arg2[%dma_start3A_352, %dma_start3A_353] : memref<10000x64xbf16, #tpu.memory_space<hbm>> -> memref<10000x64xbf16, #tpu.memory_space<hbm>>
        %dma_start3A_355 = tpu.memref_slice %arg10[%dma_start3A_344] : memref<5x!tpu.dma_semaphore, #tpu.memory_space<semaphore_mem>> -> memref<1x!tpu.dma_semaphore, #tpu.memory_space<semaphore_mem>>
        %dma_start3A_356 = tpu.memref_squeeze %dma_start3A_355 : memref<1x!tpu.dma_semaphore, #tpu.memory_space<semaphore_mem>> -> memref<!tpu.dma_semaphore, #tpu.memory_space<semaphore_mem>>
        tpu.enqueue_indirect_dma source(%dma_start3A_354 : memref<10000x64xbf16, #tpu.memory_space<hbm>>) target(%dma_start3A_348 : memref<80x64xbf16, #tpu.memory_space<vmem>>) offsets(%dma_start3A_351 : memref<80xi32, #tpu.memory_space<vmem>>) semaphore(%dma_start3A_356 : memref<!tpu.dma_semaphore, #tpu.memory_space<semaphore_mem>>)
      } else {
      }
      %dma_wait3A_272 = arith.constant 3 : i32
      %dma_wait3A_273 = arith.constant 3 : i32
      %dma_wait3A_274 = arith.constant 0 : i32
      %dma_wait3A_275 = arith.constant 0 : i32
      %dma_wait3A_276 = tpu.memref_slice %arg8[%dma_wait3A_272, %dma_wait3A_274, %dma_wait3A_275] : memref<5x80x64xbf16, #tpu.memory_space<vmem>> -> memref<1x80x64xbf16, #tpu.memory_space<vmem>>
      %dma_wait3A_277 = tpu.memref_squeeze %dma_wait3A_276 : memref<1x80x64xbf16, #tpu.memory_space<vmem>> -> memref<80x64xbf16, #tpu.memory_space<vmem>>
      %dma_wait3A_278 = arith.constant 0 : i32
      %dma_wait3A_279 = tpu.memref_slice %arg6[%add3A_264, %dma_wait3A_278] : memref<125x80xi32, #tpu.memory_space<vmem>> -> memref<1x80xi32, #tpu.memory_space<vmem>>
      %dma_wait3A_280 = tpu.memref_squeeze %dma_wait3A_279 : memref<1x80xi32, #tpu.memory_space<vmem>> -> memref<80xi32, #tpu.memory_space<vmem>>
      %dma_wait3A_281 = arith.constant 0 : i32
      %dma_wait3A_282 = arith.constant 0 : i32
      %dma_wait3A_283 = tpu.memref_slice %arg2[%dma_wait3A_281, %dma_wait3A_282] : memref<10000x64xbf16, #tpu.memory_space<hbm>> -> memref<10000x64xbf16, #tpu.memory_space<hbm>>
      %dma_wait3A_284 = tpu.memref_slice %arg10[%dma_wait3A_273] : memref<5x!tpu.dma_semaphore, #tpu.memory_space<semaphore_mem>> -> memref<1x!tpu.dma_semaphore, #tpu.memory_space<semaphore_mem>>
      %dma_wait3A_285 = tpu.memref_squeeze %dma_wait3A_284 : memref<1x!tpu.dma_semaphore, #tpu.memory_space<semaphore_mem>> -> memref<!tpu.dma_semaphore, #tpu.memory_space<semaphore_mem>>
      tpu.wait_indirect_dma semaphore(%dma_wait3A_285 : memref<!tpu.dma_semaphore, #tpu.memory_space<semaphore_mem>>) src(%dma_wait3A_283 : memref<10000x64xbf16, #tpu.memory_space<hbm>>) dst(%dma_wait3A_277 : memref<80x64xbf16, #tpu.memory_space<vmem>>)
      %dma_start3A_286 = arith.constant 3 : i32
      %dma_start3A_287 = arith.constant 3 : i32
      %dma_start3A_288 = arith.constant 0 : i32
      %dma_start3A_289 = arith.constant 0 : i32
      %dma_start3A_290 = tpu.memref_slice %arg8[%dma_start3A_286, %dma_start3A_288, %dma_start3A_289] : memref<5x80x64xbf16, #tpu.memory_space<vmem>> -> memref<1x80x64xbf16, #tpu.memory_space<vmem>>
      %dma_start3A_291 = tpu.memref_squeeze %dma_start3A_290 : memref<1x80x64xbf16, #tpu.memory_space<vmem>> -> memref<80x64xbf16, #tpu.memory_space<vmem>>
      %dma_start3A_292 = arith.constant 0 : i32
      %dma_start3A_293 = tpu.memref_slice %arg7[%add3A_264, %dma_start3A_292] : memref<125x80xi32, #tpu.memory_space<vmem>> -> memref<1x80xi32, #tpu.memory_space<vmem>>
      %dma_start3A_294 = tpu.memref_squeeze %dma_start3A_293 : memref<1x80xi32, #tpu.memory_space<vmem>> -> memref<80xi32, #tpu.memory_space<vmem>>
      %dma_start3A_295 = arith.constant 0 : i32
      %dma_start3A_296 = arith.constant 0 : i32
      %dma_start3A_297 = tpu.memref_slice %arg9[%dma_start3A_295, %dma_start3A_296] : memref<10240x64xbf16, #tpu.memory_space<vmem_shared>> -> memref<10240x64xbf16, #tpu.memory_space<vmem_shared>>
      %dma_start3A_298 = tpu.memref_slice %arg11[%dma_start3A_287] : memref<5x!tpu.dma_semaphore, #tpu.memory_space<semaphore_mem>> -> memref<1x!tpu.dma_semaphore, #tpu.memory_space<semaphore_mem>>
      %dma_start3A_299 = tpu.memref_squeeze %dma_start3A_298 : memref<1x!tpu.dma_semaphore, #tpu.memory_space<semaphore_mem>> -> memref<!tpu.dma_semaphore, #tpu.memory_space<semaphore_mem>>
      tpu.enqueue_indirect_dma source(%dma_start3A_291 : memref<80x64xbf16, #tpu.memory_space<vmem>>) target(%dma_start3A_297 : memref<10240x64xbf16, #tpu.memory_space<vmem_shared>>) offsets(%dma_start3A_294 : memref<80xi32, #tpu.memory_space<vmem>>) semaphore(%dma_start3A_299 : memref<!tpu.dma_semaphore, #tpu.memory_space<semaphore_mem>>) {add = true}
      %mul3A_300 = arith.constant 5 : i32
      %mul3A_301 = arith.muli %scan3A_146, %mul3A_300 : i32
      %add3A_302 = arith.constant 4 : i32
      %add3A_303 = arith.addi %mul3A_301, %add3A_302 : i32
      %add3A_304 = arith.constant 4 : i32
      %add3A_305 = arith.addi %add3A_303, %add3A_304 : i32
      %lt3A_306 = arith.constant 125 : i32
      %lt3A_307 = arith.cmpi slt, %add3A_305, %lt3A_306 : i32
      %convert_element_type3A_308 = arith.extui %lt3A_307 : i1 to i32
      %cond3A_309 = arith.constant 0 : i32
      %cond3A_310 = arith.cmpi ne, %convert_element_type3A_308, %cond3A_309 : i32
      scf.if %cond3A_310 {
        %ge3A = arith.constant 5 : i32
        %ge3A_339 = arith.cmpi sge, %add3A_305, %ge3A : i32
        %convert_element_type3A_340 = arith.extui %ge3A_339 : i1 to i32
        %cond3A_341 = arith.constant 0 : i32
        %cond3A_342 = arith.cmpi ne, %convert_element_type3A_340, %cond3A_341 : i32
        scf.if %cond3A_342 {
          %sub3A = arith.constant 5 : i32
          %sub3A_357 = arith.subi %add3A_305, %sub3A : i32
          %dma_wait3A_358 = arith.constant 3 : i32
          %dma_wait3A_359 = arith.constant 3 : i32
          %dma_wait3A_360 = arith.constant 0 : i32
          %dma_wait3A_361 = arith.constant 0 : i32
          %dma_wait3A_362 = tpu.memref_slice %arg8[%dma_wait3A_358, %dma_wait3A_360, %dma_wait3A_361] : memref<5x80x64xbf16, #tpu.memory_space<vmem>> -> memref<1x80x64xbf16, #tpu.memory_space<vmem>>
          %dma_wait3A_363 = tpu.memref_squeeze %dma_wait3A_362 : memref<1x80x64xbf16, #tpu.memory_space<vmem>> -> memref<80x64xbf16, #tpu.memory_space<vmem>>
          %dma_wait3A_364 = arith.constant 0 : i32
          %dma_wait3A_365 = tpu.memref_slice %arg7[%sub3A_357, %dma_wait3A_364] : memref<125x80xi32, #tpu.memory_space<vmem>> -> memref<1x80xi32, #tpu.memory_space<vmem>>
          %dma_wait3A_366 = tpu.memref_squeeze %dma_wait3A_365 : memref<1x80xi32, #tpu.memory_space<vmem>> -> memref<80xi32, #tpu.memory_space<vmem>>
          %dma_wait3A_367 = arith.constant 0 : i32
          %dma_wait3A_368 = arith.constant 0 : i32
          %dma_wait3A_369 = tpu.memref_slice %arg9[%dma_wait3A_367, %dma_wait3A_368] : memref<10240x64xbf16, #tpu.memory_space<vmem_shared>> -> memref<10240x64xbf16, #tpu.memory_space<vmem_shared>>
          %dma_wait3A_370 = tpu.memref_slice %arg11[%dma_wait3A_359] : memref<5x!tpu.dma_semaphore, #tpu.memory_space<semaphore_mem>> -> memref<1x!tpu.dma_semaphore, #tpu.memory_space<semaphore_mem>>
          %dma_wait3A_371 = tpu.memref_squeeze %dma_wait3A_370 : memref<1x!tpu.dma_semaphore, #tpu.memory_space<semaphore_mem>> -> memref<!tpu.dma_semaphore, #tpu.memory_space<semaphore_mem>>
          tpu.wait_indirect_dma semaphore(%dma_wait3A_371 : memref<!tpu.dma_semaphore, #tpu.memory_space<semaphore_mem>>) src(%dma_wait3A_363 : memref<80x64xbf16, #tpu.memory_space<vmem>>) dst(%dma_wait3A_369 : memref<10240x64xbf16, #tpu.memory_space<vmem_shared>>)
        } else {
        }
        %dma_start3A_343 = arith.constant 3 : i32
        %dma_start3A_344 = arith.constant 3 : i32
        %dma_start3A_345 = arith.constant 0 : i32
        %dma_start3A_346 = arith.constant 0 : i32
        %dma_start3A_347 = tpu.memref_slice %arg8[%dma_start3A_343, %dma_start3A_345, %dma_start3A_346] : memref<5x80x64xbf16, #tpu.memory_space<vmem>> -> memref<1x80x64xbf16, #tpu.memory_space<vmem>>
        %dma_start3A_348 = tpu.memref_squeeze %dma_start3A_347 : memref<1x80x64xbf16, #tpu.memory_space<vmem>> -> memref<80x64xbf16, #tpu.memory_space<vmem>>
        %dma_start3A_349 = arith.constant 0 : i32
        %dma_start3A_350 = tpu.memref_slice %arg6[%add3A_305, %dma_start3A_349] : memref<125x80xi32, #tpu.memory_space<vmem>> -> memref<1x80xi32, #tpu.memory_space<vmem>>
        %dma_start3A_351 = tpu.memref_squeeze %dma_start3A_350 : memref<1x80xi32, #tpu.memory_space<vmem>> -> memref<80xi32, #tpu.memory_space<vmem>>
        %dma_start3A_352 = arith.constant 0 : i32
        %dma_start3A_353 = arith.constant 0 : i32
        %dma_start3A_354 = tpu.memref_slice %arg2[%dma_start3A_352, %dma_start3A_353] : memref<10000x64xbf16, #tpu.memory_space<hbm>> -> memref<10000x64xbf16, #tpu.memory_space<hbm>>
        %dma_start3A_355 = tpu.memref_slice %arg10[%dma_start3A_344] : memref<5x!tpu.dma_semaphore, #tpu.memory_space<semaphore_mem>> -> memref<1x!tpu.dma_semaphore, #tpu.memory_space<semaphore_mem>>
        %dma_start3A_356 = tpu.memref_squeeze %dma_start3A_355 : memref<1x!tpu.dma_semaphore, #tpu.memory_space<semaphore_mem>> -> memref<!tpu.dma_semaphore, #tpu.memory_space<semaphore_mem>>
        tpu.enqueue_indirect_dma source(%dma_start3A_354 : memref<10000x64xbf16, #tpu.memory_space<hbm>>) target(%dma_start3A_348 : memref<80x64xbf16, #tpu.memory_space<vmem>>) offsets(%dma_start3A_351 : memref<80xi32, #tpu.memory_space<vmem>>) semaphore(%dma_start3A_356 : memref<!tpu.dma_semaphore, #tpu.memory_space<semaphore_mem>>)
      } else {
      }
      %dma_wait3A_311 = arith.constant 4 : i32
      %dma_wait3A_312 = arith.constant 4 : i32
      %dma_wait3A_313 = arith.constant 0 : i32
      %dma_wait3A_314 = arith.constant 0 : i32
      %dma_wait3A_315 = tpu.memref_slice %arg8[%dma_wait3A_311, %dma_wait3A_313, %dma_wait3A_314] : memref<5x80x64xbf16, #tpu.memory_space<vmem>> -> memref<1x80x64xbf16, #tpu.memory_space<vmem>>
      %dma_wait3A_316 = tpu.memref_squeeze %dma_wait3A_315 : memref<1x80x64xbf16, #tpu.memory_space<vmem>> -> memref<80x64xbf16, #tpu.memory_space<vmem>>
      %dma_wait3A_317 = arith.constant 0 : i32
      %dma_wait3A_318 = tpu.memref_slice %arg6[%add3A_303, %dma_wait3A_317] : memref<125x80xi32, #tpu.memory_space<vmem>> -> memref<1x80xi32, #tpu.memory_space<vmem>>
      %dma_wait3A_319 = tpu.memref_squeeze %dma_wait3A_318 : memref<1x80xi32, #tpu.memory_space<vmem>> -> memref<80xi32, #tpu.memory_space<vmem>>
      %dma_wait3A_320 = arith.constant 0 : i32
      %dma_wait3A_321 = arith.constant 0 : i32
      %dma_wait3A_322 = tpu.memref_slice %arg2[%dma_wait3A_320, %dma_wait3A_321] : memref<10000x64xbf16, #tpu.memory_space<hbm>> -> memref<10000x64xbf16, #tpu.memory_space<hbm>>
      %dma_wait3A_323 = tpu.memref_slice %arg10[%dma_wait3A_312] : memref<5x!tpu.dma_semaphore, #tpu.memory_space<semaphore_mem>> -> memref<1x!tpu.dma_semaphore, #tpu.memory_space<semaphore_mem>>
      %dma_wait3A_324 = tpu.memref_squeeze %dma_wait3A_323 : memref<1x!tpu.dma_semaphore, #tpu.memory_space<semaphore_mem>> -> memref<!tpu.dma_semaphore, #tpu.memory_space<semaphore_mem>>
      tpu.wait_indirect_dma semaphore(%dma_wait3A_324 : memref<!tpu.dma_semaphore, #tpu.memory_space<semaphore_mem>>) src(%dma_wait3A_322 : memref<10000x64xbf16, #tpu.memory_space<hbm>>) dst(%dma_wait3A_316 : memref<80x64xbf16, #tpu.memory_space<vmem>>)
      %dma_start3A_325 = arith.constant 4 : i32
      %dma_start3A_326 = arith.constant 4 : i32
      %dma_start3A_327 = arith.constant 0 : i32
      %dma_start3A_328 = arith.constant 0 : i32
      %dma_start3A_329 = tpu.memref_slice %arg8[%dma_start3A_325, %dma_start3A_327, %dma_start3A_328] : memref<5x80x64xbf16, #tpu.memory_space<vmem>> -> memref<1x80x64xbf16, #tpu.memory_space<vmem>>
      %dma_start3A_330 = tpu.memref_squeeze %dma_start3A_329 : memref<1x80x64xbf16, #tpu.memory_space<vmem>> -> memref<80x64xbf16, #tpu.memory_space<vmem>>
      %dma_start3A_331 = arith.constant 0 : i32
      %dma_start3A_332 = tpu.memref_slice %arg7[%add3A_303, %dma_start3A_331] : memref<125x80xi32, #tpu.memory_space<vmem>> -> memref<1x80xi32, #tpu.memory_space<vmem>>
      %dma_start3A_333 = tpu.memref_squeeze %dma_start3A_332 : memref<1x80xi32, #tpu.memory_space<vmem>> -> memref<80xi32, #tpu.memory_space<vmem>>
      %dma_start3A_334 = arith.constant 0 : i32
      %dma_start3A_335 = arith.constant 0 : i32
      %dma_start3A_336 = tpu.memref_slice %arg9[%dma_start3A_334, %dma_start3A_335] : memref<10240x64xbf16, #tpu.memory_space<vmem_shared>> -> memref<10240x64xbf16, #tpu.memory_space<vmem_shared>>
      %dma_start3A_337 = tpu.memref_slice %arg11[%dma_start3A_326] : memref<5x!tpu.dma_semaphore, #tpu.memory_space<semaphore_mem>> -> memref<1x!tpu.dma_semaphore, #tpu.memory_space<semaphore_mem>>
      %dma_start3A_338 = tpu.memref_squeeze %dma_start3A_337 : memref<1x!tpu.dma_semaphore, #tpu.memory_space<semaphore_mem>> -> memref<!tpu.dma_semaphore, #tpu.memory_space<semaphore_mem>>
      tpu.enqueue_indirect_dma source(%dma_start3A_330 : memref<80x64xbf16, #tpu.memory_space<vmem>>) target(%dma_start3A_336 : memref<10240x64xbf16, #tpu.memory_space<vmem_shared>>) offsets(%dma_start3A_333 : memref<80xi32, #tpu.memory_space<vmem>>) semaphore(%dma_start3A_338 : memref<!tpu.dma_semaphore, #tpu.memory_space<semaphore_mem>>) {add = true}
    }
    %scan3A_70 = arith.constant 25 : i32
    %dma_wait3A = arith.constant 0 : i32
    %dma_wait3A_71 = arith.constant 120 : i32
    %dma_wait3A_72 = arith.constant 0 : i32
    %dma_wait3A_73 = arith.constant 0 : i32
    %dma_wait3A_74 = arith.constant 0 : i32
    %dma_wait3A_75 = tpu.memref_slice %arg8[%dma_wait3A, %dma_wait3A_73, %dma_wait3A_74] : memref<5x80x64xbf16, #tpu.memory_space<vmem>> -> memref<1x80x64xbf16, #tpu.memory_space<vmem>>
    %dma_wait3A_76 = tpu.memref_squeeze %dma_wait3A_75 : memref<1x80x64xbf16, #tpu.memory_space<vmem>> -> memref<80x64xbf16, #tpu.memory_space<vmem>>
    %dma_wait3A_77 = arith.constant 0 : i32
    %dma_wait3A_78 = tpu.memref_slice %arg7[%dma_wait3A_71, %dma_wait3A_77] : memref<125x80xi32, #tpu.memory_space<vmem>> -> memref<1x80xi32, #tpu.memory_space<vmem>>
    %dma_wait3A_79 = tpu.memref_squeeze %dma_wait3A_78 : memref<1x80xi32, #tpu.memory_space<vmem>> -> memref<80xi32, #tpu.memory_space<vmem>>
    %dma_wait3A_80 = arith.constant 0 : i32
    %dma_wait3A_81 = arith.constant 0 : i32
    %dma_wait3A_82 = tpu.memref_slice %arg9[%dma_wait3A_80, %dma_wait3A_81] : memref<10240x64xbf16, #tpu.memory_space<vmem_shared>> -> memref<10240x64xbf16, #tpu.memory_space<vmem_shared>>
    %dma_wait3A_83 = tpu.memref_slice %arg11[%dma_wait3A_72] : memref<5x!tpu.dma_semaphore, #tpu.memory_space<semaphore_mem>> -> memref<1x!tpu.dma_semaphore, #tpu.memory_space<semaphore_mem>>
    %dma_wait3A_84 = tpu.memref_squeeze %dma_wait3A_83 : memref<1x!tpu.dma_semaphore, #tpu.memory_space<semaphore_mem>> -> memref<!tpu.dma_semaphore, #tpu.memory_space<semaphore_mem>>
    tpu.wait_indirect_dma semaphore(%dma_wait3A_84 : memref<!tpu.dma_semaphore, #tpu.memory_space<semaphore_mem>>) src(%dma_wait3A_76 : memref<80x64xbf16, #tpu.memory_space<vmem>>) dst(%dma_wait3A_82 : memref<10240x64xbf16, #tpu.memory_space<vmem_shared>>)
    %dma_wait3A_85 = arith.constant 1 : i32
    %dma_wait3A_86 = arith.constant 121 : i32
    %dma_wait3A_87 = arith.constant 1 : i32
    %dma_wait3A_88 = arith.constant 0 : i32
    %dma_wait3A_89 = arith.constant 0 : i32
    %dma_wait3A_90 = tpu.memref_slice %arg8[%dma_wait3A_85, %dma_wait3A_88, %dma_wait3A_89] : memref<5x80x64xbf16, #tpu.memory_space<vmem>> -> memref<1x80x64xbf16, #tpu.memory_space<vmem>>
    %dma_wait3A_91 = tpu.memref_squeeze %dma_wait3A_90 : memref<1x80x64xbf16, #tpu.memory_space<vmem>> -> memref<80x64xbf16, #tpu.memory_space<vmem>>
    %dma_wait3A_92 = arith.constant 0 : i32
    %dma_wait3A_93 = tpu.memref_slice %arg7[%dma_wait3A_86, %dma_wait3A_92] : memref<125x80xi32, #tpu.memory_space<vmem>> -> memref<1x80xi32, #tpu.memory_space<vmem>>
    %dma_wait3A_94 = tpu.memref_squeeze %dma_wait3A_93 : memref<1x80xi32, #tpu.memory_space<vmem>> -> memref<80xi32, #tpu.memory_space<vmem>>
    %dma_wait3A_95 = arith.constant 0 : i32
    %dma_wait3A_96 = arith.constant 0 : i32
    %dma_wait3A_97 = tpu.memref_slice %arg9[%dma_wait3A_95, %dma_wait3A_96] : memref<10240x64xbf16, #tpu.memory_space<vmem_shared>> -> memref<10240x64xbf16, #tpu.memory_space<vmem_shared>>
    %dma_wait3A_98 = tpu.memref_slice %arg11[%dma_wait3A_87] : memref<5x!tpu.dma_semaphore, #tpu.memory_space<semaphore_mem>> -> memref<1x!tpu.dma_semaphore, #tpu.memory_space<semaphore_mem>>
    %dma_wait3A_99 = tpu.memref_squeeze %dma_wait3A_98 : memref<1x!tpu.dma_semaphore, #tpu.memory_space<semaphore_mem>> -> memref<!tpu.dma_semaphore, #tpu.memory_space<semaphore_mem>>
    tpu.wait_indirect_dma semaphore(%dma_wait3A_99 : memref<!tpu.dma_semaphore, #tpu.memory_space<semaphore_mem>>) src(%dma_wait3A_91 : memref<80x64xbf16, #tpu.memory_space<vmem>>) dst(%dma_wait3A_97 : memref<10240x64xbf16, #tpu.memory_space<vmem_shared>>)
    %dma_wait3A_100 = arith.constant 2 : i32
    %dma_wait3A_101 = arith.constant 122 : i32
    %dma_wait3A_102 = arith.constant 2 : i32
    %dma_wait3A_103 = arith.constant 0 : i32
    %dma_wait3A_104 = arith.constant 0 : i32
    %dma_wait3A_105 = tpu.memref_slice %arg8[%dma_wait3A_100, %dma_wait3A_103, %dma_wait3A_104] : memref<5x80x64xbf16, #tpu.memory_space<vmem>> -> memref<1x80x64xbf16, #tpu.memory_space<vmem>>
    %dma_wait3A_106 = tpu.memref_squeeze %dma_wait3A_105 : memref<1x80x64xbf16, #tpu.memory_space<vmem>> -> memref<80x64xbf16, #tpu.memory_space<vmem>>
    %dma_wait3A_107 = arith.constant 0 : i32
    %dma_wait3A_108 = tpu.memref_slice %arg7[%dma_wait3A_101, %dma_wait3A_107] : memref<125x80xi32, #tpu.memory_space<vmem>> -> memref<1x80xi32, #tpu.memory_space<vmem>>
    %dma_wait3A_109 = tpu.memref_squeeze %dma_wait3A_108 : memref<1x80xi32, #tpu.memory_space<vmem>> -> memref<80xi32, #tpu.memory_space<vmem>>
    %dma_wait3A_110 = arith.constant 0 : i32
    %dma_wait3A_111 = arith.constant 0 : i32
    %dma_wait3A_112 = tpu.memref_slice %arg9[%dma_wait3A_110, %dma_wait3A_111] : memref<10240x64xbf16, #tpu.memory_space<vmem_shared>> -> memref<10240x64xbf16, #tpu.memory_space<vmem_shared>>
    %dma_wait3A_113 = tpu.memref_slice %arg11[%dma_wait3A_102] : memref<5x!tpu.dma_semaphore, #tpu.memory_space<semaphore_mem>> -> memref<1x!tpu.dma_semaphore, #tpu.memory_space<semaphore_mem>>
    %dma_wait3A_114 = tpu.memref_squeeze %dma_wait3A_113 : memref<1x!tpu.dma_semaphore, #tpu.memory_space<semaphore_mem>> -> memref<!tpu.dma_semaphore, #tpu.memory_space<semaphore_mem>>
    tpu.wait_indirect_dma semaphore(%dma_wait3A_114 : memref<!tpu.dma_semaphore, #tpu.memory_space<semaphore_mem>>) src(%dma_wait3A_106 : memref<80x64xbf16, #tpu.memory_space<vmem>>) dst(%dma_wait3A_112 : memref<10240x64xbf16, #tpu.memory_space<vmem_shared>>)
    %dma_wait3A_115 = arith.constant 3 : i32
    %dma_wait3A_116 = arith.constant 123 : i32
    %dma_wait3A_117 = arith.constant 3 : i32
    %dma_wait3A_118 = arith.constant 0 : i32
    %dma_wait3A_119 = arith.constant 0 : i32
    %dma_wait3A_120 = tpu.memref_slice %arg8[%dma_wait3A_115, %dma_wait3A_118, %dma_wait3A_119] : memref<5x80x64xbf16, #tpu.memory_space<vmem>> -> memref<1x80x64xbf16, #tpu.memory_space<vmem>>
    %dma_wait3A_121 = tpu.memref_squeeze %dma_wait3A_120 : memref<1x80x64xbf16, #tpu.memory_space<vmem>> -> memref<80x64xbf16, #tpu.memory_space<vmem>>
    %dma_wait3A_122 = arith.constant 0 : i32
    %dma_wait3A_123 = tpu.memref_slice %arg7[%dma_wait3A_116, %dma_wait3A_122] : memref<125x80xi32, #tpu.memory_space<vmem>> -> memref<1x80xi32, #tpu.memory_space<vmem>>
    %dma_wait3A_124 = tpu.memref_squeeze %dma_wait3A_123 : memref<1x80xi32, #tpu.memory_space<vmem>> -> memref<80xi32, #tpu.memory_space<vmem>>
    %dma_wait3A_125 = arith.constant 0 : i32
    %dma_wait3A_126 = arith.constant 0 : i32
    %dma_wait3A_127 = tpu.memref_slice %arg9[%dma_wait3A_125, %dma_wait3A_126] : memref<10240x64xbf16, #tpu.memory_space<vmem_shared>> -> memref<10240x64xbf16, #tpu.memory_space<vmem_shared>>
    %dma_wait3A_128 = tpu.memref_slice %arg11[%dma_wait3A_117] : memref<5x!tpu.dma_semaphore, #tpu.memory_space<semaphore_mem>> -> memref<1x!tpu.dma_semaphore, #tpu.memory_space<semaphore_mem>>
    %dma_wait3A_129 = tpu.memref_squeeze %dma_wait3A_128 : memref<1x!tpu.dma_semaphore, #tpu.memory_space<semaphore_mem>> -> memref<!tpu.dma_semaphore, #tpu.memory_space<semaphore_mem>>
    tpu.wait_indirect_dma semaphore(%dma_wait3A_129 : memref<!tpu.dma_semaphore, #tpu.memory_space<semaphore_mem>>) src(%dma_wait3A_121 : memref<80x64xbf16, #tpu.memory_space<vmem>>) dst(%dma_wait3A_127 : memref<10240x64xbf16, #tpu.memory_space<vmem_shared>>)
    %dma_wait3A_130 = arith.constant 4 : i32
    %dma_wait3A_131 = arith.constant 124 : i32
    %dma_wait3A_132 = arith.constant 4 : i32
    %dma_wait3A_133 = arith.constant 0 : i32
    %dma_wait3A_134 = arith.constant 0 : i32
    %dma_wait3A_135 = tpu.memref_slice %arg8[%dma_wait3A_130, %dma_wait3A_133, %dma_wait3A_134] : memref<5x80x64xbf16, #tpu.memory_space<vmem>> -> memref<1x80x64xbf16, #tpu.memory_space<vmem>>
    %dma_wait3A_136 = tpu.memref_squeeze %dma_wait3A_135 : memref<1x80x64xbf16, #tpu.memory_space<vmem>> -> memref<80x64xbf16, #tpu.memory_space<vmem>>
    %dma_wait3A_137 = arith.constant 0 : i32
    %dma_wait3A_138 = tpu.memref_slice %arg7[%dma_wait3A_131, %dma_wait3A_137] : memref<125x80xi32, #tpu.memory_space<vmem>> -> memref<1x80xi32, #tpu.memory_space<vmem>>
    %dma_wait3A_139 = tpu.memref_squeeze %dma_wait3A_138 : memref<1x80xi32, #tpu.memory_space<vmem>> -> memref<80xi32, #tpu.memory_space<vmem>>
    %dma_wait3A_140 = arith.constant 0 : i32
    %dma_wait3A_141 = arith.constant 0 : i32
    %dma_wait3A_142 = tpu.memref_slice %arg9[%dma_wait3A_140, %dma_wait3A_141] : memref<10240x64xbf16, #tpu.memory_space<vmem_shared>> -> memref<10240x64xbf16, #tpu.memory_space<vmem_shared>>
    %dma_wait3A_143 = tpu.memref_slice %arg11[%dma_wait3A_132] : memref<5x!tpu.dma_semaphore, #tpu.memory_space<semaphore_mem>> -> memref<1x!tpu.dma_semaphore, #tpu.memory_space<semaphore_mem>>
    %dma_wait3A_144 = tpu.memref_squeeze %dma_wait3A_143 : memref<1x!tpu.dma_semaphore, #tpu.memory_space<semaphore_mem>> -> memref<!tpu.dma_semaphore, #tpu.memory_space<semaphore_mem>>
    tpu.wait_indirect_dma semaphore(%dma_wait3A_144 : memref<!tpu.dma_semaphore, #tpu.memory_space<semaphore_mem>>) src(%dma_wait3A_136 : memref<80x64xbf16, #tpu.memory_space<vmem>>) dst(%dma_wait3A_142 : memref<10240x64xbf16, #tpu.memory_space<vmem_shared>>)
    %barrier3A_145 = arith.constant 0 : index
    tpu.barrier barrier_id(%barrier3A_145)
    "tpu.region"() ({
      %run_scoped3A_146 = tpu.sem_alloc : memref<!tpu.dma_semaphore, #tpu.memory_space<semaphore_mem>>
      %dma_start3A_147 = arith.constant 0 : i32
      %dma_start3A_148 = tpu.memref_slice %arg5[%add3A_6, %dma_start3A_147] : memref<20480x64xbf16, #tpu.memory_space<hbm>> -> memref<640x64xbf16, #tpu.memory_space<hbm>>
      %dma_start3A_149 = arith.constant 0 : i32
      %dma_start3A_150 = tpu.memref_slice %arg9[%mul3A_2, %dma_start3A_149] : memref<10240x64xbf16, #tpu.memory_space<vmem_shared>> -> memref<640x64xbf16, #tpu.memory_space<vmem_shared>>
      tpu.enqueue_dma source(%dma_start3A_150 : memref<640x64xbf16, #tpu.memory_space<vmem_shared>>) target(%dma_start3A_148 : memref<640x64xbf16, #tpu.memory_space<hbm>>) target_semaphore(%run_scoped3A_146 : memref<!tpu.dma_semaphore, #tpu.memory_space<semaphore_mem>>)
      %dma_wait3A_151 = arith.constant 0 : i32
      %dma_wait3A_152 = tpu.memref_slice %arg5[%add3A_6, %dma_wait3A_151] : memref<20480x64xbf16, #tpu.memory_space<hbm>> -> memref<640x64xbf16, #tpu.memory_space<hbm>>
      %dma_wait3A_153 = arith.constant 0 : i32
      %dma_wait3A_154 = tpu.memref_slice %arg9[%mul3A_2, %dma_wait3A_153] : memref<10240x64xbf16, #tpu.memory_space<vmem_shared>> -> memref<640x64xbf16, #tpu.memory_space<vmem_shared>>
      tpu.wait_dma2 semaphore(%run_scoped3A_146 : memref<!tpu.dma_semaphore, #tpu.memory_space<semaphore_mem>>) src(%dma_wait3A_154 : memref<640x64xbf16, #tpu.memory_space<vmem_shared>>) dst(%dma_wait3A_152 : memref<640x64xbf16, #tpu.memory_space<hbm>>)
      tpu.yield
    }) : () -> ()
    return
  }
}

#map = affine_map<(d0, d1) -> (0, 0)>
#map1 = affine_map<(d0, d1) -> (0, 0, 0, 0)>
#map2 = affine_map<(d0, d1) -> (0)>
module attributes {stable_mosaic.version = 14 : i64} {
  func.func @_seg_sum_count(%arg0: i32, %arg1: i32, %arg2: memref<10000x64xbf16, #tpu.memory_space<hbm>>, %arg3: memref<2x32x125x80xi32, #tpu.memory_space<hbm>>, %arg4: memref<640x64xbf16, #tpu.memory_space<hbm>>, %arg5: memref<640xf32, #tpu.memory_space<hbm>>, %arg6: memref<80xf32, #tpu.memory_space<hbm>>, %arg7: memref<20480x64xbf16, #tpu.memory_space<hbm>>, %arg8: memref<20480xf32, #tpu.memory_space<hbm>>, %arg9: memref<125x80xi32, #tpu.memory_space<vmem>>, %arg10: memref<125x80xi32, #tpu.memory_space<vmem>>, %arg11: memref<5x80x64xbf16, #tpu.memory_space<vmem>>, %arg12: memref<80xf32, #tpu.memory_space<vmem>>, %arg13: memref<10240x64xbf16, #tpu.memory_space<vmem_shared>>, %arg14: memref<10240xf32, #tpu.memory_space<vmem_shared>>, %arg15: memref<5x!tpu.dma_semaphore, #tpu.memory_space<semaphore_mem>>, %arg16: memref<5x!tpu.dma_semaphore, #tpu.memory_space<semaphore_mem>>, %arg17: memref<5x!tpu.dma_semaphore, #tpu.memory_space<semaphore_mem>>) attributes {dimension_semantics = [#tpu.dimension_semantics<core_parallel>, #tpu.dimension_semantics<subcore_parallel>], iteration_bounds = array<i64: 2, 16>, scalar_prefetch = 0 : i64, scratch_operands = 9 : i64, tpu.core_type = #tpu.core_type<sc_vector_subcore>, window_params = [{transform_indices = #map}, {transform_indices = #map1}, {transform_indices = #map}, {transform_indices = #map2}, {transform_indices = #map2}, {transform_indices = #map}, {transform_indices = #map2}]} {
    %mul3A = arith.constant 16 : i32
    %mul3A_0 = arith.muli %arg0, %mul3A : i32
    %add3A = arith.addi %mul3A_0, %arg1 : i32
    %mul3A_1 = arith.constant 640 : i32
    %mul3A_2 = arith.muli %arg1, %mul3A_1 : i32
    "tpu.region"() ({
      %run_scoped3A_191 = tpu.sem_alloc : memref<!tpu.dma_semaphore, #tpu.memory_space<semaphore_mem>>
      %dma_start3A_192 = arith.constant 0 : i32
      %dma_start3A_193 = tpu.memref_slice %arg13[%mul3A_2, %dma_start3A_192] : memref<10240x64xbf16, #tpu.memory_space<vmem_shared>> -> memref<640x64xbf16, #tpu.memory_space<vmem_shared>>
      tpu.enqueue_dma source(%arg4 : memref<640x64xbf16, #tpu.memory_space<hbm>>) target(%dma_start3A_193 : memref<640x64xbf16, #tpu.memory_space<vmem_shared>>) target_semaphore(%run_scoped3A_191 : memref<!tpu.dma_semaphore, #tpu.memory_space<semaphore_mem>>)
      %dma_wait3A_194 = arith.constant 0 : i32
      %dma_wait3A_195 = tpu.memref_slice %arg13[%mul3A_2, %dma_wait3A_194] : memref<10240x64xbf16, #tpu.memory_space<vmem_shared>> -> memref<640x64xbf16, #tpu.memory_space<vmem_shared>>
      tpu.wait_dma2 semaphore(%run_scoped3A_191 : memref<!tpu.dma_semaphore, #tpu.memory_space<semaphore_mem>>) src(%arg4 : memref<640x64xbf16, #tpu.memory_space<hbm>>) dst(%dma_wait3A_195 : memref<640x64xbf16, #tpu.memory_space<vmem_shared>>)
      tpu.yield
    }) : () -> ()
    "tpu.region"() ({
      %run_scoped3A_191 = tpu.sem_alloc : memref<!tpu.dma_semaphore, #tpu.memory_space<semaphore_mem>>
      %dma_start3A_192 = tpu.memref_slice %arg14[%mul3A_2] : memref<10240xf32, #tpu.memory_space<vmem_shared>> -> memref<640xf32, #tpu.memory_space<vmem_shared>>
      tpu.enqueue_dma source(%arg5 : memref<640xf32, #tpu.memory_space<hbm>>) target(%dma_start3A_192 : memref<640xf32, #tpu.memory_space<vmem_shared>>) target_semaphore(%run_scoped3A_191 : memref<!tpu.dma_semaphore, #tpu.memory_space<semaphore_mem>>)
      %dma_wait3A_193 = tpu.memref_slice %arg14[%mul3A_2] : memref<10240xf32, #tpu.memory_space<vmem_shared>> -> memref<640xf32, #tpu.memory_space<vmem_shared>>
      tpu.wait_dma2 semaphore(%run_scoped3A_191 : memref<!tpu.dma_semaphore, #tpu.memory_space<semaphore_mem>>) src(%arg5 : memref<640xf32, #tpu.memory_space<hbm>>) dst(%dma_wait3A_193 : memref<640xf32, #tpu.memory_space<vmem_shared>>)
      tpu.yield
    }) : () -> ()
    %run_scoped3A = arith.constant 0 : i32
    "tpu.region"() ({
      %run_scoped3A_191 = tpu.sem_alloc : memref<!tpu.dma_semaphore, #tpu.memory_space<semaphore_mem>>
      %dma_start3A_192 = arith.constant 0 : i32
      %dma_start3A_193 = arith.constant 0 : i32
      %dma_start3A_194 = tpu.memref_slice %arg3[%run_scoped3A, %add3A, %dma_start3A_192, %dma_start3A_193] : memref<2x32x125x80xi32, #tpu.memory_space<hbm>> -> memref<1x1x125x80xi32, #tpu.memory_space<hbm>>
      %dma_start3A_195 = tpu.memref_squeeze %dma_start3A_194 : memref<1x1x125x80xi32, #tpu.memory_space<hbm>> -> memref<125x80xi32, #tpu.memory_space<hbm>>
      %dma_start3A_196 = arith.constant 0 : i32
      %dma_start3A_197 = arith.constant 0 : i32
      %dma_start3A_198 = tpu.memref_slice %arg3[%run_scoped3A, %add3A, %dma_start3A_196, %dma_start3A_197] : memref<2x32x125x80xi32, #tpu.memory_space<hbm>> -> memref<1x1x125x80xi32, #tpu.memory_space<hbm>>
      %dma_start3A_199 = tpu.memref_squeeze %dma_start3A_198 : memref<1x1x125x80xi32, #tpu.memory_space<hbm>> -> memref<125x80xi32, #tpu.memory_space<hbm>>
      tpu.enqueue_dma source(%dma_start3A_199 : memref<125x80xi32, #tpu.memory_space<hbm>>) target(%arg9 : memref<125x80xi32, #tpu.memory_space<vmem>>) target_semaphore(%run_scoped3A_191 : memref<!tpu.dma_semaphore, #tpu.memory_space<semaphore_mem>>)
      %dma_wait3A_200 = arith.constant 0 : i32
      %dma_wait3A_201 = arith.constant 0 : i32
      %dma_wait3A_202 = tpu.memref_slice %arg3[%run_scoped3A, %add3A, %dma_wait3A_200, %dma_wait3A_201] : memref<2x32x125x80xi32, #tpu.memory_space<hbm>> -> memref<1x1x125x80xi32, #tpu.memory_space<hbm>>
      %dma_wait3A_203 = tpu.memref_squeeze %dma_wait3A_202 : memref<1x1x125x80xi32, #tpu.memory_space<hbm>> -> memref<125x80xi32, #tpu.memory_space<hbm>>
      %dma_wait3A_204 = arith.constant 0 : i32
      %dma_wait3A_205 = arith.constant 0 : i32
      %dma_wait3A_206 = tpu.memref_slice %arg3[%run_scoped3A, %add3A, %dma_wait3A_204, %dma_wait3A_205] : memref<2x32x125x80xi32, #tpu.memory_space<hbm>> -> memref<1x1x125x80xi32, #tpu.memory_space<hbm>>
      %dma_wait3A_207 = tpu.memref_squeeze %dma_wait3A_206 : memref<1x1x125x80xi32, #tpu.memory_space<hbm>> -> memref<125x80xi32, #tpu.memory_space<hbm>>
      tpu.wait_dma2 semaphore(%run_scoped3A_191 : memref<!tpu.dma_semaphore, #tpu.memory_space<semaphore_mem>>) src(%dma_wait3A_207 : memref<125x80xi32, #tpu.memory_space<hbm>>) dst(%arg9 : memref<125x80xi32, #tpu.memory_space<vmem>>)
      tpu.yield
    }) : () -> ()
    %run_scoped3A_3 = arith.constant 1 : i32
    "tpu.region"() ({
      %run_scoped3A_191 = tpu.sem_alloc : memref<!tpu.dma_semaphore, #tpu.memory_space<semaphore_mem>>
      %dma_start3A_192 = arith.constant 0 : i32
      %dma_start3A_193 = arith.constant 0 : i32
      %dma_start3A_194 = tpu.memref_slice %arg3[%run_scoped3A_3, %add3A, %dma_start3A_192, %dma_start3A_193] : memref<2x32x125x80xi32, #tpu.memory_space<hbm>> -> memref<1x1x125x80xi32, #tpu.memory_space<hbm>>
      %dma_start3A_195 = tpu.memref_squeeze %dma_start3A_194 : memref<1x1x125x80xi32, #tpu.memory_space<hbm>> -> memref<125x80xi32, #tpu.memory_space<hbm>>
      %dma_start3A_196 = arith.constant 0 : i32
      %dma_start3A_197 = arith.constant 0 : i32
      %dma_start3A_198 = tpu.memref_slice %arg3[%run_scoped3A_3, %add3A, %dma_start3A_196, %dma_start3A_197] : memref<2x32x125x80xi32, #tpu.memory_space<hbm>> -> memref<1x1x125x80xi32, #tpu.memory_space<hbm>>
      %dma_start3A_199 = tpu.memref_squeeze %dma_start3A_198 : memref<1x1x125x80xi32, #tpu.memory_space<hbm>> -> memref<125x80xi32, #tpu.memory_space<hbm>>
      tpu.enqueue_dma source(%dma_start3A_199 : memref<125x80xi32, #tpu.memory_space<hbm>>) target(%arg10 : memref<125x80xi32, #tpu.memory_space<vmem>>) target_semaphore(%run_scoped3A_191 : memref<!tpu.dma_semaphore, #tpu.memory_space<semaphore_mem>>)
      %dma_wait3A_200 = arith.constant 0 : i32
      %dma_wait3A_201 = arith.constant 0 : i32
      %dma_wait3A_202 = tpu.memref_slice %arg3[%run_scoped3A_3, %add3A, %dma_wait3A_200, %dma_wait3A_201] : memref<2x32x125x80xi32, #tpu.memory_space<hbm>> -> memref<1x1x125x80xi32, #tpu.memory_space<hbm>>
      %dma_wait3A_203 = tpu.memref_squeeze %dma_wait3A_202 : memref<1x1x125x80xi32, #tpu.memory_space<hbm>> -> memref<125x80xi32, #tpu.memory_space<hbm>>
      %dma_wait3A_204 = arith.constant 0 : i32
      %dma_wait3A_205 = arith.constant 0 : i32
      %dma_wait3A_206 = tpu.memref_slice %arg3[%run_scoped3A_3, %add3A, %dma_wait3A_204, %dma_wait3A_205] : memref<2x32x125x80xi32, #tpu.memory_space<hbm>> -> memref<1x1x125x80xi32, #tpu.memory_space<hbm>>
      %dma_wait3A_207 = tpu.memref_squeeze %dma_wait3A_206 : memref<1x1x125x80xi32, #tpu.memory_space<hbm>> -> memref<125x80xi32, #tpu.memory_space<hbm>>
      tpu.wait_dma2 semaphore(%run_scoped3A_191 : memref<!tpu.dma_semaphore, #tpu.memory_space<semaphore_mem>>) src(%dma_wait3A_207 : memref<125x80xi32, #tpu.memory_space<hbm>>) dst(%arg10 : memref<125x80xi32, #tpu.memory_space<vmem>>)
      tpu.yield
    }) : () -> ()
    "tpu.region"() ({
      %run_scoped3A_191 = tpu.sem_alloc : memref<!tpu.dma_semaphore, #tpu.memory_space<semaphore_mem>>
      tpu.enqueue_dma source(%arg6 : memref<80xf32, #tpu.memory_space<hbm>>) target(%arg12 : memref<80xf32, #tpu.memory_space<vmem>>) target_semaphore(%run_scoped3A_191 : memref<!tpu.dma_semaphore, #tpu.memory_space<semaphore_mem>>)
      tpu.wait_dma2 semaphore(%run_scoped3A_191 : memref<!tpu.dma_semaphore, #tpu.memory_space<semaphore_mem>>) src(%arg6 : memref<80xf32, #tpu.memory_space<hbm>>) dst(%arg12 : memref<80xf32, #tpu.memory_space<vmem>>)
      tpu.yield
    }) : () -> ()
    %barrier3A = arith.constant 0 : index
    tpu.barrier barrier_id(%barrier3A)
    %mul3A_4 = arith.constant 10240 : i32
    %mul3A_5 = arith.muli %arg0, %mul3A_4 : i32
    %add3A_6 = arith.addi %mul3A_5, %mul3A_2 : i32
    %dma_start3A = arith.constant 0 : i32
    %dma_start3A_7 = arith.constant 0 : i32
    %dma_start3A_8 = arith.constant 0 : i32
    %dma_start3A_9 = arith.constant 0 : i32
    %dma_start3A_10 = arith.constant 0 : i32
    %dma_start3A_11 = tpu.memref_slice %arg11[%dma_start3A_7, %dma_start3A_9, %dma_start3A_10] : memref<5x80x64xbf16, #tpu.memory_space<vmem>> -> memref<1x80x64xbf16, #tpu.memory_space<vmem>>
    %dma_start3A_12 = tpu.memref_squeeze %dma_start3A_11 : memref<1x80x64xbf16, #tpu.memory_space<vmem>> -> memref<80x64xbf16, #tpu.memory_space<vmem>>
    %dma_start3A_13 = arith.constant 0 : i32
    %dma_start3A_14 = tpu.memref_slice %arg9[%dma_start3A, %dma_start3A_13] : memref<125x80xi32, #tpu.memory_space<vmem>> -> memref<1x80xi32, #tpu.memory_space<vmem>>
    %dma_start3A_15 = tpu.memref_squeeze %dma_start3A_14 : memref<1x80xi32, #tpu.memory_space<vmem>> -> memref<80xi32, #tpu.memory_space<vmem>>
    %dma_start3A_16 = arith.constant 0 : i32
    %dma_start3A_17 = arith.constant 0 : i32
    %dma_start3A_18 = tpu.memref_slice %arg2[%dma_start3A_16, %dma_start3A_17] : memref<10000x64xbf16, #tpu.memory_space<hbm>> -> memref<10000x64xbf16, #tpu.memory_space<hbm>>
    %dma_start3A_19 = tpu.memref_slice %arg15[%dma_start3A_8] : memref<5x!tpu.dma_semaphore, #tpu.memory_space<semaphore_mem>> -> memref<1x!tpu.dma_semaphore, #tpu.memory_space<semaphore_mem>>
    %dma_start3A_20 = tpu.memref_squeeze %dma_start3A_19 : memref<1x!tpu.dma_semaphore, #tpu.memory_space<semaphore_mem>> -> memref<!tpu.dma_semaphore, #tpu.memory_space<semaphore_mem>>
    tpu.enqueue_indirect_dma source(%dma_start3A_18 : memref<10000x64xbf16, #tpu.memory_space<hbm>>) target(%dma_start3A_12 : memref<80x64xbf16, #tpu.memory_space<vmem>>) offsets(%dma_start3A_15 : memref<80xi32, #tpu.memory_space<vmem>>) semaphore(%dma_start3A_20 : memref<!tpu.dma_semaphore, #tpu.memory_space<semaphore_mem>>)
    %dma_start3A_21 = arith.constant 1 : i32
    %dma_start3A_22 = arith.constant 1 : i32
    %dma_start3A_23 = arith.constant 1 : i32
    %dma_start3A_24 = arith.constant 0 : i32
    %dma_start3A_25 = arith.constant 0 : i32
    %dma_start3A_26 = tpu.memref_slice %arg11[%dma_start3A_22, %dma_start3A_24, %dma_start3A_25] : memref<5x80x64xbf16, #tpu.memory_space<vmem>> -> memref<1x80x64xbf16, #tpu.memory_space<vmem>>
    %dma_start3A_27 = tpu.memref_squeeze %dma_start3A_26 : memref<1x80x64xbf16, #tpu.memory_space<vmem>> -> memref<80x64xbf16, #tpu.memory_space<vmem>>
    %dma_start3A_28 = arith.constant 0 : i32
    %dma_start3A_29 = tpu.memref_slice %arg9[%dma_start3A_21, %dma_start3A_28] : memref<125x80xi32, #tpu.memory_space<vmem>> -> memref<1x80xi32, #tpu.memory_space<vmem>>
    %dma_start3A_30 = tpu.memref_squeeze %dma_start3A_29 : memref<1x80xi32, #tpu.memory_space<vmem>> -> memref<80xi32, #tpu.memory_space<vmem>>
    %dma_start3A_31 = arith.constant 0 : i32
    %dma_start3A_32 = arith.constant 0 : i32
    %dma_start3A_33 = tpu.memref_slice %arg2[%dma_start3A_31, %dma_start3A_32] : memref<10000x64xbf16, #tpu.memory_space<hbm>> -> memref<10000x64xbf16, #tpu.memory_space<hbm>>
    %dma_start3A_34 = tpu.memref_slice %arg15[%dma_start3A_23] : memref<5x!tpu.dma_semaphore, #tpu.memory_space<semaphore_mem>> -> memref<1x!tpu.dma_semaphore, #tpu.memory_space<semaphore_mem>>
    %dma_start3A_35 = tpu.memref_squeeze %dma_start3A_34 : memref<1x!tpu.dma_semaphore, #tpu.memory_space<semaphore_mem>> -> memref<!tpu.dma_semaphore, #tpu.memory_space<semaphore_mem>>
    tpu.enqueue_indirect_dma source(%dma_start3A_33 : memref<10000x64xbf16, #tpu.memory_space<hbm>>) target(%dma_start3A_27 : memref<80x64xbf16, #tpu.memory_space<vmem>>) offsets(%dma_start3A_30 : memref<80xi32, #tpu.memory_space<vmem>>) semaphore(%dma_start3A_35 : memref<!tpu.dma_semaphore, #tpu.memory_space<semaphore_mem>>)
    %dma_start3A_36 = arith.constant 2 : i32
    %dma_start3A_37 = arith.constant 2 : i32
    %dma_start3A_38 = arith.constant 2 : i32
    %dma_start3A_39 = arith.constant 0 : i32
    %dma_start3A_40 = arith.constant 0 : i32
    %dma_start3A_41 = tpu.memref_slice %arg11[%dma_start3A_37, %dma_start3A_39, %dma_start3A_40] : memref<5x80x64xbf16, #tpu.memory_space<vmem>> -> memref<1x80x64xbf16, #tpu.memory_space<vmem>>
    %dma_start3A_42 = tpu.memref_squeeze %dma_start3A_41 : memref<1x80x64xbf16, #tpu.memory_space<vmem>> -> memref<80x64xbf16, #tpu.memory_space<vmem>>
    %dma_start3A_43 = arith.constant 0 : i32
    %dma_start3A_44 = tpu.memref_slice %arg9[%dma_start3A_36, %dma_start3A_43] : memref<125x80xi32, #tpu.memory_space<vmem>> -> memref<1x80xi32, #tpu.memory_space<vmem>>
    %dma_start3A_45 = tpu.memref_squeeze %dma_start3A_44 : memref<1x80xi32, #tpu.memory_space<vmem>> -> memref<80xi32, #tpu.memory_space<vmem>>
    %dma_start3A_46 = arith.constant 0 : i32
    %dma_start3A_47 = arith.constant 0 : i32
    %dma_start3A_48 = tpu.memref_slice %arg2[%dma_start3A_46, %dma_start3A_47] : memref<10000x64xbf16, #tpu.memory_space<hbm>> -> memref<10000x64xbf16, #tpu.memory_space<hbm>>
    %dma_start3A_49 = tpu.memref_slice %arg15[%dma_start3A_38] : memref<5x!tpu.dma_semaphore, #tpu.memory_space<semaphore_mem>> -> memref<1x!tpu.dma_semaphore, #tpu.memory_space<semaphore_mem>>
    %dma_start3A_50 = tpu.memref_squeeze %dma_start3A_49 : memref<1x!tpu.dma_semaphore, #tpu.memory_space<semaphore_mem>> -> memref<!tpu.dma_semaphore, #tpu.memory_space<semaphore_mem>>
    tpu.enqueue_indirect_dma source(%dma_start3A_48 : memref<10000x64xbf16, #tpu.memory_space<hbm>>) target(%dma_start3A_42 : memref<80x64xbf16, #tpu.memory_space<vmem>>) offsets(%dma_start3A_45 : memref<80xi32, #tpu.memory_space<vmem>>) semaphore(%dma_start3A_50 : memref<!tpu.dma_semaphore, #tpu.memory_space<semaphore_mem>>)
    %dma_start3A_51 = arith.constant 3 : i32
    %dma_start3A_52 = arith.constant 3 : i32
    %dma_start3A_53 = arith.constant 3 : i32
    %dma_start3A_54 = arith.constant 0 : i32
    %dma_start3A_55 = arith.constant 0 : i32
    %dma_start3A_56 = tpu.memref_slice %arg11[%dma_start3A_52, %dma_start3A_54, %dma_start3A_55] : memref<5x80x64xbf16, #tpu.memory_space<vmem>> -> memref<1x80x64xbf16, #tpu.memory_space<vmem>>
    %dma_start3A_57 = tpu.memref_squeeze %dma_start3A_56 : memref<1x80x64xbf16, #tpu.memory_space<vmem>> -> memref<80x64xbf16, #tpu.memory_space<vmem>>
    %dma_start3A_58 = arith.constant 0 : i32
    %dma_start3A_59 = tpu.memref_slice %arg9[%dma_start3A_51, %dma_start3A_58] : memref<125x80xi32, #tpu.memory_space<vmem>> -> memref<1x80xi32, #tpu.memory_space<vmem>>
    %dma_start3A_60 = tpu.memref_squeeze %dma_start3A_59 : memref<1x80xi32, #tpu.memory_space<vmem>> -> memref<80xi32, #tpu.memory_space<vmem>>
    %dma_start3A_61 = arith.constant 0 : i32
    %dma_start3A_62 = arith.constant 0 : i32
    %dma_start3A_63 = tpu.memref_slice %arg2[%dma_start3A_61, %dma_start3A_62] : memref<10000x64xbf16, #tpu.memory_space<hbm>> -> memref<10000x64xbf16, #tpu.memory_space<hbm>>
    %dma_start3A_64 = tpu.memref_slice %arg15[%dma_start3A_53] : memref<5x!tpu.dma_semaphore, #tpu.memory_space<semaphore_mem>> -> memref<1x!tpu.dma_semaphore, #tpu.memory_space<semaphore_mem>>
    %dma_start3A_65 = tpu.memref_squeeze %dma_start3A_64 : memref<1x!tpu.dma_semaphore, #tpu.memory_space<semaphore_mem>> -> memref<!tpu.dma_semaphore, #tpu.memory_space<semaphore_mem>>
    tpu.enqueue_indirect_dma source(%dma_start3A_63 : memref<10000x64xbf16, #tpu.memory_space<hbm>>) target(%dma_start3A_57 : memref<80x64xbf16, #tpu.memory_space<vmem>>) offsets(%dma_start3A_60 : memref<80xi32, #tpu.memory_space<vmem>>) semaphore(%dma_start3A_65 : memref<!tpu.dma_semaphore, #tpu.memory_space<semaphore_mem>>)
    %scan3A = arith.constant 0 : i32
    %scan3A_66 = arith.constant 0 : i32
    %scan3A_67 = arith.constant 25 : i32
    %scan3A_68 = arith.addi %scan3A_66, %scan3A_67 : i32
    %scan3A_69 = arith.constant 1 : i32
    scf.for %scan3A_191 = %scan3A_66 to %scan3A_68 step %scan3A_69  : i32 {
      %mul3A_192 = arith.constant 5 : i32
      %mul3A_193 = arith.muli %scan3A_191, %mul3A_192 : i32
      %add3A_194 = arith.constant 0 : i32
      %add3A_195 = arith.addi %mul3A_193, %add3A_194 : i32
      %add3A_196 = arith.constant 4 : i32
      %add3A_197 = arith.addi %add3A_195, %add3A_196 : i32
      %lt3A = arith.constant 125 : i32
      %lt3A_198 = arith.cmpi slt, %add3A_197, %lt3A : i32
      %convert_element_type3A = arith.extui %lt3A_198 : i1 to i32
      %cond3A = arith.constant 0 : i32
      %cond3A_199 = arith.cmpi ne, %convert_element_type3A, %cond3A : i32
      scf.if %cond3A_199 {
        %ge3A_448 = arith.constant 5 : i32
        %ge3A_449 = arith.cmpi sge, %add3A_197, %ge3A_448 : i32
        %convert_element_type3A_450 = arith.extui %ge3A_449 : i1 to i32
        %cond3A_451 = arith.constant 0 : i32
        %cond3A_452 = arith.cmpi ne, %convert_element_type3A_450, %cond3A_451 : i32
        scf.if %cond3A_452 {
          %sub3A = arith.constant 5 : i32
          %sub3A_467 = arith.subi %add3A_197, %sub3A : i32
          %dma_wait3A_468 = arith.constant 4 : i32
          %dma_wait3A_469 = arith.constant 4 : i32
          %dma_wait3A_470 = arith.constant 0 : i32
          %dma_wait3A_471 = arith.constant 0 : i32
          %dma_wait3A_472 = tpu.memref_slice %arg11[%dma_wait3A_468, %dma_wait3A_470, %dma_wait3A_471] : memref<5x80x64xbf16, #tpu.memory_space<vmem>> -> memref<1x80x64xbf16, #tpu.memory_space<vmem>>
          %dma_wait3A_473 = tpu.memref_squeeze %dma_wait3A_472 : memref<1x80x64xbf16, #tpu.memory_space<vmem>> -> memref<80x64xbf16, #tpu.memory_space<vmem>>
          %dma_wait3A_474 = arith.constant 0 : i32
          %dma_wait3A_475 = tpu.memref_slice %arg10[%sub3A_467, %dma_wait3A_474] : memref<125x80xi32, #tpu.memory_space<vmem>> -> memref<1x80xi32, #tpu.memory_space<vmem>>
          %dma_wait3A_476 = tpu.memref_squeeze %dma_wait3A_475 : memref<1x80xi32, #tpu.memory_space<vmem>> -> memref<80xi32, #tpu.memory_space<vmem>>
          %dma_wait3A_477 = arith.constant 0 : i32
          %dma_wait3A_478 = arith.constant 0 : i32
          %dma_wait3A_479 = tpu.memref_slice %arg13[%dma_wait3A_477, %dma_wait3A_478] : memref<10240x64xbf16, #tpu.memory_space<vmem_shared>> -> memref<10240x64xbf16, #tpu.memory_space<vmem_shared>>
          %dma_wait3A_480 = tpu.memref_slice %arg16[%dma_wait3A_469] : memref<5x!tpu.dma_semaphore, #tpu.memory_space<semaphore_mem>> -> memref<1x!tpu.dma_semaphore, #tpu.memory_space<semaphore_mem>>
          %dma_wait3A_481 = tpu.memref_squeeze %dma_wait3A_480 : memref<1x!tpu.dma_semaphore, #tpu.memory_space<semaphore_mem>> -> memref<!tpu.dma_semaphore, #tpu.memory_space<semaphore_mem>>
          tpu.wait_indirect_dma semaphore(%dma_wait3A_481 : memref<!tpu.dma_semaphore, #tpu.memory_space<semaphore_mem>>) src(%dma_wait3A_473 : memref<80x64xbf16, #tpu.memory_space<vmem>>) dst(%dma_wait3A_479 : memref<10240x64xbf16, #tpu.memory_space<vmem_shared>>)
        } else {
        }
        %dma_start3A_453 = arith.constant 4 : i32
        %dma_start3A_454 = arith.constant 4 : i32
        %dma_start3A_455 = arith.constant 0 : i32
        %dma_start3A_456 = arith.constant 0 : i32
        %dma_start3A_457 = tpu.memref_slice %arg11[%dma_start3A_453, %dma_start3A_455, %dma_start3A_456] : memref<5x80x64xbf16, #tpu.memory_space<vmem>> -> memref<1x80x64xbf16, #tpu.memory_space<vmem>>
        %dma_start3A_458 = tpu.memref_squeeze %dma_start3A_457 : memref<1x80x64xbf16, #tpu.memory_space<vmem>> -> memref<80x64xbf16, #tpu.memory_space<vmem>>
        %dma_start3A_459 = arith.constant 0 : i32
        %dma_start3A_460 = tpu.memref_slice %arg9[%add3A_197, %dma_start3A_459] : memref<125x80xi32, #tpu.memory_space<vmem>> -> memref<1x80xi32, #tpu.memory_space<vmem>>
        %dma_start3A_461 = tpu.memref_squeeze %dma_start3A_460 : memref<1x80xi32, #tpu.memory_space<vmem>> -> memref<80xi32, #tpu.memory_space<vmem>>
        %dma_start3A_462 = arith.constant 0 : i32
        %dma_start3A_463 = arith.constant 0 : i32
        %dma_start3A_464 = tpu.memref_slice %arg2[%dma_start3A_462, %dma_start3A_463] : memref<10000x64xbf16, #tpu.memory_space<hbm>> -> memref<10000x64xbf16, #tpu.memory_space<hbm>>
        %dma_start3A_465 = tpu.memref_slice %arg15[%dma_start3A_454] : memref<5x!tpu.dma_semaphore, #tpu.memory_space<semaphore_mem>> -> memref<1x!tpu.dma_semaphore, #tpu.memory_space<semaphore_mem>>
        %dma_start3A_466 = tpu.memref_squeeze %dma_start3A_465 : memref<1x!tpu.dma_semaphore, #tpu.memory_space<semaphore_mem>> -> memref<!tpu.dma_semaphore, #tpu.memory_space<semaphore_mem>>
        tpu.enqueue_indirect_dma source(%dma_start3A_464 : memref<10000x64xbf16, #tpu.memory_space<hbm>>) target(%dma_start3A_458 : memref<80x64xbf16, #tpu.memory_space<vmem>>) offsets(%dma_start3A_461 : memref<80xi32, #tpu.memory_space<vmem>>) semaphore(%dma_start3A_466 : memref<!tpu.dma_semaphore, #tpu.memory_space<semaphore_mem>>)
      } else {
      }
      %dma_wait3A_200 = arith.constant 0 : i32
      %dma_wait3A_201 = arith.constant 0 : i32
      %dma_wait3A_202 = arith.constant 0 : i32
      %dma_wait3A_203 = arith.constant 0 : i32
      %dma_wait3A_204 = tpu.memref_slice %arg11[%dma_wait3A_200, %dma_wait3A_202, %dma_wait3A_203] : memref<5x80x64xbf16, #tpu.memory_space<vmem>> -> memref<1x80x64xbf16, #tpu.memory_space<vmem>>
      %dma_wait3A_205 = tpu.memref_squeeze %dma_wait3A_204 : memref<1x80x64xbf16, #tpu.memory_space<vmem>> -> memref<80x64xbf16, #tpu.memory_space<vmem>>
      %dma_wait3A_206 = arith.constant 0 : i32
      %dma_wait3A_207 = tpu.memref_slice %arg9[%add3A_195, %dma_wait3A_206] : memref<125x80xi32, #tpu.memory_space<vmem>> -> memref<1x80xi32, #tpu.memory_space<vmem>>
      %dma_wait3A_208 = tpu.memref_squeeze %dma_wait3A_207 : memref<1x80xi32, #tpu.memory_space<vmem>> -> memref<80xi32, #tpu.memory_space<vmem>>
      %dma_wait3A_209 = arith.constant 0 : i32
      %dma_wait3A_210 = arith.constant 0 : i32
      %dma_wait3A_211 = tpu.memref_slice %arg2[%dma_wait3A_209, %dma_wait3A_210] : memref<10000x64xbf16, #tpu.memory_space<hbm>> -> memref<10000x64xbf16, #tpu.memory_space<hbm>>
      %dma_wait3A_212 = tpu.memref_slice %arg15[%dma_wait3A_201] : memref<5x!tpu.dma_semaphore, #tpu.memory_space<semaphore_mem>> -> memref<1x!tpu.dma_semaphore, #tpu.memory_space<semaphore_mem>>
      %dma_wait3A_213 = tpu.memref_squeeze %dma_wait3A_212 : memref<1x!tpu.dma_semaphore, #tpu.memory_space<semaphore_mem>> -> memref<!tpu.dma_semaphore, #tpu.memory_space<semaphore_mem>>
      tpu.wait_indirect_dma semaphore(%dma_wait3A_213 : memref<!tpu.dma_semaphore, #tpu.memory_space<semaphore_mem>>) src(%dma_wait3A_211 : memref<10000x64xbf16, #tpu.memory_space<hbm>>) dst(%dma_wait3A_205 : memref<80x64xbf16, #tpu.memory_space<vmem>>)
      %dma_start3A_214 = arith.constant 0 : i32
      %dma_start3A_215 = arith.constant 0 : i32
      %dma_start3A_216 = arith.constant 0 : i32
      %dma_start3A_217 = arith.constant 0 : i32
      %dma_start3A_218 = tpu.memref_slice %arg11[%dma_start3A_214, %dma_start3A_216, %dma_start3A_217] : memref<5x80x64xbf16, #tpu.memory_space<vmem>> -> memref<1x80x64xbf16, #tpu.memory_space<vmem>>
      %dma_start3A_219 = tpu.memref_squeeze %dma_start3A_218 : memref<1x80x64xbf16, #tpu.memory_space<vmem>> -> memref<80x64xbf16, #tpu.memory_space<vmem>>
      %dma_start3A_220 = arith.constant 0 : i32
      %dma_start3A_221 = tpu.memref_slice %arg10[%add3A_195, %dma_start3A_220] : memref<125x80xi32, #tpu.memory_space<vmem>> -> memref<1x80xi32, #tpu.memory_space<vmem>>
      %dma_start3A_222 = tpu.memref_squeeze %dma_start3A_221 : memref<1x80xi32, #tpu.memory_space<vmem>> -> memref<80xi32, #tpu.memory_space<vmem>>
      %dma_start3A_223 = arith.constant 0 : i32
      %dma_start3A_224 = arith.constant 0 : i32
      %dma_start3A_225 = tpu.memref_slice %arg13[%dma_start3A_223, %dma_start3A_224] : memref<10240x64xbf16, #tpu.memory_space<vmem_shared>> -> memref<10240x64xbf16, #tpu.memory_space<vmem_shared>>
      %dma_start3A_226 = tpu.memref_slice %arg16[%dma_start3A_215] : memref<5x!tpu.dma_semaphore, #tpu.memory_space<semaphore_mem>> -> memref<1x!tpu.dma_semaphore, #tpu.memory_space<semaphore_mem>>
      %dma_start3A_227 = tpu.memref_squeeze %dma_start3A_226 : memref<1x!tpu.dma_semaphore, #tpu.memory_space<semaphore_mem>> -> memref<!tpu.dma_semaphore, #tpu.memory_space<semaphore_mem>>
      tpu.enqueue_indirect_dma source(%dma_start3A_219 : memref<80x64xbf16, #tpu.memory_space<vmem>>) target(%dma_start3A_225 : memref<10240x64xbf16, #tpu.memory_space<vmem_shared>>) offsets(%dma_start3A_222 : memref<80xi32, #tpu.memory_space<vmem>>) semaphore(%dma_start3A_227 : memref<!tpu.dma_semaphore, #tpu.memory_space<semaphore_mem>>) {add = true}
      %ge3A = arith.constant 5 : i32
      %ge3A_228 = arith.cmpi sge, %add3A_195, %ge3A : i32
      %convert_element_type3A_229 = arith.extui %ge3A_228 : i1 to i32
      %cond3A_230 = arith.constant 0 : i32
      %cond3A_231 = arith.cmpi ne, %convert_element_type3A_229, %cond3A_230 : i32
      scf.if %cond3A_231 {
        %sub3A = arith.constant 5 : i32
        %sub3A_448 = arith.subi %add3A_195, %sub3A : i32
        %dma_wait3A_449 = arith.constant 0 : i32
        %dma_wait3A_450 = arith.constant 0 : i32
        %dma_wait3A_451 = tpu.memref_slice %arg10[%sub3A_448, %dma_wait3A_450] : memref<125x80xi32, #tpu.memory_space<vmem>> -> memref<1x80xi32, #tpu.memory_space<vmem>>
        %dma_wait3A_452 = tpu.memref_squeeze %dma_wait3A_451 : memref<1x80xi32, #tpu.memory_space<vmem>> -> memref<80xi32, #tpu.memory_space<vmem>>
        %dma_wait3A_453 = arith.constant 0 : i32
        %dma_wait3A_454 = tpu.memref_slice %arg14[%dma_wait3A_453] : memref<10240xf32, #tpu.memory_space<vmem_shared>> -> memref<10240xf32, #tpu.memory_space<vmem_shared>>
        %dma_wait3A_455 = tpu.memref_slice %arg17[%dma_wait3A_449] : memref<5x!tpu.dma_semaphore, #tpu.memory_space<semaphore_mem>> -> memref<1x!tpu.dma_semaphore, #tpu.memory_space<semaphore_mem>>
        %dma_wait3A_456 = tpu.memref_squeeze %dma_wait3A_455 : memref<1x!tpu.dma_semaphore, #tpu.memory_space<semaphore_mem>> -> memref<!tpu.dma_semaphore, #tpu.memory_space<semaphore_mem>>
        tpu.wait_indirect_dma semaphore(%dma_wait3A_456 : memref<!tpu.dma_semaphore, #tpu.memory_space<semaphore_mem>>) src(%arg12 : memref<80xf32, #tpu.memory_space<vmem>>) dst(%dma_wait3A_454 : memref<10240xf32, #tpu.memory_space<vmem_shared>>)
      } else {
      }
      %dma_start3A_232 = arith.constant 0 : i32
      %dma_start3A_233 = arith.constant 0 : i32
      %dma_start3A_234 = tpu.memref_slice %arg10[%add3A_195, %dma_start3A_233] : memref<125x80xi32, #tpu.memory_space<vmem>> -> memref<1x80xi32, #tpu.memory_space<vmem>>
      %dma_start3A_235 = tpu.memref_squeeze %dma_start3A_234 : memref<1x80xi32, #tpu.memory_space<vmem>> -> memref<80xi32, #tpu.memory_space<vmem>>
      %dma_start3A_236 = arith.constant 0 : i32
      %dma_start3A_237 = tpu.memref_slice %arg14[%dma_start3A_236] : memref<10240xf32, #tpu.memory_space<vmem_shared>> -> memref<10240xf32, #tpu.memory_space<vmem_shared>>
      %dma_start3A_238 = tpu.memref_slice %arg17[%dma_start3A_232] : memref<5x!tpu.dma_semaphore, #tpu.memory_space<semaphore_mem>> -> memref<1x!tpu.dma_semaphore, #tpu.memory_space<semaphore_mem>>
      %dma_start3A_239 = tpu.memref_squeeze %dma_start3A_238 : memref<1x!tpu.dma_semaphore, #tpu.memory_space<semaphore_mem>> -> memref<!tpu.dma_semaphore, #tpu.memory_space<semaphore_mem>>
      tpu.enqueue_indirect_dma source(%arg12 : memref<80xf32, #tpu.memory_space<vmem>>) target(%dma_start3A_237 : memref<10240xf32, #tpu.memory_space<vmem_shared>>) offsets(%dma_start3A_235 : memref<80xi32, #tpu.memory_space<vmem>>) semaphore(%dma_start3A_239 : memref<!tpu.dma_semaphore, #tpu.memory_space<semaphore_mem>>) {add = true}
      %mul3A_240 = arith.constant 5 : i32
      %mul3A_241 = arith.muli %scan3A_191, %mul3A_240 : i32
      %add3A_242 = arith.constant 1 : i32
      %add3A_243 = arith.addi %mul3A_241, %add3A_242 : i32
      %add3A_244 = arith.constant 4 : i32
      %add3A_245 = arith.addi %add3A_243, %add3A_244 : i32
      %lt3A_246 = arith.constant 125 : i32
      %lt3A_247 = arith.cmpi slt, %add3A_245, %lt3A_246 : i32
      %convert_element_type3A_248 = arith.extui %lt3A_247 : i1 to i32
      %cond3A_249 = arith.constant 0 : i32
      %cond3A_250 = arith.cmpi ne, %convert_element_type3A_248, %cond3A_249 : i32
      scf.if %cond3A_250 {
        %ge3A_448 = arith.constant 5 : i32
        %ge3A_449 = arith.cmpi sge, %add3A_245, %ge3A_448 : i32
        %convert_element_type3A_450 = arith.extui %ge3A_449 : i1 to i32
        %cond3A_451 = arith.constant 0 : i32
        %cond3A_452 = arith.cmpi ne, %convert_element_type3A_450, %cond3A_451 : i32
        scf.if %cond3A_452 {
          %sub3A = arith.constant 5 : i32
          %sub3A_467 = arith.subi %add3A_245, %sub3A : i32
          %dma_wait3A_468 = arith.constant 0 : i32
          %dma_wait3A_469 = arith.constant 0 : i32
          %dma_wait3A_470 = arith.constant 0 : i32
          %dma_wait3A_471 = arith.constant 0 : i32
          %dma_wait3A_472 = tpu.memref_slice %arg11[%dma_wait3A_468, %dma_wait3A_470, %dma_wait3A_471] : memref<5x80x64xbf16, #tpu.memory_space<vmem>> -> memref<1x80x64xbf16, #tpu.memory_space<vmem>>
          %dma_wait3A_473 = tpu.memref_squeeze %dma_wait3A_472 : memref<1x80x64xbf16, #tpu.memory_space<vmem>> -> memref<80x64xbf16, #tpu.memory_space<vmem>>
          %dma_wait3A_474 = arith.constant 0 : i32
          %dma_wait3A_475 = tpu.memref_slice %arg10[%sub3A_467, %dma_wait3A_474] : memref<125x80xi32, #tpu.memory_space<vmem>> -> memref<1x80xi32, #tpu.memory_space<vmem>>
          %dma_wait3A_476 = tpu.memref_squeeze %dma_wait3A_475 : memref<1x80xi32, #tpu.memory_space<vmem>> -> memref<80xi32, #tpu.memory_space<vmem>>
          %dma_wait3A_477 = arith.constant 0 : i32
          %dma_wait3A_478 = arith.constant 0 : i32
          %dma_wait3A_479 = tpu.memref_slice %arg13[%dma_wait3A_477, %dma_wait3A_478] : memref<10240x64xbf16, #tpu.memory_space<vmem_shared>> -> memref<10240x64xbf16, #tpu.memory_space<vmem_shared>>
          %dma_wait3A_480 = tpu.memref_slice %arg16[%dma_wait3A_469] : memref<5x!tpu.dma_semaphore, #tpu.memory_space<semaphore_mem>> -> memref<1x!tpu.dma_semaphore, #tpu.memory_space<semaphore_mem>>
          %dma_wait3A_481 = tpu.memref_squeeze %dma_wait3A_480 : memref<1x!tpu.dma_semaphore, #tpu.memory_space<semaphore_mem>> -> memref<!tpu.dma_semaphore, #tpu.memory_space<semaphore_mem>>
          tpu.wait_indirect_dma semaphore(%dma_wait3A_481 : memref<!tpu.dma_semaphore, #tpu.memory_space<semaphore_mem>>) src(%dma_wait3A_473 : memref<80x64xbf16, #tpu.memory_space<vmem>>) dst(%dma_wait3A_479 : memref<10240x64xbf16, #tpu.memory_space<vmem_shared>>)
        } else {
        }
        %dma_start3A_453 = arith.constant 0 : i32
        %dma_start3A_454 = arith.constant 0 : i32
        %dma_start3A_455 = arith.constant 0 : i32
        %dma_start3A_456 = arith.constant 0 : i32
        %dma_start3A_457 = tpu.memref_slice %arg11[%dma_start3A_453, %dma_start3A_455, %dma_start3A_456] : memref<5x80x64xbf16, #tpu.memory_space<vmem>> -> memref<1x80x64xbf16, #tpu.memory_space<vmem>>
        %dma_start3A_458 = tpu.memref_squeeze %dma_start3A_457 : memref<1x80x64xbf16, #tpu.memory_space<vmem>> -> memref<80x64xbf16, #tpu.memory_space<vmem>>
        %dma_start3A_459 = arith.constant 0 : i32
        %dma_start3A_460 = tpu.memref_slice %arg9[%add3A_245, %dma_start3A_459] : memref<125x80xi32, #tpu.memory_space<vmem>> -> memref<1x80xi32, #tpu.memory_space<vmem>>
        %dma_start3A_461 = tpu.memref_squeeze %dma_start3A_460 : memref<1x80xi32, #tpu.memory_space<vmem>> -> memref<80xi32, #tpu.memory_space<vmem>>
        %dma_start3A_462 = arith.constant 0 : i32
        %dma_start3A_463 = arith.constant 0 : i32
        %dma_start3A_464 = tpu.memref_slice %arg2[%dma_start3A_462, %dma_start3A_463] : memref<10000x64xbf16, #tpu.memory_space<hbm>> -> memref<10000x64xbf16, #tpu.memory_space<hbm>>
        %dma_start3A_465 = tpu.memref_slice %arg15[%dma_start3A_454] : memref<5x!tpu.dma_semaphore, #tpu.memory_space<semaphore_mem>> -> memref<1x!tpu.dma_semaphore, #tpu.memory_space<semaphore_mem>>
        %dma_start3A_466 = tpu.memref_squeeze %dma_start3A_465 : memref<1x!tpu.dma_semaphore, #tpu.memory_space<semaphore_mem>> -> memref<!tpu.dma_semaphore, #tpu.memory_space<semaphore_mem>>
        tpu.enqueue_indirect_dma source(%dma_start3A_464 : memref<10000x64xbf16, #tpu.memory_space<hbm>>) target(%dma_start3A_458 : memref<80x64xbf16, #tpu.memory_space<vmem>>) offsets(%dma_start3A_461 : memref<80xi32, #tpu.memory_space<vmem>>) semaphore(%dma_start3A_466 : memref<!tpu.dma_semaphore, #tpu.memory_space<semaphore_mem>>)
      } else {
      }
      %dma_wait3A_251 = arith.constant 1 : i32
      %dma_wait3A_252 = arith.constant 1 : i32
      %dma_wait3A_253 = arith.constant 0 : i32
      %dma_wait3A_254 = arith.constant 0 : i32
      %dma_wait3A_255 = tpu.memref_slice %arg11[%dma_wait3A_251, %dma_wait3A_253, %dma_wait3A_254] : memref<5x80x64xbf16, #tpu.memory_space<vmem>> -> memref<1x80x64xbf16, #tpu.memory_space<vmem>>
      %dma_wait3A_256 = tpu.memref_squeeze %dma_wait3A_255 : memref<1x80x64xbf16, #tpu.memory_space<vmem>> -> memref<80x64xbf16, #tpu.memory_space<vmem>>
      %dma_wait3A_257 = arith.constant 0 : i32
      %dma_wait3A_258 = tpu.memref_slice %arg9[%add3A_243, %dma_wait3A_257] : memref<125x80xi32, #tpu.memory_space<vmem>> -> memref<1x80xi32, #tpu.memory_space<vmem>>
      %dma_wait3A_259 = tpu.memref_squeeze %dma_wait3A_258 : memref<1x80xi32, #tpu.memory_space<vmem>> -> memref<80xi32, #tpu.memory_space<vmem>>
      %dma_wait3A_260 = arith.constant 0 : i32
      %dma_wait3A_261 = arith.constant 0 : i32
      %dma_wait3A_262 = tpu.memref_slice %arg2[%dma_wait3A_260, %dma_wait3A_261] : memref<10000x64xbf16, #tpu.memory_space<hbm>> -> memref<10000x64xbf16, #tpu.memory_space<hbm>>
      %dma_wait3A_263 = tpu.memref_slice %arg15[%dma_wait3A_252] : memref<5x!tpu.dma_semaphore, #tpu.memory_space<semaphore_mem>> -> memref<1x!tpu.dma_semaphore, #tpu.memory_space<semaphore_mem>>
      %dma_wait3A_264 = tpu.memref_squeeze %dma_wait3A_263 : memref<1x!tpu.dma_semaphore, #tpu.memory_space<semaphore_mem>> -> memref<!tpu.dma_semaphore, #tpu.memory_space<semaphore_mem>>
      tpu.wait_indirect_dma semaphore(%dma_wait3A_264 : memref<!tpu.dma_semaphore, #tpu.memory_space<semaphore_mem>>) src(%dma_wait3A_262 : memref<10000x64xbf16, #tpu.memory_space<hbm>>) dst(%dma_wait3A_256 : memref<80x64xbf16, #tpu.memory_space<vmem>>)
      %dma_start3A_265 = arith.constant 1 : i32
      %dma_start3A_266 = arith.constant 1 : i32
      %dma_start3A_267 = arith.constant 0 : i32
      %dma_start3A_268 = arith.constant 0 : i32
      %dma_start3A_269 = tpu.memref_slice %arg11[%dma_start3A_265, %dma_start3A_267, %dma_start3A_268] : memref<5x80x64xbf16, #tpu.memory_space<vmem>> -> memref<1x80x64xbf16, #tpu.memory_space<vmem>>
      %dma_start3A_270 = tpu.memref_squeeze %dma_start3A_269 : memref<1x80x64xbf16, #tpu.memory_space<vmem>> -> memref<80x64xbf16, #tpu.memory_space<vmem>>
      %dma_start3A_271 = arith.constant 0 : i32
      %dma_start3A_272 = tpu.memref_slice %arg10[%add3A_243, %dma_start3A_271] : memref<125x80xi32, #tpu.memory_space<vmem>> -> memref<1x80xi32, #tpu.memory_space<vmem>>
      %dma_start3A_273 = tpu.memref_squeeze %dma_start3A_272 : memref<1x80xi32, #tpu.memory_space<vmem>> -> memref<80xi32, #tpu.memory_space<vmem>>
      %dma_start3A_274 = arith.constant 0 : i32
      %dma_start3A_275 = arith.constant 0 : i32
      %dma_start3A_276 = tpu.memref_slice %arg13[%dma_start3A_274, %dma_start3A_275] : memref<10240x64xbf16, #tpu.memory_space<vmem_shared>> -> memref<10240x64xbf16, #tpu.memory_space<vmem_shared>>
      %dma_start3A_277 = tpu.memref_slice %arg16[%dma_start3A_266] : memref<5x!tpu.dma_semaphore, #tpu.memory_space<semaphore_mem>> -> memref<1x!tpu.dma_semaphore, #tpu.memory_space<semaphore_mem>>
      %dma_start3A_278 = tpu.memref_squeeze %dma_start3A_277 : memref<1x!tpu.dma_semaphore, #tpu.memory_space<semaphore_mem>> -> memref<!tpu.dma_semaphore, #tpu.memory_space<semaphore_mem>>
      tpu.enqueue_indirect_dma source(%dma_start3A_270 : memref<80x64xbf16, #tpu.memory_space<vmem>>) target(%dma_start3A_276 : memref<10240x64xbf16, #tpu.memory_space<vmem_shared>>) offsets(%dma_start3A_273 : memref<80xi32, #tpu.memory_space<vmem>>) semaphore(%dma_start3A_278 : memref<!tpu.dma_semaphore, #tpu.memory_space<semaphore_mem>>) {add = true}
      %ge3A_279 = arith.constant 5 : i32
      %ge3A_280 = arith.cmpi sge, %add3A_243, %ge3A_279 : i32
      %convert_element_type3A_281 = arith.extui %ge3A_280 : i1 to i32
      %cond3A_282 = arith.constant 0 : i32
      %cond3A_283 = arith.cmpi ne, %convert_element_type3A_281, %cond3A_282 : i32
      scf.if %cond3A_283 {
        %sub3A = arith.constant 5 : i32
        %sub3A_448 = arith.subi %add3A_243, %sub3A : i32
        %dma_wait3A_449 = arith.constant 1 : i32
        %dma_wait3A_450 = arith.constant 0 : i32
        %dma_wait3A_451 = tpu.memref_slice %arg10[%sub3A_448, %dma_wait3A_450] : memref<125x80xi32, #tpu.memory_space<vmem>> -> memref<1x80xi32, #tpu.memory_space<vmem>>
        %dma_wait3A_452 = tpu.memref_squeeze %dma_wait3A_451 : memref<1x80xi32, #tpu.memory_space<vmem>> -> memref<80xi32, #tpu.memory_space<vmem>>
        %dma_wait3A_453 = arith.constant 0 : i32
        %dma_wait3A_454 = tpu.memref_slice %arg14[%dma_wait3A_453] : memref<10240xf32, #tpu.memory_space<vmem_shared>> -> memref<10240xf32, #tpu.memory_space<vmem_shared>>
        %dma_wait3A_455 = tpu.memref_slice %arg17[%dma_wait3A_449] : memref<5x!tpu.dma_semaphore, #tpu.memory_space<semaphore_mem>> -> memref<1x!tpu.dma_semaphore, #tpu.memory_space<semaphore_mem>>
        %dma_wait3A_456 = tpu.memref_squeeze %dma_wait3A_455 : memref<1x!tpu.dma_semaphore, #tpu.memory_space<semaphore_mem>> -> memref<!tpu.dma_semaphore, #tpu.memory_space<semaphore_mem>>
        tpu.wait_indirect_dma semaphore(%dma_wait3A_456 : memref<!tpu.dma_semaphore, #tpu.memory_space<semaphore_mem>>) src(%arg12 : memref<80xf32, #tpu.memory_space<vmem>>) dst(%dma_wait3A_454 : memref<10240xf32, #tpu.memory_space<vmem_shared>>)
      } else {
      }
      %dma_start3A_284 = arith.constant 1 : i32
      %dma_start3A_285 = arith.constant 0 : i32
      %dma_start3A_286 = tpu.memref_slice %arg10[%add3A_243, %dma_start3A_285] : memref<125x80xi32, #tpu.memory_space<vmem>> -> memref<1x80xi32, #tpu.memory_space<vmem>>
      %dma_start3A_287 = tpu.memref_squeeze %dma_start3A_286 : memref<1x80xi32, #tpu.memory_space<vmem>> -> memref<80xi32, #tpu.memory_space<vmem>>
      %dma_start3A_288 = arith.constant 0 : i32
      %dma_start3A_289 = tpu.memref_slice %arg14[%dma_start3A_288] : memref<10240xf32, #tpu.memory_space<vmem_shared>> -> memref<10240xf32, #tpu.memory_space<vmem_shared>>
      %dma_start3A_290 = tpu.memref_slice %arg17[%dma_start3A_284] : memref<5x!tpu.dma_semaphore, #tpu.memory_space<semaphore_mem>> -> memref<1x!tpu.dma_semaphore, #tpu.memory_space<semaphore_mem>>
      %dma_start3A_291 = tpu.memref_squeeze %dma_start3A_290 : memref<1x!tpu.dma_semaphore, #tpu.memory_space<semaphore_mem>> -> memref<!tpu.dma_semaphore, #tpu.memory_space<semaphore_mem>>
      tpu.enqueue_indirect_dma source(%arg12 : memref<80xf32, #tpu.memory_space<vmem>>) target(%dma_start3A_289 : memref<10240xf32, #tpu.memory_space<vmem_shared>>) offsets(%dma_start3A_287 : memref<80xi32, #tpu.memory_space<vmem>>) semaphore(%dma_start3A_291 : memref<!tpu.dma_semaphore, #tpu.memory_space<semaphore_mem>>) {add = true}
      %mul3A_292 = arith.constant 5 : i32
      %mul3A_293 = arith.muli %scan3A_191, %mul3A_292 : i32
      %add3A_294 = arith.constant 2 : i32
      %add3A_295 = arith.addi %mul3A_293, %add3A_294 : i32
      %add3A_296 = arith.constant 4 : i32
      %add3A_297 = arith.addi %add3A_295, %add3A_296 : i32
      %lt3A_298 = arith.constant 125 : i32
      %lt3A_299 = arith.cmpi slt, %add3A_297, %lt3A_298 : i32
      %convert_element_type3A_300 = arith.extui %lt3A_299 : i1 to i32
      %cond3A_301 = arith.constant 0 : i32
      %cond3A_302 = arith.cmpi ne, %convert_element_type3A_300, %cond3A_301 : i32
      scf.if %cond3A_302 {
        %ge3A_448 = arith.constant 5 : i32
        %ge3A_449 = arith.cmpi sge, %add3A_297, %ge3A_448 : i32
        %convert_element_type3A_450 = arith.extui %ge3A_449 : i1 to i32
        %cond3A_451 = arith.constant 0 : i32
        %cond3A_452 = arith.cmpi ne, %convert_element_type3A_450, %cond3A_451 : i32
        scf.if %cond3A_452 {
          %sub3A = arith.constant 5 : i32
          %sub3A_467 = arith.subi %add3A_297, %sub3A : i32
          %dma_wait3A_468 = arith.constant 1 : i32
          %dma_wait3A_469 = arith.constant 1 : i32
          %dma_wait3A_470 = arith.constant 0 : i32
          %dma_wait3A_471 = arith.constant 0 : i32
          %dma_wait3A_472 = tpu.memref_slice %arg11[%dma_wait3A_468, %dma_wait3A_470, %dma_wait3A_471] : memref<5x80x64xbf16, #tpu.memory_space<vmem>> -> memref<1x80x64xbf16, #tpu.memory_space<vmem>>
          %dma_wait3A_473 = tpu.memref_squeeze %dma_wait3A_472 : memref<1x80x64xbf16, #tpu.memory_space<vmem>> -> memref<80x64xbf16, #tpu.memory_space<vmem>>
          %dma_wait3A_474 = arith.constant 0 : i32
          %dma_wait3A_475 = tpu.memref_slice %arg10[%sub3A_467, %dma_wait3A_474] : memref<125x80xi32, #tpu.memory_space<vmem>> -> memref<1x80xi32, #tpu.memory_space<vmem>>
          %dma_wait3A_476 = tpu.memref_squeeze %dma_wait3A_475 : memref<1x80xi32, #tpu.memory_space<vmem>> -> memref<80xi32, #tpu.memory_space<vmem>>
          %dma_wait3A_477 = arith.constant 0 : i32
          %dma_wait3A_478 = arith.constant 0 : i32
          %dma_wait3A_479 = tpu.memref_slice %arg13[%dma_wait3A_477, %dma_wait3A_478] : memref<10240x64xbf16, #tpu.memory_space<vmem_shared>> -> memref<10240x64xbf16, #tpu.memory_space<vmem_shared>>
          %dma_wait3A_480 = tpu.memref_slice %arg16[%dma_wait3A_469] : memref<5x!tpu.dma_semaphore, #tpu.memory_space<semaphore_mem>> -> memref<1x!tpu.dma_semaphore, #tpu.memory_space<semaphore_mem>>
          %dma_wait3A_481 = tpu.memref_squeeze %dma_wait3A_480 : memref<1x!tpu.dma_semaphore, #tpu.memory_space<semaphore_mem>> -> memref<!tpu.dma_semaphore, #tpu.memory_space<semaphore_mem>>
          tpu.wait_indirect_dma semaphore(%dma_wait3A_481 : memref<!tpu.dma_semaphore, #tpu.memory_space<semaphore_mem>>) src(%dma_wait3A_473 : memref<80x64xbf16, #tpu.memory_space<vmem>>) dst(%dma_wait3A_479 : memref<10240x64xbf16, #tpu.memory_space<vmem_shared>>)
        } else {
        }
        %dma_start3A_453 = arith.constant 1 : i32
        %dma_start3A_454 = arith.constant 1 : i32
        %dma_start3A_455 = arith.constant 0 : i32
        %dma_start3A_456 = arith.constant 0 : i32
        %dma_start3A_457 = tpu.memref_slice %arg11[%dma_start3A_453, %dma_start3A_455, %dma_start3A_456] : memref<5x80x64xbf16, #tpu.memory_space<vmem>> -> memref<1x80x64xbf16, #tpu.memory_space<vmem>>
        %dma_start3A_458 = tpu.memref_squeeze %dma_start3A_457 : memref<1x80x64xbf16, #tpu.memory_space<vmem>> -> memref<80x64xbf16, #tpu.memory_space<vmem>>
        %dma_start3A_459 = arith.constant 0 : i32
        %dma_start3A_460 = tpu.memref_slice %arg9[%add3A_297, %dma_start3A_459] : memref<125x80xi32, #tpu.memory_space<vmem>> -> memref<1x80xi32, #tpu.memory_space<vmem>>
        %dma_start3A_461 = tpu.memref_squeeze %dma_start3A_460 : memref<1x80xi32, #tpu.memory_space<vmem>> -> memref<80xi32, #tpu.memory_space<vmem>>
        %dma_start3A_462 = arith.constant 0 : i32
        %dma_start3A_463 = arith.constant 0 : i32
        %dma_start3A_464 = tpu.memref_slice %arg2[%dma_start3A_462, %dma_start3A_463] : memref<10000x64xbf16, #tpu.memory_space<hbm>> -> memref<10000x64xbf16, #tpu.memory_space<hbm>>
        %dma_start3A_465 = tpu.memref_slice %arg15[%dma_start3A_454] : memref<5x!tpu.dma_semaphore, #tpu.memory_space<semaphore_mem>> -> memref<1x!tpu.dma_semaphore, #tpu.memory_space<semaphore_mem>>
        %dma_start3A_466 = tpu.memref_squeeze %dma_start3A_465 : memref<1x!tpu.dma_semaphore, #tpu.memory_space<semaphore_mem>> -> memref<!tpu.dma_semaphore, #tpu.memory_space<semaphore_mem>>
        tpu.enqueue_indirect_dma source(%dma_start3A_464 : memref<10000x64xbf16, #tpu.memory_space<hbm>>) target(%dma_start3A_458 : memref<80x64xbf16, #tpu.memory_space<vmem>>) offsets(%dma_start3A_461 : memref<80xi32, #tpu.memory_space<vmem>>) semaphore(%dma_start3A_466 : memref<!tpu.dma_semaphore, #tpu.memory_space<semaphore_mem>>)
      } else {
      }
      %dma_wait3A_303 = arith.constant 2 : i32
      %dma_wait3A_304 = arith.constant 2 : i32
      %dma_wait3A_305 = arith.constant 0 : i32
      %dma_wait3A_306 = arith.constant 0 : i32
      %dma_wait3A_307 = tpu.memref_slice %arg11[%dma_wait3A_303, %dma_wait3A_305, %dma_wait3A_306] : memref<5x80x64xbf16, #tpu.memory_space<vmem>> -> memref<1x80x64xbf16, #tpu.memory_space<vmem>>
      %dma_wait3A_308 = tpu.memref_squeeze %dma_wait3A_307 : memref<1x80x64xbf16, #tpu.memory_space<vmem>> -> memref<80x64xbf16, #tpu.memory_space<vmem>>
      %dma_wait3A_309 = arith.constant 0 : i32
      %dma_wait3A_310 = tpu.memref_slice %arg9[%add3A_295, %dma_wait3A_309] : memref<125x80xi32, #tpu.memory_space<vmem>> -> memref<1x80xi32, #tpu.memory_space<vmem>>
      %dma_wait3A_311 = tpu.memref_squeeze %dma_wait3A_310 : memref<1x80xi32, #tpu.memory_space<vmem>> -> memref<80xi32, #tpu.memory_space<vmem>>
      %dma_wait3A_312 = arith.constant 0 : i32
      %dma_wait3A_313 = arith.constant 0 : i32
      %dma_wait3A_314 = tpu.memref_slice %arg2[%dma_wait3A_312, %dma_wait3A_313] : memref<10000x64xbf16, #tpu.memory_space<hbm>> -> memref<10000x64xbf16, #tpu.memory_space<hbm>>
      %dma_wait3A_315 = tpu.memref_slice %arg15[%dma_wait3A_304] : memref<5x!tpu.dma_semaphore, #tpu.memory_space<semaphore_mem>> -> memref<1x!tpu.dma_semaphore, #tpu.memory_space<semaphore_mem>>
      %dma_wait3A_316 = tpu.memref_squeeze %dma_wait3A_315 : memref<1x!tpu.dma_semaphore, #tpu.memory_space<semaphore_mem>> -> memref<!tpu.dma_semaphore, #tpu.memory_space<semaphore_mem>>
      tpu.wait_indirect_dma semaphore(%dma_wait3A_316 : memref<!tpu.dma_semaphore, #tpu.memory_space<semaphore_mem>>) src(%dma_wait3A_314 : memref<10000x64xbf16, #tpu.memory_space<hbm>>) dst(%dma_wait3A_308 : memref<80x64xbf16, #tpu.memory_space<vmem>>)
      %dma_start3A_317 = arith.constant 2 : i32
      %dma_start3A_318 = arith.constant 2 : i32
      %dma_start3A_319 = arith.constant 0 : i32
      %dma_start3A_320 = arith.constant 0 : i32
      %dma_start3A_321 = tpu.memref_slice %arg11[%dma_start3A_317, %dma_start3A_319, %dma_start3A_320] : memref<5x80x64xbf16, #tpu.memory_space<vmem>> -> memref<1x80x64xbf16, #tpu.memory_space<vmem>>
      %dma_start3A_322 = tpu.memref_squeeze %dma_start3A_321 : memref<1x80x64xbf16, #tpu.memory_space<vmem>> -> memref<80x64xbf16, #tpu.memory_space<vmem>>
      %dma_start3A_323 = arith.constant 0 : i32
      %dma_start3A_324 = tpu.memref_slice %arg10[%add3A_295, %dma_start3A_323] : memref<125x80xi32, #tpu.memory_space<vmem>> -> memref<1x80xi32, #tpu.memory_space<vmem>>
      %dma_start3A_325 = tpu.memref_squeeze %dma_start3A_324 : memref<1x80xi32, #tpu.memory_space<vmem>> -> memref<80xi32, #tpu.memory_space<vmem>>
      %dma_start3A_326 = arith.constant 0 : i32
      %dma_start3A_327 = arith.constant 0 : i32
      %dma_start3A_328 = tpu.memref_slice %arg13[%dma_start3A_326, %dma_start3A_327] : memref<10240x64xbf16, #tpu.memory_space<vmem_shared>> -> memref<10240x64xbf16, #tpu.memory_space<vmem_shared>>
      %dma_start3A_329 = tpu.memref_slice %arg16[%dma_start3A_318] : memref<5x!tpu.dma_semaphore, #tpu.memory_space<semaphore_mem>> -> memref<1x!tpu.dma_semaphore, #tpu.memory_space<semaphore_mem>>
      %dma_start3A_330 = tpu.memref_squeeze %dma_start3A_329 : memref<1x!tpu.dma_semaphore, #tpu.memory_space<semaphore_mem>> -> memref<!tpu.dma_semaphore, #tpu.memory_space<semaphore_mem>>
      tpu.enqueue_indirect_dma source(%dma_start3A_322 : memref<80x64xbf16, #tpu.memory_space<vmem>>) target(%dma_start3A_328 : memref<10240x64xbf16, #tpu.memory_space<vmem_shared>>) offsets(%dma_start3A_325 : memref<80xi32, #tpu.memory_space<vmem>>) semaphore(%dma_start3A_330 : memref<!tpu.dma_semaphore, #tpu.memory_space<semaphore_mem>>) {add = true}
      %ge3A_331 = arith.constant 5 : i32
      %ge3A_332 = arith.cmpi sge, %add3A_295, %ge3A_331 : i32
      %convert_element_type3A_333 = arith.extui %ge3A_332 : i1 to i32
      %cond3A_334 = arith.constant 0 : i32
      %cond3A_335 = arith.cmpi ne, %convert_element_type3A_333, %cond3A_334 : i32
      scf.if %cond3A_335 {
        %sub3A = arith.constant 5 : i32
        %sub3A_448 = arith.subi %add3A_295, %sub3A : i32
        %dma_wait3A_449 = arith.constant 2 : i32
        %dma_wait3A_450 = arith.constant 0 : i32
        %dma_wait3A_451 = tpu.memref_slice %arg10[%sub3A_448, %dma_wait3A_450] : memref<125x80xi32, #tpu.memory_space<vmem>> -> memref<1x80xi32, #tpu.memory_space<vmem>>
        %dma_wait3A_452 = tpu.memref_squeeze %dma_wait3A_451 : memref<1x80xi32, #tpu.memory_space<vmem>> -> memref<80xi32, #tpu.memory_space<vmem>>
        %dma_wait3A_453 = arith.constant 0 : i32
        %dma_wait3A_454 = tpu.memref_slice %arg14[%dma_wait3A_453] : memref<10240xf32, #tpu.memory_space<vmem_shared>> -> memref<10240xf32, #tpu.memory_space<vmem_shared>>
        %dma_wait3A_455 = tpu.memref_slice %arg17[%dma_wait3A_449] : memref<5x!tpu.dma_semaphore, #tpu.memory_space<semaphore_mem>> -> memref<1x!tpu.dma_semaphore, #tpu.memory_space<semaphore_mem>>
        %dma_wait3A_456 = tpu.memref_squeeze %dma_wait3A_455 : memref<1x!tpu.dma_semaphore, #tpu.memory_space<semaphore_mem>> -> memref<!tpu.dma_semaphore, #tpu.memory_space<semaphore_mem>>
        tpu.wait_indirect_dma semaphore(%dma_wait3A_456 : memref<!tpu.dma_semaphore, #tpu.memory_space<semaphore_mem>>) src(%arg12 : memref<80xf32, #tpu.memory_space<vmem>>) dst(%dma_wait3A_454 : memref<10240xf32, #tpu.memory_space<vmem_shared>>)
      } else {
      }
      %dma_start3A_336 = arith.constant 2 : i32
      %dma_start3A_337 = arith.constant 0 : i32
      %dma_start3A_338 = tpu.memref_slice %arg10[%add3A_295, %dma_start3A_337] : memref<125x80xi32, #tpu.memory_space<vmem>> -> memref<1x80xi32, #tpu.memory_space<vmem>>
      %dma_start3A_339 = tpu.memref_squeeze %dma_start3A_338 : memref<1x80xi32, #tpu.memory_space<vmem>> -> memref<80xi32, #tpu.memory_space<vmem>>
      %dma_start3A_340 = arith.constant 0 : i32
      %dma_start3A_341 = tpu.memref_slice %arg14[%dma_start3A_340] : memref<10240xf32, #tpu.memory_space<vmem_shared>> -> memref<10240xf32, #tpu.memory_space<vmem_shared>>
      %dma_start3A_342 = tpu.memref_slice %arg17[%dma_start3A_336] : memref<5x!tpu.dma_semaphore, #tpu.memory_space<semaphore_mem>> -> memref<1x!tpu.dma_semaphore, #tpu.memory_space<semaphore_mem>>
      %dma_start3A_343 = tpu.memref_squeeze %dma_start3A_342 : memref<1x!tpu.dma_semaphore, #tpu.memory_space<semaphore_mem>> -> memref<!tpu.dma_semaphore, #tpu.memory_space<semaphore_mem>>
      tpu.enqueue_indirect_dma source(%arg12 : memref<80xf32, #tpu.memory_space<vmem>>) target(%dma_start3A_341 : memref<10240xf32, #tpu.memory_space<vmem_shared>>) offsets(%dma_start3A_339 : memref<80xi32, #tpu.memory_space<vmem>>) semaphore(%dma_start3A_343 : memref<!tpu.dma_semaphore, #tpu.memory_space<semaphore_mem>>) {add = true}
      %mul3A_344 = arith.constant 5 : i32
      %mul3A_345 = arith.muli %scan3A_191, %mul3A_344 : i32
      %add3A_346 = arith.constant 3 : i32
      %add3A_347 = arith.addi %mul3A_345, %add3A_346 : i32
      %add3A_348 = arith.constant 4 : i32
      %add3A_349 = arith.addi %add3A_347, %add3A_348 : i32
      %lt3A_350 = arith.constant 125 : i32
      %lt3A_351 = arith.cmpi slt, %add3A_349, %lt3A_350 : i32
      %convert_element_type3A_352 = arith.extui %lt3A_351 : i1 to i32
      %cond3A_353 = arith.constant 0 : i32
      %cond3A_354 = arith.cmpi ne, %convert_element_type3A_352, %cond3A_353 : i32
      scf.if %cond3A_354 {
        %ge3A_448 = arith.constant 5 : i32
        %ge3A_449 = arith.cmpi sge, %add3A_349, %ge3A_448 : i32
        %convert_element_type3A_450 = arith.extui %ge3A_449 : i1 to i32
        %cond3A_451 = arith.constant 0 : i32
        %cond3A_452 = arith.cmpi ne, %convert_element_type3A_450, %cond3A_451 : i32
        scf.if %cond3A_452 {
          %sub3A = arith.constant 5 : i32
          %sub3A_467 = arith.subi %add3A_349, %sub3A : i32
          %dma_wait3A_468 = arith.constant 2 : i32
          %dma_wait3A_469 = arith.constant 2 : i32
          %dma_wait3A_470 = arith.constant 0 : i32
          %dma_wait3A_471 = arith.constant 0 : i32
          %dma_wait3A_472 = tpu.memref_slice %arg11[%dma_wait3A_468, %dma_wait3A_470, %dma_wait3A_471] : memref<5x80x64xbf16, #tpu.memory_space<vmem>> -> memref<1x80x64xbf16, #tpu.memory_space<vmem>>
          %dma_wait3A_473 = tpu.memref_squeeze %dma_wait3A_472 : memref<1x80x64xbf16, #tpu.memory_space<vmem>> -> memref<80x64xbf16, #tpu.memory_space<vmem>>
          %dma_wait3A_474 = arith.constant 0 : i32
          %dma_wait3A_475 = tpu.memref_slice %arg10[%sub3A_467, %dma_wait3A_474] : memref<125x80xi32, #tpu.memory_space<vmem>> -> memref<1x80xi32, #tpu.memory_space<vmem>>
          %dma_wait3A_476 = tpu.memref_squeeze %dma_wait3A_475 : memref<1x80xi32, #tpu.memory_space<vmem>> -> memref<80xi32, #tpu.memory_space<vmem>>
          %dma_wait3A_477 = arith.constant 0 : i32
          %dma_wait3A_478 = arith.constant 0 : i32
          %dma_wait3A_479 = tpu.memref_slice %arg13[%dma_wait3A_477, %dma_wait3A_478] : memref<10240x64xbf16, #tpu.memory_space<vmem_shared>> -> memref<10240x64xbf16, #tpu.memory_space<vmem_shared>>
          %dma_wait3A_480 = tpu.memref_slice %arg16[%dma_wait3A_469] : memref<5x!tpu.dma_semaphore, #tpu.memory_space<semaphore_mem>> -> memref<1x!tpu.dma_semaphore, #tpu.memory_space<semaphore_mem>>
          %dma_wait3A_481 = tpu.memref_squeeze %dma_wait3A_480 : memref<1x!tpu.dma_semaphore, #tpu.memory_space<semaphore_mem>> -> memref<!tpu.dma_semaphore, #tpu.memory_space<semaphore_mem>>
          tpu.wait_indirect_dma semaphore(%dma_wait3A_481 : memref<!tpu.dma_semaphore, #tpu.memory_space<semaphore_mem>>) src(%dma_wait3A_473 : memref<80x64xbf16, #tpu.memory_space<vmem>>) dst(%dma_wait3A_479 : memref<10240x64xbf16, #tpu.memory_space<vmem_shared>>)
        } else {
        }
        %dma_start3A_453 = arith.constant 2 : i32
        %dma_start3A_454 = arith.constant 2 : i32
        %dma_start3A_455 = arith.constant 0 : i32
        %dma_start3A_456 = arith.constant 0 : i32
        %dma_start3A_457 = tpu.memref_slice %arg11[%dma_start3A_453, %dma_start3A_455, %dma_start3A_456] : memref<5x80x64xbf16, #tpu.memory_space<vmem>> -> memref<1x80x64xbf16, #tpu.memory_space<vmem>>
        %dma_start3A_458 = tpu.memref_squeeze %dma_start3A_457 : memref<1x80x64xbf16, #tpu.memory_space<vmem>> -> memref<80x64xbf16, #tpu.memory_space<vmem>>
        %dma_start3A_459 = arith.constant 0 : i32
        %dma_start3A_460 = tpu.memref_slice %arg9[%add3A_349, %dma_start3A_459] : memref<125x80xi32, #tpu.memory_space<vmem>> -> memref<1x80xi32, #tpu.memory_space<vmem>>
        %dma_start3A_461 = tpu.memref_squeeze %dma_start3A_460 : memref<1x80xi32, #tpu.memory_space<vmem>> -> memref<80xi32, #tpu.memory_space<vmem>>
        %dma_start3A_462 = arith.constant 0 : i32
        %dma_start3A_463 = arith.constant 0 : i32
        %dma_start3A_464 = tpu.memref_slice %arg2[%dma_start3A_462, %dma_start3A_463] : memref<10000x64xbf16, #tpu.memory_space<hbm>> -> memref<10000x64xbf16, #tpu.memory_space<hbm>>
        %dma_start3A_465 = tpu.memref_slice %arg15[%dma_start3A_454] : memref<5x!tpu.dma_semaphore, #tpu.memory_space<semaphore_mem>> -> memref<1x!tpu.dma_semaphore, #tpu.memory_space<semaphore_mem>>
        %dma_start3A_466 = tpu.memref_squeeze %dma_start3A_465 : memref<1x!tpu.dma_semaphore, #tpu.memory_space<semaphore_mem>> -> memref<!tpu.dma_semaphore, #tpu.memory_space<semaphore_mem>>
        tpu.enqueue_indirect_dma source(%dma_start3A_464 : memref<10000x64xbf16, #tpu.memory_space<hbm>>) target(%dma_start3A_458 : memref<80x64xbf16, #tpu.memory_space<vmem>>) offsets(%dma_start3A_461 : memref<80xi32, #tpu.memory_space<vmem>>) semaphore(%dma_start3A_466 : memref<!tpu.dma_semaphore, #tpu.memory_space<semaphore_mem>>)
      } else {
      }
      %dma_wait3A_355 = arith.constant 3 : i32
      %dma_wait3A_356 = arith.constant 3 : i32
      %dma_wait3A_357 = arith.constant 0 : i32
      %dma_wait3A_358 = arith.constant 0 : i32
      %dma_wait3A_359 = tpu.memref_slice %arg11[%dma_wait3A_355, %dma_wait3A_357, %dma_wait3A_358] : memref<5x80x64xbf16, #tpu.memory_space<vmem>> -> memref<1x80x64xbf16, #tpu.memory_space<vmem>>
      %dma_wait3A_360 = tpu.memref_squeeze %dma_wait3A_359 : memref<1x80x64xbf16, #tpu.memory_space<vmem>> -> memref<80x64xbf16, #tpu.memory_space<vmem>>
      %dma_wait3A_361 = arith.constant 0 : i32
      %dma_wait3A_362 = tpu.memref_slice %arg9[%add3A_347, %dma_wait3A_361] : memref<125x80xi32, #tpu.memory_space<vmem>> -> memref<1x80xi32, #tpu.memory_space<vmem>>
      %dma_wait3A_363 = tpu.memref_squeeze %dma_wait3A_362 : memref<1x80xi32, #tpu.memory_space<vmem>> -> memref<80xi32, #tpu.memory_space<vmem>>
      %dma_wait3A_364 = arith.constant 0 : i32
      %dma_wait3A_365 = arith.constant 0 : i32
      %dma_wait3A_366 = tpu.memref_slice %arg2[%dma_wait3A_364, %dma_wait3A_365] : memref<10000x64xbf16, #tpu.memory_space<hbm>> -> memref<10000x64xbf16, #tpu.memory_space<hbm>>
      %dma_wait3A_367 = tpu.memref_slice %arg15[%dma_wait3A_356] : memref<5x!tpu.dma_semaphore, #tpu.memory_space<semaphore_mem>> -> memref<1x!tpu.dma_semaphore, #tpu.memory_space<semaphore_mem>>
      %dma_wait3A_368 = tpu.memref_squeeze %dma_wait3A_367 : memref<1x!tpu.dma_semaphore, #tpu.memory_space<semaphore_mem>> -> memref<!tpu.dma_semaphore, #tpu.memory_space<semaphore_mem>>
      tpu.wait_indirect_dma semaphore(%dma_wait3A_368 : memref<!tpu.dma_semaphore, #tpu.memory_space<semaphore_mem>>) src(%dma_wait3A_366 : memref<10000x64xbf16, #tpu.memory_space<hbm>>) dst(%dma_wait3A_360 : memref<80x64xbf16, #tpu.memory_space<vmem>>)
      %dma_start3A_369 = arith.constant 3 : i32
      %dma_start3A_370 = arith.constant 3 : i32
      %dma_start3A_371 = arith.constant 0 : i32
      %dma_start3A_372 = arith.constant 0 : i32
      %dma_start3A_373 = tpu.memref_slice %arg11[%dma_start3A_369, %dma_start3A_371, %dma_start3A_372] : memref<5x80x64xbf16, #tpu.memory_space<vmem>> -> memref<1x80x64xbf16, #tpu.memory_space<vmem>>
      %dma_start3A_374 = tpu.memref_squeeze %dma_start3A_373 : memref<1x80x64xbf16, #tpu.memory_space<vmem>> -> memref<80x64xbf16, #tpu.memory_space<vmem>>
      %dma_start3A_375 = arith.constant 0 : i32
      %dma_start3A_376 = tpu.memref_slice %arg10[%add3A_347, %dma_start3A_375] : memref<125x80xi32, #tpu.memory_space<vmem>> -> memref<1x80xi32, #tpu.memory_space<vmem>>
      %dma_start3A_377 = tpu.memref_squeeze %dma_start3A_376 : memref<1x80xi32, #tpu.memory_space<vmem>> -> memref<80xi32, #tpu.memory_space<vmem>>
      %dma_start3A_378 = arith.constant 0 : i32
      %dma_start3A_379 = arith.constant 0 : i32
      %dma_start3A_380 = tpu.memref_slice %arg13[%dma_start3A_378, %dma_start3A_379] : memref<10240x64xbf16, #tpu.memory_space<vmem_shared>> -> memref<10240x64xbf16, #tpu.memory_space<vmem_shared>>
      %dma_start3A_381 = tpu.memref_slice %arg16[%dma_start3A_370] : memref<5x!tpu.dma_semaphore, #tpu.memory_space<semaphore_mem>> -> memref<1x!tpu.dma_semaphore, #tpu.memory_space<semaphore_mem>>
      %dma_start3A_382 = tpu.memref_squeeze %dma_start3A_381 : memref<1x!tpu.dma_semaphore, #tpu.memory_space<semaphore_mem>> -> memref<!tpu.dma_semaphore, #tpu.memory_space<semaphore_mem>>
      tpu.enqueue_indirect_dma source(%dma_start3A_374 : memref<80x64xbf16, #tpu.memory_space<vmem>>) target(%dma_start3A_380 : memref<10240x64xbf16, #tpu.memory_space<vmem_shared>>) offsets(%dma_start3A_377 : memref<80xi32, #tpu.memory_space<vmem>>) semaphore(%dma_start3A_382 : memref<!tpu.dma_semaphore, #tpu.memory_space<semaphore_mem>>) {add = true}
      %ge3A_383 = arith.constant 5 : i32
      %ge3A_384 = arith.cmpi sge, %add3A_347, %ge3A_383 : i32
      %convert_element_type3A_385 = arith.extui %ge3A_384 : i1 to i32
      %cond3A_386 = arith.constant 0 : i32
      %cond3A_387 = arith.cmpi ne, %convert_element_type3A_385, %cond3A_386 : i32
      scf.if %cond3A_387 {
        %sub3A = arith.constant 5 : i32
        %sub3A_448 = arith.subi %add3A_347, %sub3A : i32
        %dma_wait3A_449 = arith.constant 3 : i32
        %dma_wait3A_450 = arith.constant 0 : i32
        %dma_wait3A_451 = tpu.memref_slice %arg10[%sub3A_448, %dma_wait3A_450] : memref<125x80xi32, #tpu.memory_space<vmem>> -> memref<1x80xi32, #tpu.memory_space<vmem>>
        %dma_wait3A_452 = tpu.memref_squeeze %dma_wait3A_451 : memref<1x80xi32, #tpu.memory_space<vmem>> -> memref<80xi32, #tpu.memory_space<vmem>>
        %dma_wait3A_453 = arith.constant 0 : i32
        %dma_wait3A_454 = tpu.memref_slice %arg14[%dma_wait3A_453] : memref<10240xf32, #tpu.memory_space<vmem_shared>> -> memref<10240xf32, #tpu.memory_space<vmem_shared>>
        %dma_wait3A_455 = tpu.memref_slice %arg17[%dma_wait3A_449] : memref<5x!tpu.dma_semaphore, #tpu.memory_space<semaphore_mem>> -> memref<1x!tpu.dma_semaphore, #tpu.memory_space<semaphore_mem>>
        %dma_wait3A_456 = tpu.memref_squeeze %dma_wait3A_455 : memref<1x!tpu.dma_semaphore, #tpu.memory_space<semaphore_mem>> -> memref<!tpu.dma_semaphore, #tpu.memory_space<semaphore_mem>>
        tpu.wait_indirect_dma semaphore(%dma_wait3A_456 : memref<!tpu.dma_semaphore, #tpu.memory_space<semaphore_mem>>) src(%arg12 : memref<80xf32, #tpu.memory_space<vmem>>) dst(%dma_wait3A_454 : memref<10240xf32, #tpu.memory_space<vmem_shared>>)
      } else {
      }
      %dma_start3A_388 = arith.constant 3 : i32
      %dma_start3A_389 = arith.constant 0 : i32
      %dma_start3A_390 = tpu.memref_slice %arg10[%add3A_347, %dma_start3A_389] : memref<125x80xi32, #tpu.memory_space<vmem>> -> memref<1x80xi32, #tpu.memory_space<vmem>>
      %dma_start3A_391 = tpu.memref_squeeze %dma_start3A_390 : memref<1x80xi32, #tpu.memory_space<vmem>> -> memref<80xi32, #tpu.memory_space<vmem>>
      %dma_start3A_392 = arith.constant 0 : i32
      %dma_start3A_393 = tpu.memref_slice %arg14[%dma_start3A_392] : memref<10240xf32, #tpu.memory_space<vmem_shared>> -> memref<10240xf32, #tpu.memory_space<vmem_shared>>
      %dma_start3A_394 = tpu.memref_slice %arg17[%dma_start3A_388] : memref<5x!tpu.dma_semaphore, #tpu.memory_space<semaphore_mem>> -> memref<1x!tpu.dma_semaphore, #tpu.memory_space<semaphore_mem>>
      %dma_start3A_395 = tpu.memref_squeeze %dma_start3A_394 : memref<1x!tpu.dma_semaphore, #tpu.memory_space<semaphore_mem>> -> memref<!tpu.dma_semaphore, #tpu.memory_space<semaphore_mem>>
      tpu.enqueue_indirect_dma source(%arg12 : memref<80xf32, #tpu.memory_space<vmem>>) target(%dma_start3A_393 : memref<10240xf32, #tpu.memory_space<vmem_shared>>) offsets(%dma_start3A_391 : memref<80xi32, #tpu.memory_space<vmem>>) semaphore(%dma_start3A_395 : memref<!tpu.dma_semaphore, #tpu.memory_space<semaphore_mem>>) {add = true}
      %mul3A_396 = arith.constant 5 : i32
      %mul3A_397 = arith.muli %scan3A_191, %mul3A_396 : i32
      %add3A_398 = arith.constant 4 : i32
      %add3A_399 = arith.addi %mul3A_397, %add3A_398 : i32
      %add3A_400 = arith.constant 4 : i32
      %add3A_401 = arith.addi %add3A_399, %add3A_400 : i32
      %lt3A_402 = arith.constant 125 : i32
      %lt3A_403 = arith.cmpi slt, %add3A_401, %lt3A_402 : i32
      %convert_element_type3A_404 = arith.extui %lt3A_403 : i1 to i32
      %cond3A_405 = arith.constant 0 : i32
      %cond3A_406 = arith.cmpi ne, %convert_element_type3A_404, %cond3A_405 : i32
      scf.if %cond3A_406 {
        %ge3A_448 = arith.constant 5 : i32
        %ge3A_449 = arith.cmpi sge, %add3A_401, %ge3A_448 : i32
        %convert_element_type3A_450 = arith.extui %ge3A_449 : i1 to i32
        %cond3A_451 = arith.constant 0 : i32
        %cond3A_452 = arith.cmpi ne, %convert_element_type3A_450, %cond3A_451 : i32
        scf.if %cond3A_452 {
          %sub3A = arith.constant 5 : i32
          %sub3A_467 = arith.subi %add3A_401, %sub3A : i32
          %dma_wait3A_468 = arith.constant 3 : i32
          %dma_wait3A_469 = arith.constant 3 : i32
          %dma_wait3A_470 = arith.constant 0 : i32
          %dma_wait3A_471 = arith.constant 0 : i32
          %dma_wait3A_472 = tpu.memref_slice %arg11[%dma_wait3A_468, %dma_wait3A_470, %dma_wait3A_471] : memref<5x80x64xbf16, #tpu.memory_space<vmem>> -> memref<1x80x64xbf16, #tpu.memory_space<vmem>>
          %dma_wait3A_473 = tpu.memref_squeeze %dma_wait3A_472 : memref<1x80x64xbf16, #tpu.memory_space<vmem>> -> memref<80x64xbf16, #tpu.memory_space<vmem>>
          %dma_wait3A_474 = arith.constant 0 : i32
          %dma_wait3A_475 = tpu.memref_slice %arg10[%sub3A_467, %dma_wait3A_474] : memref<125x80xi32, #tpu.memory_space<vmem>> -> memref<1x80xi32, #tpu.memory_space<vmem>>
          %dma_wait3A_476 = tpu.memref_squeeze %dma_wait3A_475 : memref<1x80xi32, #tpu.memory_space<vmem>> -> memref<80xi32, #tpu.memory_space<vmem>>
          %dma_wait3A_477 = arith.constant 0 : i32
          %dma_wait3A_478 = arith.constant 0 : i32
          %dma_wait3A_479 = tpu.memref_slice %arg13[%dma_wait3A_477, %dma_wait3A_478] : memref<10240x64xbf16, #tpu.memory_space<vmem_shared>> -> memref<10240x64xbf16, #tpu.memory_space<vmem_shared>>
          %dma_wait3A_480 = tpu.memref_slice %arg16[%dma_wait3A_469] : memref<5x!tpu.dma_semaphore, #tpu.memory_space<semaphore_mem>> -> memref<1x!tpu.dma_semaphore, #tpu.memory_space<semaphore_mem>>
          %dma_wait3A_481 = tpu.memref_squeeze %dma_wait3A_480 : memref<1x!tpu.dma_semaphore, #tpu.memory_space<semaphore_mem>> -> memref<!tpu.dma_semaphore, #tpu.memory_space<semaphore_mem>>
          tpu.wait_indirect_dma semaphore(%dma_wait3A_481 : memref<!tpu.dma_semaphore, #tpu.memory_space<semaphore_mem>>) src(%dma_wait3A_473 : memref<80x64xbf16, #tpu.memory_space<vmem>>) dst(%dma_wait3A_479 : memref<10240x64xbf16, #tpu.memory_space<vmem_shared>>)
        } else {
        }
        %dma_start3A_453 = arith.constant 3 : i32
        %dma_start3A_454 = arith.constant 3 : i32
        %dma_start3A_455 = arith.constant 0 : i32
        %dma_start3A_456 = arith.constant 0 : i32
        %dma_start3A_457 = tpu.memref_slice %arg11[%dma_start3A_453, %dma_start3A_455, %dma_start3A_456] : memref<5x80x64xbf16, #tpu.memory_space<vmem>> -> memref<1x80x64xbf16, #tpu.memory_space<vmem>>
        %dma_start3A_458 = tpu.memref_squeeze %dma_start3A_457 : memref<1x80x64xbf16, #tpu.memory_space<vmem>> -> memref<80x64xbf16, #tpu.memory_space<vmem>>
        %dma_start3A_459 = arith.constant 0 : i32
        %dma_start3A_460 = tpu.memref_slice %arg9[%add3A_401, %dma_start3A_459] : memref<125x80xi32, #tpu.memory_space<vmem>> -> memref<1x80xi32, #tpu.memory_space<vmem>>
        %dma_start3A_461 = tpu.memref_squeeze %dma_start3A_460 : memref<1x80xi32, #tpu.memory_space<vmem>> -> memref<80xi32, #tpu.memory_space<vmem>>
        %dma_start3A_462 = arith.constant 0 : i32
        %dma_start3A_463 = arith.constant 0 : i32
        %dma_start3A_464 = tpu.memref_slice %arg2[%dma_start3A_462, %dma_start3A_463] : memref<10000x64xbf16, #tpu.memory_space<hbm>> -> memref<10000x64xbf16, #tpu.memory_space<hbm>>
        %dma_start3A_465 = tpu.memref_slice %arg15[%dma_start3A_454] : memref<5x!tpu.dma_semaphore, #tpu.memory_space<semaphore_mem>> -> memref<1x!tpu.dma_semaphore, #tpu.memory_space<semaphore_mem>>
        %dma_start3A_466 = tpu.memref_squeeze %dma_start3A_465 : memref<1x!tpu.dma_semaphore, #tpu.memory_space<semaphore_mem>> -> memref<!tpu.dma_semaphore, #tpu.memory_space<semaphore_mem>>
        tpu.enqueue_indirect_dma source(%dma_start3A_464 : memref<10000x64xbf16, #tpu.memory_space<hbm>>) target(%dma_start3A_458 : memref<80x64xbf16, #tpu.memory_space<vmem>>) offsets(%dma_start3A_461 : memref<80xi32, #tpu.memory_space<vmem>>) semaphore(%dma_start3A_466 : memref<!tpu.dma_semaphore, #tpu.memory_space<semaphore_mem>>)
      } else {
      }
      %dma_wait3A_407 = arith.constant 4 : i32
      %dma_wait3A_408 = arith.constant 4 : i32
      %dma_wait3A_409 = arith.constant 0 : i32
      %dma_wait3A_410 = arith.constant 0 : i32
      %dma_wait3A_411 = tpu.memref_slice %arg11[%dma_wait3A_407, %dma_wait3A_409, %dma_wait3A_410] : memref<5x80x64xbf16, #tpu.memory_space<vmem>> -> memref<1x80x64xbf16, #tpu.memory_space<vmem>>
      %dma_wait3A_412 = tpu.memref_squeeze %dma_wait3A_411 : memref<1x80x64xbf16, #tpu.memory_space<vmem>> -> memref<80x64xbf16, #tpu.memory_space<vmem>>
      %dma_wait3A_413 = arith.constant 0 : i32
      %dma_wait3A_414 = tpu.memref_slice %arg9[%add3A_399, %dma_wait3A_413] : memref<125x80xi32, #tpu.memory_space<vmem>> -> memref<1x80xi32, #tpu.memory_space<vmem>>
      %dma_wait3A_415 = tpu.memref_squeeze %dma_wait3A_414 : memref<1x80xi32, #tpu.memory_space<vmem>> -> memref<80xi32, #tpu.memory_space<vmem>>
      %dma_wait3A_416 = arith.constant 0 : i32
      %dma_wait3A_417 = arith.constant 0 : i32
      %dma_wait3A_418 = tpu.memref_slice %arg2[%dma_wait3A_416, %dma_wait3A_417] : memref<10000x64xbf16, #tpu.memory_space<hbm>> -> memref<10000x64xbf16, #tpu.memory_space<hbm>>
      %dma_wait3A_419 = tpu.memref_slice %arg15[%dma_wait3A_408] : memref<5x!tpu.dma_semaphore, #tpu.memory_space<semaphore_mem>> -> memref<1x!tpu.dma_semaphore, #tpu.memory_space<semaphore_mem>>
      %dma_wait3A_420 = tpu.memref_squeeze %dma_wait3A_419 : memref<1x!tpu.dma_semaphore, #tpu.memory_space<semaphore_mem>> -> memref<!tpu.dma_semaphore, #tpu.memory_space<semaphore_mem>>
      tpu.wait_indirect_dma semaphore(%dma_wait3A_420 : memref<!tpu.dma_semaphore, #tpu.memory_space<semaphore_mem>>) src(%dma_wait3A_418 : memref<10000x64xbf16, #tpu.memory_space<hbm>>) dst(%dma_wait3A_412 : memref<80x64xbf16, #tpu.memory_space<vmem>>)
      %dma_start3A_421 = arith.constant 4 : i32
      %dma_start3A_422 = arith.constant 4 : i32
      %dma_start3A_423 = arith.constant 0 : i32
      %dma_start3A_424 = arith.constant 0 : i32
      %dma_start3A_425 = tpu.memref_slice %arg11[%dma_start3A_421, %dma_start3A_423, %dma_start3A_424] : memref<5x80x64xbf16, #tpu.memory_space<vmem>> -> memref<1x80x64xbf16, #tpu.memory_space<vmem>>
      %dma_start3A_426 = tpu.memref_squeeze %dma_start3A_425 : memref<1x80x64xbf16, #tpu.memory_space<vmem>> -> memref<80x64xbf16, #tpu.memory_space<vmem>>
      %dma_start3A_427 = arith.constant 0 : i32
      %dma_start3A_428 = tpu.memref_slice %arg10[%add3A_399, %dma_start3A_427] : memref<125x80xi32, #tpu.memory_space<vmem>> -> memref<1x80xi32, #tpu.memory_space<vmem>>
      %dma_start3A_429 = tpu.memref_squeeze %dma_start3A_428 : memref<1x80xi32, #tpu.memory_space<vmem>> -> memref<80xi32, #tpu.memory_space<vmem>>
      %dma_start3A_430 = arith.constant 0 : i32
      %dma_start3A_431 = arith.constant 0 : i32
      %dma_start3A_432 = tpu.memref_slice %arg13[%dma_start3A_430, %dma_start3A_431] : memref<10240x64xbf16, #tpu.memory_space<vmem_shared>> -> memref<10240x64xbf16, #tpu.memory_space<vmem_shared>>
      %dma_start3A_433 = tpu.memref_slice %arg16[%dma_start3A_422] : memref<5x!tpu.dma_semaphore, #tpu.memory_space<semaphore_mem>> -> memref<1x!tpu.dma_semaphore, #tpu.memory_space<semaphore_mem>>
      %dma_start3A_434 = tpu.memref_squeeze %dma_start3A_433 : memref<1x!tpu.dma_semaphore, #tpu.memory_space<semaphore_mem>> -> memref<!tpu.dma_semaphore, #tpu.memory_space<semaphore_mem>>
      tpu.enqueue_indirect_dma source(%dma_start3A_426 : memref<80x64xbf16, #tpu.memory_space<vmem>>) target(%dma_start3A_432 : memref<10240x64xbf16, #tpu.memory_space<vmem_shared>>) offsets(%dma_start3A_429 : memref<80xi32, #tpu.memory_space<vmem>>) semaphore(%dma_start3A_434 : memref<!tpu.dma_semaphore, #tpu.memory_space<semaphore_mem>>) {add = true}
      %ge3A_435 = arith.constant 5 : i32
      %ge3A_436 = arith.cmpi sge, %add3A_399, %ge3A_435 : i32
      %convert_element_type3A_437 = arith.extui %ge3A_436 : i1 to i32
      %cond3A_438 = arith.constant 0 : i32
      %cond3A_439 = arith.cmpi ne, %convert_element_type3A_437, %cond3A_438 : i32
      scf.if %cond3A_439 {
        %sub3A = arith.constant 5 : i32
        %sub3A_448 = arith.subi %add3A_399, %sub3A : i32
        %dma_wait3A_449 = arith.constant 4 : i32
        %dma_wait3A_450 = arith.constant 0 : i32
        %dma_wait3A_451 = tpu.memref_slice %arg10[%sub3A_448, %dma_wait3A_450] : memref<125x80xi32, #tpu.memory_space<vmem>> -> memref<1x80xi32, #tpu.memory_space<vmem>>
        %dma_wait3A_452 = tpu.memref_squeeze %dma_wait3A_451 : memref<1x80xi32, #tpu.memory_space<vmem>> -> memref<80xi32, #tpu.memory_space<vmem>>
        %dma_wait3A_453 = arith.constant 0 : i32
        %dma_wait3A_454 = tpu.memref_slice %arg14[%dma_wait3A_453] : memref<10240xf32, #tpu.memory_space<vmem_shared>> -> memref<10240xf32, #tpu.memory_space<vmem_shared>>
        %dma_wait3A_455 = tpu.memref_slice %arg17[%dma_wait3A_449] : memref<5x!tpu.dma_semaphore, #tpu.memory_space<semaphore_mem>> -> memref<1x!tpu.dma_semaphore, #tpu.memory_space<semaphore_mem>>
        %dma_wait3A_456 = tpu.memref_squeeze %dma_wait3A_455 : memref<1x!tpu.dma_semaphore, #tpu.memory_space<semaphore_mem>> -> memref<!tpu.dma_semaphore, #tpu.memory_space<semaphore_mem>>
        tpu.wait_indirect_dma semaphore(%dma_wait3A_456 : memref<!tpu.dma_semaphore, #tpu.memory_space<semaphore_mem>>) src(%arg12 : memref<80xf32, #tpu.memory_space<vmem>>) dst(%dma_wait3A_454 : memref<10240xf32, #tpu.memory_space<vmem_shared>>)
      } else {
      }
      %dma_start3A_440 = arith.constant 4 : i32
      %dma_start3A_441 = arith.constant 0 : i32
      %dma_start3A_442 = tpu.memref_slice %arg10[%add3A_399, %dma_start3A_441] : memref<125x80xi32, #tpu.memory_space<vmem>> -> memref<1x80xi32, #tpu.memory_space<vmem>>
      %dma_start3A_443 = tpu.memref_squeeze %dma_start3A_442 : memref<1x80xi32, #tpu.memory_space<vmem>> -> memref<80xi32, #tpu.memory_space<vmem>>
      %dma_start3A_444 = arith.constant 0 : i32
      %dma_start3A_445 = tpu.memref_slice %arg14[%dma_start3A_444] : memref<10240xf32, #tpu.memory_space<vmem_shared>> -> memref<10240xf32, #tpu.memory_space<vmem_shared>>
      %dma_start3A_446 = tpu.memref_slice %arg17[%dma_start3A_440] : memref<5x!tpu.dma_semaphore, #tpu.memory_space<semaphore_mem>> -> memref<1x!tpu.dma_semaphore, #tpu.memory_space<semaphore_mem>>
      %dma_start3A_447 = tpu.memref_squeeze %dma_start3A_446 : memref<1x!tpu.dma_semaphore, #tpu.memory_space<semaphore_mem>> -> memref<!tpu.dma_semaphore, #tpu.memory_space<semaphore_mem>>
      tpu.enqueue_indirect_dma source(%arg12 : memref<80xf32, #tpu.memory_space<vmem>>) target(%dma_start3A_445 : memref<10240xf32, #tpu.memory_space<vmem_shared>>) offsets(%dma_start3A_443 : memref<80xi32, #tpu.memory_space<vmem>>) semaphore(%dma_start3A_447 : memref<!tpu.dma_semaphore, #tpu.memory_space<semaphore_mem>>) {add = true}
    }
    %scan3A_70 = arith.constant 25 : i32
    %dma_wait3A = arith.constant 0 : i32
    %dma_wait3A_71 = arith.constant 120 : i32
    %dma_wait3A_72 = arith.constant 0 : i32
    %dma_wait3A_73 = arith.constant 0 : i32
    %dma_wait3A_74 = arith.constant 0 : i32
    %dma_wait3A_75 = tpu.memref_slice %arg11[%dma_wait3A, %dma_wait3A_73, %dma_wait3A_74] : memref<5x80x64xbf16, #tpu.memory_space<vmem>> -> memref<1x80x64xbf16, #tpu.memory_space<vmem>>
    %dma_wait3A_76 = tpu.memref_squeeze %dma_wait3A_75 : memref<1x80x64xbf16, #tpu.memory_space<vmem>> -> memref<80x64xbf16, #tpu.memory_space<vmem>>
    %dma_wait3A_77 = arith.constant 0 : i32
    %dma_wait3A_78 = tpu.memref_slice %arg10[%dma_wait3A_71, %dma_wait3A_77] : memref<125x80xi32, #tpu.memory_space<vmem>> -> memref<1x80xi32, #tpu.memory_space<vmem>>
    %dma_wait3A_79 = tpu.memref_squeeze %dma_wait3A_78 : memref<1x80xi32, #tpu.memory_space<vmem>> -> memref<80xi32, #tpu.memory_space<vmem>>
    %dma_wait3A_80 = arith.constant 0 : i32
    %dma_wait3A_81 = arith.constant 0 : i32
    %dma_wait3A_82 = tpu.memref_slice %arg13[%dma_wait3A_80, %dma_wait3A_81] : memref<10240x64xbf16, #tpu.memory_space<vmem_shared>> -> memref<10240x64xbf16, #tpu.memory_space<vmem_shared>>
    %dma_wait3A_83 = tpu.memref_slice %arg16[%dma_wait3A_72] : memref<5x!tpu.dma_semaphore, #tpu.memory_space<semaphore_mem>> -> memref<1x!tpu.dma_semaphore, #tpu.memory_space<semaphore_mem>>
    %dma_wait3A_84 = tpu.memref_squeeze %dma_wait3A_83 : memref<1x!tpu.dma_semaphore, #tpu.memory_space<semaphore_mem>> -> memref<!tpu.dma_semaphore, #tpu.memory_space<semaphore_mem>>
    tpu.wait_indirect_dma semaphore(%dma_wait3A_84 : memref<!tpu.dma_semaphore, #tpu.memory_space<semaphore_mem>>) src(%dma_wait3A_76 : memref<80x64xbf16, #tpu.memory_space<vmem>>) dst(%dma_wait3A_82 : memref<10240x64xbf16, #tpu.memory_space<vmem_shared>>)
    %dma_wait3A_85 = arith.constant 120 : i32
    %dma_wait3A_86 = arith.constant 0 : i32
    %dma_wait3A_87 = arith.constant 0 : i32
    %dma_wait3A_88 = tpu.memref_slice %arg10[%dma_wait3A_85, %dma_wait3A_87] : memref<125x80xi32, #tpu.memory_space<vmem>> -> memref<1x80xi32, #tpu.memory_space<vmem>>
    %dma_wait3A_89 = tpu.memref_squeeze %dma_wait3A_88 : memref<1x80xi32, #tpu.memory_space<vmem>> -> memref<80xi32, #tpu.memory_space<vmem>>
    %dma_wait3A_90 = arith.constant 0 : i32
    %dma_wait3A_91 = tpu.memref_slice %arg14[%dma_wait3A_90] : memref<10240xf32, #tpu.memory_space<vmem_shared>> -> memref<10240xf32, #tpu.memory_space<vmem_shared>>
    %dma_wait3A_92 = tpu.memref_slice %arg17[%dma_wait3A_86] : memref<5x!tpu.dma_semaphore, #tpu.memory_space<semaphore_mem>> -> memref<1x!tpu.dma_semaphore, #tpu.memory_space<semaphore_mem>>
    %dma_wait3A_93 = tpu.memref_squeeze %dma_wait3A_92 : memref<1x!tpu.dma_semaphore, #tpu.memory_space<semaphore_mem>> -> memref<!tpu.dma_semaphore, #tpu.memory_space<semaphore_mem>>
    tpu.wait_indirect_dma semaphore(%dma_wait3A_93 : memref<!tpu.dma_semaphore, #tpu.memory_space<semaphore_mem>>) src(%arg12 : memref<80xf32, #tpu.memory_space<vmem>>) dst(%dma_wait3A_91 : memref<10240xf32, #tpu.memory_space<vmem_shared>>)
    %dma_wait3A_94 = arith.constant 1 : i32
    %dma_wait3A_95 = arith.constant 121 : i32
    %dma_wait3A_96 = arith.constant 1 : i32
    %dma_wait3A_97 = arith.constant 0 : i32
    %dma_wait3A_98 = arith.constant 0 : i32
    %dma_wait3A_99 = tpu.memref_slice %arg11[%dma_wait3A_94, %dma_wait3A_97, %dma_wait3A_98] : memref<5x80x64xbf16, #tpu.memory_space<vmem>> -> memref<1x80x64xbf16, #tpu.memory_space<vmem>>
    %dma_wait3A_100 = tpu.memref_squeeze %dma_wait3A_99 : memref<1x80x64xbf16, #tpu.memory_space<vmem>> -> memref<80x64xbf16, #tpu.memory_space<vmem>>
    %dma_wait3A_101 = arith.constant 0 : i32
    %dma_wait3A_102 = tpu.memref_slice %arg10[%dma_wait3A_95, %dma_wait3A_101] : memref<125x80xi32, #tpu.memory_space<vmem>> -> memref<1x80xi32, #tpu.memory_space<vmem>>
    %dma_wait3A_103 = tpu.memref_squeeze %dma_wait3A_102 : memref<1x80xi32, #tpu.memory_space<vmem>> -> memref<80xi32, #tpu.memory_space<vmem>>
    %dma_wait3A_104 = arith.constant 0 : i32
    %dma_wait3A_105 = arith.constant 0 : i32
    %dma_wait3A_106 = tpu.memref_slice %arg13[%dma_wait3A_104, %dma_wait3A_105] : memref<10240x64xbf16, #tpu.memory_space<vmem_shared>> -> memref<10240x64xbf16, #tpu.memory_space<vmem_shared>>
    %dma_wait3A_107 = tpu.memref_slice %arg16[%dma_wait3A_96] : memref<5x!tpu.dma_semaphore, #tpu.memory_space<semaphore_mem>> -> memref<1x!tpu.dma_semaphore, #tpu.memory_space<semaphore_mem>>
    %dma_wait3A_108 = tpu.memref_squeeze %dma_wait3A_107 : memref<1x!tpu.dma_semaphore, #tpu.memory_space<semaphore_mem>> -> memref<!tpu.dma_semaphore, #tpu.memory_space<semaphore_mem>>
    tpu.wait_indirect_dma semaphore(%dma_wait3A_108 : memref<!tpu.dma_semaphore, #tpu.memory_space<semaphore_mem>>) src(%dma_wait3A_100 : memref<80x64xbf16, #tpu.memory_space<vmem>>) dst(%dma_wait3A_106 : memref<10240x64xbf16, #tpu.memory_space<vmem_shared>>)
    %dma_wait3A_109 = arith.constant 121 : i32
    %dma_wait3A_110 = arith.constant 1 : i32
    %dma_wait3A_111 = arith.constant 0 : i32
    %dma_wait3A_112 = tpu.memref_slice %arg10[%dma_wait3A_109, %dma_wait3A_111] : memref<125x80xi32, #tpu.memory_space<vmem>> -> memref<1x80xi32, #tpu.memory_space<vmem>>
    %dma_wait3A_113 = tpu.memref_squeeze %dma_wait3A_112 : memref<1x80xi32, #tpu.memory_space<vmem>> -> memref<80xi32, #tpu.memory_space<vmem>>
    %dma_wait3A_114 = arith.constant 0 : i32
    %dma_wait3A_115 = tpu.memref_slice %arg14[%dma_wait3A_114] : memref<10240xf32, #tpu.memory_space<vmem_shared>> -> memref<10240xf32, #tpu.memory_space<vmem_shared>>
    %dma_wait3A_116 = tpu.memref_slice %arg17[%dma_wait3A_110] : memref<5x!tpu.dma_semaphore, #tpu.memory_space<semaphore_mem>> -> memref<1x!tpu.dma_semaphore, #tpu.memory_space<semaphore_mem>>
    %dma_wait3A_117 = tpu.memref_squeeze %dma_wait3A_116 : memref<1x!tpu.dma_semaphore, #tpu.memory_space<semaphore_mem>> -> memref<!tpu.dma_semaphore, #tpu.memory_space<semaphore_mem>>
    tpu.wait_indirect_dma semaphore(%dma_wait3A_117 : memref<!tpu.dma_semaphore, #tpu.memory_space<semaphore_mem>>) src(%arg12 : memref<80xf32, #tpu.memory_space<vmem>>) dst(%dma_wait3A_115 : memref<10240xf32, #tpu.memory_space<vmem_shared>>)
    %dma_wait3A_118 = arith.constant 2 : i32
    %dma_wait3A_119 = arith.constant 122 : i32
    %dma_wait3A_120 = arith.constant 2 : i32
    %dma_wait3A_121 = arith.constant 0 : i32
    %dma_wait3A_122 = arith.constant 0 : i32
    %dma_wait3A_123 = tpu.memref_slice %arg11[%dma_wait3A_118, %dma_wait3A_121, %dma_wait3A_122] : memref<5x80x64xbf16, #tpu.memory_space<vmem>> -> memref<1x80x64xbf16, #tpu.memory_space<vmem>>
    %dma_wait3A_124 = tpu.memref_squeeze %dma_wait3A_123 : memref<1x80x64xbf16, #tpu.memory_space<vmem>> -> memref<80x64xbf16, #tpu.memory_space<vmem>>
    %dma_wait3A_125 = arith.constant 0 : i32
    %dma_wait3A_126 = tpu.memref_slice %arg10[%dma_wait3A_119, %dma_wait3A_125] : memref<125x80xi32, #tpu.memory_space<vmem>> -> memref<1x80xi32, #tpu.memory_space<vmem>>
    %dma_wait3A_127 = tpu.memref_squeeze %dma_wait3A_126 : memref<1x80xi32, #tpu.memory_space<vmem>> -> memref<80xi32, #tpu.memory_space<vmem>>
    %dma_wait3A_128 = arith.constant 0 : i32
    %dma_wait3A_129 = arith.constant 0 : i32
    %dma_wait3A_130 = tpu.memref_slice %arg13[%dma_wait3A_128, %dma_wait3A_129] : memref<10240x64xbf16, #tpu.memory_space<vmem_shared>> -> memref<10240x64xbf16, #tpu.memory_space<vmem_shared>>
    %dma_wait3A_131 = tpu.memref_slice %arg16[%dma_wait3A_120] : memref<5x!tpu.dma_semaphore, #tpu.memory_space<semaphore_mem>> -> memref<1x!tpu.dma_semaphore, #tpu.memory_space<semaphore_mem>>
    %dma_wait3A_132 = tpu.memref_squeeze %dma_wait3A_131 : memref<1x!tpu.dma_semaphore, #tpu.memory_space<semaphore_mem>> -> memref<!tpu.dma_semaphore, #tpu.memory_space<semaphore_mem>>
    tpu.wait_indirect_dma semaphore(%dma_wait3A_132 : memref<!tpu.dma_semaphore, #tpu.memory_space<semaphore_mem>>) src(%dma_wait3A_124 : memref<80x64xbf16, #tpu.memory_space<vmem>>) dst(%dma_wait3A_130 : memref<10240x64xbf16, #tpu.memory_space<vmem_shared>>)
    %dma_wait3A_133 = arith.constant 122 : i32
    %dma_wait3A_134 = arith.constant 2 : i32
    %dma_wait3A_135 = arith.constant 0 : i32
    %dma_wait3A_136 = tpu.memref_slice %arg10[%dma_wait3A_133, %dma_wait3A_135] : memref<125x80xi32, #tpu.memory_space<vmem>> -> memref<1x80xi32, #tpu.memory_space<vmem>>
    %dma_wait3A_137 = tpu.memref_squeeze %dma_wait3A_136 : memref<1x80xi32, #tpu.memory_space<vmem>> -> memref<80xi32, #tpu.memory_space<vmem>>
    %dma_wait3A_138 = arith.constant 0 : i32
    %dma_wait3A_139 = tpu.memref_slice %arg14[%dma_wait3A_138] : memref<10240xf32, #tpu.memory_space<vmem_shared>> -> memref<10240xf32, #tpu.memory_space<vmem_shared>>
    %dma_wait3A_140 = tpu.memref_slice %arg17[%dma_wait3A_134] : memref<5x!tpu.dma_semaphore, #tpu.memory_space<semaphore_mem>> -> memref<1x!tpu.dma_semaphore, #tpu.memory_space<semaphore_mem>>
    %dma_wait3A_141 = tpu.memref_squeeze %dma_wait3A_140 : memref<1x!tpu.dma_semaphore, #tpu.memory_space<semaphore_mem>> -> memref<!tpu.dma_semaphore, #tpu.memory_space<semaphore_mem>>
    tpu.wait_indirect_dma semaphore(%dma_wait3A_141 : memref<!tpu.dma_semaphore, #tpu.memory_space<semaphore_mem>>) src(%arg12 : memref<80xf32, #tpu.memory_space<vmem>>) dst(%dma_wait3A_139 : memref<10240xf32, #tpu.memory_space<vmem_shared>>)
    %dma_wait3A_142 = arith.constant 3 : i32
    %dma_wait3A_143 = arith.constant 123 : i32
    %dma_wait3A_144 = arith.constant 3 : i32
    %dma_wait3A_145 = arith.constant 0 : i32
    %dma_wait3A_146 = arith.constant 0 : i32
    %dma_wait3A_147 = tpu.memref_slice %arg11[%dma_wait3A_142, %dma_wait3A_145, %dma_wait3A_146] : memref<5x80x64xbf16, #tpu.memory_space<vmem>> -> memref<1x80x64xbf16, #tpu.memory_space<vmem>>
    %dma_wait3A_148 = tpu.memref_squeeze %dma_wait3A_147 : memref<1x80x64xbf16, #tpu.memory_space<vmem>> -> memref<80x64xbf16, #tpu.memory_space<vmem>>
    %dma_wait3A_149 = arith.constant 0 : i32
    %dma_wait3A_150 = tpu.memref_slice %arg10[%dma_wait3A_143, %dma_wait3A_149] : memref<125x80xi32, #tpu.memory_space<vmem>> -> memref<1x80xi32, #tpu.memory_space<vmem>>
    %dma_wait3A_151 = tpu.memref_squeeze %dma_wait3A_150 : memref<1x80xi32, #tpu.memory_space<vmem>> -> memref<80xi32, #tpu.memory_space<vmem>>
    %dma_wait3A_152 = arith.constant 0 : i32
    %dma_wait3A_153 = arith.constant 0 : i32
    %dma_wait3A_154 = tpu.memref_slice %arg13[%dma_wait3A_152, %dma_wait3A_153] : memref<10240x64xbf16, #tpu.memory_space<vmem_shared>> -> memref<10240x64xbf16, #tpu.memory_space<vmem_shared>>
    %dma_wait3A_155 = tpu.memref_slice %arg16[%dma_wait3A_144] : memref<5x!tpu.dma_semaphore, #tpu.memory_space<semaphore_mem>> -> memref<1x!tpu.dma_semaphore, #tpu.memory_space<semaphore_mem>>
    %dma_wait3A_156 = tpu.memref_squeeze %dma_wait3A_155 : memref<1x!tpu.dma_semaphore, #tpu.memory_space<semaphore_mem>> -> memref<!tpu.dma_semaphore, #tpu.memory_space<semaphore_mem>>
    tpu.wait_indirect_dma semaphore(%dma_wait3A_156 : memref<!tpu.dma_semaphore, #tpu.memory_space<semaphore_mem>>) src(%dma_wait3A_148 : memref<80x64xbf16, #tpu.memory_space<vmem>>) dst(%dma_wait3A_154 : memref<10240x64xbf16, #tpu.memory_space<vmem_shared>>)
    %dma_wait3A_157 = arith.constant 123 : i32
    %dma_wait3A_158 = arith.constant 3 : i32
    %dma_wait3A_159 = arith.constant 0 : i32
    %dma_wait3A_160 = tpu.memref_slice %arg10[%dma_wait3A_157, %dma_wait3A_159] : memref<125x80xi32, #tpu.memory_space<vmem>> -> memref<1x80xi32, #tpu.memory_space<vmem>>
    %dma_wait3A_161 = tpu.memref_squeeze %dma_wait3A_160 : memref<1x80xi32, #tpu.memory_space<vmem>> -> memref<80xi32, #tpu.memory_space<vmem>>
    %dma_wait3A_162 = arith.constant 0 : i32
    %dma_wait3A_163 = tpu.memref_slice %arg14[%dma_wait3A_162] : memref<10240xf32, #tpu.memory_space<vmem_shared>> -> memref<10240xf32, #tpu.memory_space<vmem_shared>>
    %dma_wait3A_164 = tpu.memref_slice %arg17[%dma_wait3A_158] : memref<5x!tpu.dma_semaphore, #tpu.memory_space<semaphore_mem>> -> memref<1x!tpu.dma_semaphore, #tpu.memory_space<semaphore_mem>>
    %dma_wait3A_165 = tpu.memref_squeeze %dma_wait3A_164 : memref<1x!tpu.dma_semaphore, #tpu.memory_space<semaphore_mem>> -> memref<!tpu.dma_semaphore, #tpu.memory_space<semaphore_mem>>
    tpu.wait_indirect_dma semaphore(%dma_wait3A_165 : memref<!tpu.dma_semaphore, #tpu.memory_space<semaphore_mem>>) src(%arg12 : memref<80xf32, #tpu.memory_space<vmem>>) dst(%dma_wait3A_163 : memref<10240xf32, #tpu.memory_space<vmem_shared>>)
    %dma_wait3A_166 = arith.constant 4 : i32
    %dma_wait3A_167 = arith.constant 124 : i32
    %dma_wait3A_168 = arith.constant 4 : i32
    %dma_wait3A_169 = arith.constant 0 : i32
    %dma_wait3A_170 = arith.constant 0 : i32
    %dma_wait3A_171 = tpu.memref_slice %arg11[%dma_wait3A_166, %dma_wait3A_169, %dma_wait3A_170] : memref<5x80x64xbf16, #tpu.memory_space<vmem>> -> memref<1x80x64xbf16, #tpu.memory_space<vmem>>
    %dma_wait3A_172 = tpu.memref_squeeze %dma_wait3A_171 : memref<1x80x64xbf16, #tpu.memory_space<vmem>> -> memref<80x64xbf16, #tpu.memory_space<vmem>>
    %dma_wait3A_173 = arith.constant 0 : i32
    %dma_wait3A_174 = tpu.memref_slice %arg10[%dma_wait3A_167, %dma_wait3A_173] : memref<125x80xi32, #tpu.memory_space<vmem>> -> memref<1x80xi32, #tpu.memory_space<vmem>>
    %dma_wait3A_175 = tpu.memref_squeeze %dma_wait3A_174 : memref<1x80xi32, #tpu.memory_space<vmem>> -> memref<80xi32, #tpu.memory_space<vmem>>
    %dma_wait3A_176 = arith.constant 0 : i32
    %dma_wait3A_177 = arith.constant 0 : i32
    %dma_wait3A_178 = tpu.memref_slice %arg13[%dma_wait3A_176, %dma_wait3A_177] : memref<10240x64xbf16, #tpu.memory_space<vmem_shared>> -> memref<10240x64xbf16, #tpu.memory_space<vmem_shared>>
    %dma_wait3A_179 = tpu.memref_slice %arg16[%dma_wait3A_168] : memref<5x!tpu.dma_semaphore, #tpu.memory_space<semaphore_mem>> -> memref<1x!tpu.dma_semaphore, #tpu.memory_space<semaphore_mem>>
    %dma_wait3A_180 = tpu.memref_squeeze %dma_wait3A_179 : memref<1x!tpu.dma_semaphore, #tpu.memory_space<semaphore_mem>> -> memref<!tpu.dma_semaphore, #tpu.memory_space<semaphore_mem>>
    tpu.wait_indirect_dma semaphore(%dma_wait3A_180 : memref<!tpu.dma_semaphore, #tpu.memory_space<semaphore_mem>>) src(%dma_wait3A_172 : memref<80x64xbf16, #tpu.memory_space<vmem>>) dst(%dma_wait3A_178 : memref<10240x64xbf16, #tpu.memory_space<vmem_shared>>)
    %dma_wait3A_181 = arith.constant 124 : i32
    %dma_wait3A_182 = arith.constant 4 : i32
    %dma_wait3A_183 = arith.constant 0 : i32
    %dma_wait3A_184 = tpu.memref_slice %arg10[%dma_wait3A_181, %dma_wait3A_183] : memref<125x80xi32, #tpu.memory_space<vmem>> -> memref<1x80xi32, #tpu.memory_space<vmem>>
    %dma_wait3A_185 = tpu.memref_squeeze %dma_wait3A_184 : memref<1x80xi32, #tpu.memory_space<vmem>> -> memref<80xi32, #tpu.memory_space<vmem>>
    %dma_wait3A_186 = arith.constant 0 : i32
    %dma_wait3A_187 = tpu.memref_slice %arg14[%dma_wait3A_186] : memref<10240xf32, #tpu.memory_space<vmem_shared>> -> memref<10240xf32, #tpu.memory_space<vmem_shared>>
    %dma_wait3A_188 = tpu.memref_slice %arg17[%dma_wait3A_182] : memref<5x!tpu.dma_semaphore, #tpu.memory_space<semaphore_mem>> -> memref<1x!tpu.dma_semaphore, #tpu.memory_space<semaphore_mem>>
    %dma_wait3A_189 = tpu.memref_squeeze %dma_wait3A_188 : memref<1x!tpu.dma_semaphore, #tpu.memory_space<semaphore_mem>> -> memref<!tpu.dma_semaphore, #tpu.memory_space<semaphore_mem>>
    tpu.wait_indirect_dma semaphore(%dma_wait3A_189 : memref<!tpu.dma_semaphore, #tpu.memory_space<semaphore_mem>>) src(%arg12 : memref<80xf32, #tpu.memory_space<vmem>>) dst(%dma_wait3A_187 : memref<10240xf32, #tpu.memory_space<vmem_shared>>)
    %barrier3A_190 = arith.constant 0 : index
    tpu.barrier barrier_id(%barrier3A_190)
    "tpu.region"() ({
      %run_scoped3A_191 = tpu.sem_alloc : memref<!tpu.dma_semaphore, #tpu.memory_space<semaphore_mem>>
      %dma_start3A_192 = arith.constant 0 : i32
      %dma_start3A_193 = tpu.memref_slice %arg7[%add3A_6, %dma_start3A_192] : memref<20480x64xbf16, #tpu.memory_space<hbm>> -> memref<640x64xbf16, #tpu.memory_space<hbm>>
      %dma_start3A_194 = arith.constant 0 : i32
      %dma_start3A_195 = tpu.memref_slice %arg13[%mul3A_2, %dma_start3A_194] : memref<10240x64xbf16, #tpu.memory_space<vmem_shared>> -> memref<640x64xbf16, #tpu.memory_space<vmem_shared>>
      tpu.enqueue_dma source(%dma_start3A_195 : memref<640x64xbf16, #tpu.memory_space<vmem_shared>>) target(%dma_start3A_193 : memref<640x64xbf16, #tpu.memory_space<hbm>>) target_semaphore(%run_scoped3A_191 : memref<!tpu.dma_semaphore, #tpu.memory_space<semaphore_mem>>)
      %dma_wait3A_196 = arith.constant 0 : i32
      %dma_wait3A_197 = tpu.memref_slice %arg7[%add3A_6, %dma_wait3A_196] : memref<20480x64xbf16, #tpu.memory_space<hbm>> -> memref<640x64xbf16, #tpu.memory_space<hbm>>
      %dma_wait3A_198 = arith.constant 0 : i32
      %dma_wait3A_199 = tpu.memref_slice %arg13[%mul3A_2, %dma_wait3A_198] : memref<10240x64xbf16, #tpu.memory_space<vmem_shared>> -> memref<640x64xbf16, #tpu.memory_space<vmem_shared>>
      tpu.wait_dma2 semaphore(%run_scoped3A_191 : memref<!tpu.dma_semaphore, #tpu.memory_space<semaphore_mem>>) src(%dma_wait3A_199 : memref<640x64xbf16, #tpu.memory_space<vmem_shared>>) dst(%dma_wait3A_197 : memref<640x64xbf16, #tpu.memory_space<hbm>>)
      tpu.yield
    }) : () -> ()
    "tpu.region"() ({
      %run_scoped3A_191 = tpu.sem_alloc : memref<!tpu.dma_semaphore, #tpu.memory_space<semaphore_mem>>
      %dma_start3A_192 = tpu.memref_slice %arg8[%add3A_6] : memref<20480xf32, #tpu.memory_space<hbm>> -> memref<640xf32, #tpu.memory_space<hbm>>
      %dma_start3A_193 = tpu.memref_slice %arg14[%mul3A_2] : memref<10240xf32, #tpu.memory_space<vmem_shared>> -> memref<640xf32, #tpu.memory_space<vmem_shared>>
      tpu.enqueue_dma source(%dma_start3A_193 : memref<640xf32, #tpu.memory_space<vmem_shared>>) target(%dma_start3A_192 : memref<640xf32, #tpu.memory_space<hbm>>) target_semaphore(%run_scoped3A_191 : memref<!tpu.dma_semaphore, #tpu.memory_space<semaphore_mem>>)
      %dma_wait3A_194 = tpu.memref_slice %arg8[%add3A_6] : memref<20480xf32, #tpu.memory_space<hbm>> -> memref<640xf32, #tpu.memory_space<hbm>>
      %dma_wait3A_195 = tpu.memref_slice %arg14[%mul3A_2] : memref<10240xf32, #tpu.memory_space<vmem_shared>> -> memref<640xf32, #tpu.memory_space<vmem_shared>>
      tpu.wait_dma2 semaphore(%run_scoped3A_191 : memref<!tpu.dma_semaphore, #tpu.memory_space<semaphore_mem>>) src(%dma_wait3A_195 : memref<640xf32, #tpu.memory_space<vmem_shared>>) dst(%dma_wait3A_194 : memref<640xf32, #tpu.memory_space<hbm>>)
      tpu.yield
    }) : () -> ()
    return
  }
}

module attributes {stable_mosaic.version = 14 : i64} {
  func.func @_lin2_body(%arg0: i32, %arg1: memref<5000x128xf32, #tpu.memory_space<vmem>>, %arg2: memref<64x128xf32, #tpu.memory_space<vmem>>, %arg3: memref<64x128xf32, #tpu.memory_space<vmem>>, %arg4: memref<5000x64xbf16, #tpu.memory_space<vmem>>, %arg5: memref<5000x64xf32, #tpu.memory_space<vmem>>) attributes {dimension_semantics = [#tpu.dimension_semantics<arbitrary>], iteration_bounds = array<i64: 2>, scalar_prefetch = 0 : i64, scratch_operands = 0 : i64, tpu.core_type = #tpu.core_type<tc>, window_params = [{transform_indices = @transform_0, window_bounds = array<i64: 5000, 128>}, {pipeline_mode = #tpu.pipeline_mode<synchronous>, transform_indices = @transform_1, window_bounds = array<i64: 64, 128>}, {pipeline_mode = #tpu.pipeline_mode<synchronous>, transform_indices = @transform_2, window_bounds = array<i64: 64, 128>}, {transform_indices = @transform_3, window_bounds = array<i64: 5000, 64>}, {transform_indices = @transform_4, window_bounds = array<i64: 5000, 64>}]} {
    %get3A = arith.constant 0 : index
    %get3A_0 = arith.constant 0 : index
    %get3A_1 = vector.load %arg1[%get3A, %get3A_0] : memref<5000x128xf32, #tpu.memory_space<vmem>>, vector<5000x128xf32>
    %ne3A = arith.cmpf one, %get3A_1, %get3A_1 : vector<5000x128xf32>
    %jit3A = arith.constant 0.000000e+00 : f32
    %broadcast_in_dim3A = vector.broadcast %jit3A : f32 to vector<5000x128xf32>
    %select_n3A = arith.select %ne3A, %broadcast_in_dim3A, %get3A_1 : vector<5000x128xi1>, vector<5000x128xf32>
    %get3A_2 = arith.constant 0 : index
    %get3A_3 = arith.constant 0 : index
    %get3A_4 = vector.load %arg2[%get3A_2, %get3A_3] : memref<64x128xf32, #tpu.memory_space<vmem>>, vector<64x128xf32>
    %dot_general3A = arith.constant dense<0.000000e+00> : vector<5000x64xf32>
    %dot_general3A_5 = tpu.matmul %select_n3A, %get3A_4, %dot_general3A {dimension_numbers = #tpu.dot_dimension_numbers<[1], [1], [0], [0], [0, 0, 1, 0], [], []>, transpose_lhs_hint = false} : vector<5000x128xf32>, vector<64x128xf32>, vector<5000x64xf32> -> vector<5000x64xf32>
    %convert_element_type3A = arith.truncf %dot_general3A_5 : vector<5000x64xf32> to vector<5000x64xbf16>
    %swap3A = arith.constant 0 : index
    %swap3A_6 = arith.constant 0 : index
    %swap3A_7 = vector.load %arg4[%swap3A, %swap3A_6] : memref<5000x64xbf16, #tpu.memory_space<vmem>>, vector<5000x64xbf16>
    tpu.vector_store %arg4[%swap3A, %swap3A_6], %convert_element_type3A {strides = array<i32>} : memref<5000x64xbf16, #tpu.memory_space<vmem>>, vector<5000x64xbf16>,
    %get3A_8 = arith.constant 0 : index
    %get3A_9 = arith.constant 0 : index
    %get3A_10 = vector.load %arg3[%get3A_8, %get3A_9] : memref<64x128xf32, #tpu.memory_space<vmem>>, vector<64x128xf32>
    %dot_general3A_11 = arith.constant dense<0.000000e+00> : vector<5000x64xf32>
    %dot_general3A_12 = tpu.matmul %select_n3A, %get3A_10, %dot_general3A_11 {dimension_numbers = #tpu.dot_dimension_numbers<[1], [1], [0], [0], [0, 0, 1, 0], [], []>, transpose_lhs_hint = false} : vector<5000x128xf32>, vector<64x128xf32>, vector<5000x64xf32> -> vector<5000x64xf32>
    %swap3A_13 = arith.constant 0 : index
    %swap3A_14 = arith.constant 0 : index
    %swap3A_15 = vector.load %arg5[%swap3A_13, %swap3A_14] : memref<5000x64xf32, #tpu.memory_space<vmem>>, vector<5000x64xf32>
    tpu.vector_store %arg5[%swap3A_13, %swap3A_14], %dot_general3A_12 {strides = array<i32>} : memref<5000x64xf32, #tpu.memory_space<vmem>>, vector<5000x64xf32>,
    return
  }
  func.func @transform_0(%arg0: i32) -> (i32, i32) {
    %c0_i32 = arith.constant 0 : i32
    %c0_i32_0 = arith.constant 0 : i32
    return %arg0, %c0_i32 : i32, i32
  }
  func.func @transform_1(%arg0: i32) -> (i32, i32) {
    %c0_i32 = arith.constant 0 : i32
    %c0_i32_0 = arith.constant 0 : i32
    %c0_i32_1 = arith.constant 0 : i32
    return %c0_i32, %c0_i32_0 : i32, i32
  }
  func.func @transform_2(%arg0: i32) -> (i32, i32) {
    %c0_i32 = arith.constant 0 : i32
    %c0_i32_0 = arith.constant 0 : i32
    %c0_i32_1 = arith.constant 0 : i32
    return %c0_i32, %c0_i32_0 : i32, i32
  }
  func.func @transform_3(%arg0: i32) -> (i32, i32) {
    %c0_i32 = arith.constant 0 : i32
    %c0_i32_0 = arith.constant 0 : i32
    return %arg0, %c0_i32 : i32, i32
  }
  func.func @transform_4(%arg0: i32) -> (i32, i32) {
    %c0_i32 = arith.constant 0 : i32
    %c0_i32_0 = arith.constant 0 : i32
    return %arg0, %c0_i32 : i32, i32
  }
}

module attributes {stable_mosaic.version = 14 : i64} {
  func.func @_comb_body(%arg0: i32, %arg1: memref<1x5000x64xbf16, #tpu.memory_space<vmem>>, %arg2: memref<1x5000x64xbf16, #tpu.memory_space<vmem>>, %arg3: memref<1x5000x1xf32, #tpu.memory_space<vmem>>, %arg4: memref<1x5000x1xf32, #tpu.memory_space<vmem>>, %arg5: memref<5000x64xf32, #tpu.memory_space<vmem>>, %arg6: memref<1x64xf32, #tpu.memory_space<vmem>>, %arg7: memref<64x64xf32, #tpu.memory_space<vmem>>, %arg8: memref<64x64xf32, #tpu.memory_space<vmem>>, %arg9: memref<5000x64xbf16, #tpu.memory_space<vmem>>, %arg10: memref<5000x64xf32, #tpu.memory_space<vmem>>) attributes {dimension_semantics = [#tpu.dimension_semantics<arbitrary>], iteration_bounds = array<i64: 2>, scalar_prefetch = 0 : i64, scratch_operands = 0 : i64, tpu.core_type = #tpu.core_type<tc>, window_params = [{transform_indices = @transform_0, window_bounds = array<i64: 1, 5000, 64>}, {transform_indices = @transform_1, window_bounds = array<i64: 1, 5000, 64>}, {transform_indices = @transform_2, window_bounds = array<i64: 1, 5000, 1>}, {transform_indices = @transform_3, window_bounds = array<i64: 1, 5000, 1>}, {transform_indices = @transform_4, window_bounds = array<i64: 5000, 64>}, {pipeline_mode = #tpu.pipeline_mode<synchronous>, transform_indices = @transform_5, window_bounds = array<i64: 1, 64>}, {pipeline_mode = #tpu.pipeline_mode<synchronous>, transform_indices = @transform_6, window_bounds = array<i64: 64, 64>}, {pipeline_mode = #tpu.pipeline_mode<synchronous>, transform_indices = @transform_7, window_bounds = array<i64: 64, 64>}, {transform_indices = @transform_8, window_bounds = array<i64: 5000, 64>}, {transform_indices = @transform_9, window_bounds = array<i64: 5000, 64>}]} {
    %get3A = arith.constant 0 : index
    %get3A_0 = arith.constant 0 : index
    %get3A_1 = arith.constant 0 : index
    %get3A_2 = vector.load %arg1[%get3A, %get3A_0, %get3A_1] : memref<1x5000x64xbf16, #tpu.memory_space<vmem>>, vector<1x5000x64xbf16>
    %get3A_3 = arith.constant 0 : index
    %get3A_4 = arith.constant 0 : index
    %get3A_5 = arith.constant 0 : index
    %get3A_6 = vector.load %arg2[%get3A_3, %get3A_4, %get3A_5] : memref<1x5000x64xbf16, #tpu.memory_space<vmem>>, vector<1x5000x64xbf16>
    %get3A_7 = arith.constant 0 : index
    %get3A_8 = arith.constant 0 : index
    %get3A_9 = arith.constant 0 : index
    %get3A_10 = vector.load %arg3[%get3A_7, %get3A_8, %get3A_9] : memref<1x5000x1xf32, #tpu.memory_space<vmem>>, vector<1x5000x1xf32>
    %get3A_11 = arith.constant 0 : index
    %get3A_12 = arith.constant 0 : index
    %get3A_13 = arith.constant 0 : index
    %get3A_14 = vector.load %arg4[%get3A_11, %get3A_12, %get3A_13] : memref<1x5000x1xf32, #tpu.memory_space<vmem>>, vector<1x5000x1xf32>
    %get3A_15 = arith.constant 0 : index
    %get3A_16 = arith.constant 0 : index
    %get3A_17 = vector.load %arg6[%get3A_15, %get3A_16] : memref<1x64xf32, #tpu.memory_space<vmem>>, vector<1x64xf32>
    %get3A_18 = arith.constant 0 : index
    %get3A_19 = arith.constant 0 : index
    %get3A_20 = vector.load %arg5[%get3A_18, %get3A_19] : memref<5000x64xf32, #tpu.memory_space<vmem>>, vector<5000x64xf32>
    %squeeze3A = vector.shape_cast %get3A_10 : vector<1x5000x1xf32> to vector<5000x1xf32>
    %squeeze3A_21 = vector.shape_cast %get3A_14 : vector<1x5000x1xf32> to vector<5000x1xf32>
    %add3A = arith.addf %squeeze3A, %squeeze3A_21 : vector<5000x1xf32>
    %max3A = arith.constant 1.000000e+00 : f32
    %max3A_22 = vector.broadcast %max3A : f32 to vector<5000x1xf32>
    %max3A_23 = arith.maximumf %add3A, %max3A_22 : vector<5000x1xf32>
    %squeeze3A_24 = vector.shape_cast %get3A_2 : vector<1x5000x64xbf16> to vector<5000x64xbf16>
    %convert_element_type3A = arith.extf %squeeze3A_24 : vector<5000x64xbf16> to vector<5000x64xf32>
    %squeeze3A_25 = vector.shape_cast %get3A_6 : vector<1x5000x64xbf16> to vector<5000x64xbf16>
    %convert_element_type3A_26 = arith.extf %squeeze3A_25 : vector<5000x64xbf16> to vector<5000x64xf32>
    %add3A_27 = arith.addf %convert_element_type3A, %convert_element_type3A_26 : vector<5000x64xf32>
    %div3A = vector.broadcast %max3A_23 : vector<5000x1xf32> to vector<5000x64xf32>
    %div3A_28 = arith.divf %add3A_27, %div3A : vector<5000x64xf32>
    %add3A_29 = vector.broadcast %get3A_17 : vector<1x64xf32> to vector<5000x64xf32>
    %add3A_30 = arith.addf %div3A_28, %add3A_29 : vector<5000x64xf32>
    %add3A_31 = arith.addf %add3A_30, %get3A_20 : vector<5000x64xf32>
    %max3A_32 = arith.constant 0.000000e+00 : f32
    %max3A_33 = vector.broadcast %max3A_32 : f32 to vector<5000x64xf32>
    %max3A_34 = arith.maximumf %add3A_31, %max3A_33 : vector<5000x64xf32>
    %get3A_35 = arith.constant 0 : index
    %get3A_36 = arith.constant 0 : index
    %get3A_37 = vector.load %arg7[%get3A_35, %get3A_36] : memref<64x64xf32, #tpu.memory_space<vmem>>, vector<64x64xf32>
    %dot_general3A = arith.constant dense<0.000000e+00> : vector<5000x64xf32>
    %dot_general3A_38 = tpu.matmul %max3A_34, %get3A_37, %dot_general3A {dimension_numbers = #tpu.dot_dimension_numbers<[1], [1], [0], [0], [0, 0, 1, 0], [], []>, transpose_lhs_hint = false} : vector<5000x64xf32>, vector<64x64xf32>, vector<5000x64xf32> -> vector<5000x64xf32>
    %convert_element_type3A_39 = arith.truncf %dot_general3A_38 : vector<5000x64xf32> to vector<5000x64xbf16>
    %swap3A = arith.constant 0 : index
    %swap3A_40 = arith.constant 0 : index
    %swap3A_41 = vector.load %arg9[%swap3A, %swap3A_40] : memref<5000x64xbf16, #tpu.memory_space<vmem>>, vector<5000x64xbf16>
    tpu.vector_store %arg9[%swap3A, %swap3A_40], %convert_element_type3A_39 {strides = array<i32>} : memref<5000x64xbf16, #tpu.memory_space<vmem>>, vector<5000x64xbf16>,
    %get3A_42 = arith.constant 0 : index
    %get3A_43 = arith.constant 0 : index
    %get3A_44 = vector.load %arg8[%get3A_42, %get3A_43] : memref<64x64xf32, #tpu.memory_space<vmem>>, vector<64x64xf32>
    %dot_general3A_45 = arith.constant dense<0.000000e+00> : vector<5000x64xf32>
    %dot_general3A_46 = tpu.matmul %max3A_34, %get3A_44, %dot_general3A_45 {dimension_numbers = #tpu.dot_dimension_numbers<[1], [1], [0], [0], [0, 0, 1, 0], [], []>, transpose_lhs_hint = false} : vector<5000x64xf32>, vector<64x64xf32>, vector<5000x64xf32> -> vector<5000x64xf32>
    %swap3A_47 = arith.constant 0 : index
    %swap3A_48 = arith.constant 0 : index
    %swap3A_49 = vector.load %arg10[%swap3A_47, %swap3A_48] : memref<5000x64xf32, #tpu.memory_space<vmem>>, vector<5000x64xf32>
    tpu.vector_store %arg10[%swap3A_47, %swap3A_48], %dot_general3A_46 {strides = array<i32>} : memref<5000x64xf32, #tpu.memory_space<vmem>>, vector<5000x64xf32>,
    return
  }
  func.func @transform_0(%arg0: i32) -> (i32, i32, i32) {
    %c0_i32 = arith.constant 0 : i32
    %c0_i32_0 = arith.constant 0 : i32
    %c0_i32_1 = arith.constant 0 : i32
    return %c0_i32, %arg0, %c0_i32_0 : i32, i32, i32
  }
  func.func @transform_1(%arg0: i32) -> (i32, i32, i32) {
    %c1_i32 = arith.constant 1 : i32
    %c0_i32 = arith.constant 0 : i32
    %c0_i32_0 = arith.constant 0 : i32
    return %c1_i32, %arg0, %c0_i32 : i32, i32, i32
  }
  func.func @transform_2(%arg0: i32) -> (i32, i32, i32) {
    %c0_i32 = arith.constant 0 : i32
    %c0_i32_0 = arith.constant 0 : i32
    %c0_i32_1 = arith.constant 0 : i32
    return %c0_i32, %arg0, %c0_i32_0 : i32, i32, i32
  }
  func.func @transform_3(%arg0: i32) -> (i32, i32, i32) {
    %c1_i32 = arith.constant 1 : i32
    %c0_i32 = arith.constant 0 : i32
    %c0_i32_0 = arith.constant 0 : i32
    return %c1_i32, %arg0, %c0_i32 : i32, i32, i32
  }
  func.func @transform_4(%arg0: i32) -> (i32, i32) {
    %c0_i32 = arith.constant 0 : i32
    %c0_i32_0 = arith.constant 0 : i32
    return %arg0, %c0_i32 : i32, i32
  }
  func.func @transform_5(%arg0: i32) -> (i32, i32) {
    %c0_i32 = arith.constant 0 : i32
    %c0_i32_0 = arith.constant 0 : i32
    %c0_i32_1 = arith.constant 0 : i32
    return %c0_i32, %c0_i32_0 : i32, i32
  }
  func.func @transform_6(%arg0: i32) -> (i32, i32) {
    %c0_i32 = arith.constant 0 : i32
    %c0_i32_0 = arith.constant 0 : i32
    %c0_i32_1 = arith.constant 0 : i32
    return %c0_i32, %c0_i32_0 : i32, i32
  }
  func.func @transform_7(%arg0: i32) -> (i32, i32) {
    %c0_i32 = arith.constant 0 : i32
    %c0_i32_0 = arith.constant 0 : i32
    %c0_i32_1 = arith.constant 0 : i32
    return %c0_i32, %c0_i32_0 : i32, i32
  }
  func.func @transform_8(%arg0: i32) -> (i32, i32) {
    %c0_i32 = arith.constant 0 : i32
    %c0_i32_0 = arith.constant 0 : i32
    return %arg0, %c0_i32 : i32, i32
  }
  func.func @transform_9(%arg0: i32) -> (i32, i32) {
    %c0_i32 = arith.constant 0 : i32
    %c0_i32_0 = arith.constant 0 : i32
    return %arg0, %c0_i32 : i32, i32
  }
}

module attributes {stable_mosaic.version = 14 : i64} {
  func.func @_final_body(%arg0: i32, %arg1: memref<1x5000x64xbf16, #tpu.memory_space<vmem>>, %arg2: memref<1x5000x64xbf16, #tpu.memory_space<vmem>>, %arg3: memref<1x5000x1xf32, #tpu.memory_space<vmem>>, %arg4: memref<1x5000x1xf32, #tpu.memory_space<vmem>>, %arg5: memref<5000x64xf32, #tpu.memory_space<vmem>>, %arg6: memref<1x64xf32, #tpu.memory_space<vmem>>, %arg7: memref<1x64xf32, #tpu.memory_space<vmem>>, %arg8: memref<1x1xf32, #tpu.memory_space<vmem>>, %arg9: memref<5000x1xf32, #tpu.memory_space<vmem>>) attributes {dimension_semantics = [#tpu.dimension_semantics<arbitrary>], iteration_bounds = array<i64: 2>, scalar_prefetch = 0 : i64, scratch_operands = 0 : i64, tpu.core_type = #tpu.core_type<tc>, window_params = [{transform_indices = @transform_0, window_bounds = array<i64: 1, 5000, 64>}, {transform_indices = @transform_1, window_bounds = array<i64: 1, 5000, 64>}, {transform_indices = @transform_2, window_bounds = array<i64: 1, 5000, 1>}, {transform_indices = @transform_3, window_bounds = array<i64: 1, 5000, 1>}, {transform_indices = @transform_4, window_bounds = array<i64: 5000, 64>}, {pipeline_mode = #tpu.pipeline_mode<synchronous>, transform_indices = @transform_5, window_bounds = array<i64: 1, 64>}, {pipeline_mode = #tpu.pipeline_mode<synchronous>, transform_indices = @transform_6, window_bounds = array<i64: 1, 64>}, {pipeline_mode = #tpu.pipeline_mode<synchronous>, transform_indices = @transform_7, window_bounds = array<i64: 1, 1>}, {transform_indices = @transform_8, window_bounds = array<i64: 5000, 1>}]} {
    %get3A = arith.constant 0 : index
    %get3A_0 = arith.constant 0 : index
    %get3A_1 = arith.constant 0 : index
    %get3A_2 = vector.load %arg1[%get3A, %get3A_0, %get3A_1] : memref<1x5000x64xbf16, #tpu.memory_space<vmem>>, vector<1x5000x64xbf16>
    %get3A_3 = arith.constant 0 : index
    %get3A_4 = arith.constant 0 : index
    %get3A_5 = arith.constant 0 : index
    %get3A_6 = vector.load %arg2[%get3A_3, %get3A_4, %get3A_5] : memref<1x5000x64xbf16, #tpu.memory_space<vmem>>, vector<1x5000x64xbf16>
    %get3A_7 = arith.constant 0 : index
    %get3A_8 = arith.constant 0 : index
    %get3A_9 = arith.constant 0 : index
    %get3A_10 = vector.load %arg3[%get3A_7, %get3A_8, %get3A_9] : memref<1x5000x1xf32, #tpu.memory_space<vmem>>, vector<1x5000x1xf32>
    %get3A_11 = arith.constant 0 : index
    %get3A_12 = arith.constant 0 : index
    %get3A_13 = arith.constant 0 : index
    %get3A_14 = vector.load %arg4[%get3A_11, %get3A_12, %get3A_13] : memref<1x5000x1xf32, #tpu.memory_space<vmem>>, vector<1x5000x1xf32>
    %get3A_15 = arith.constant 0 : index
    %get3A_16 = arith.constant 0 : index
    %get3A_17 = vector.load %arg6[%get3A_15, %get3A_16] : memref<1x64xf32, #tpu.memory_space<vmem>>, vector<1x64xf32>
    %get3A_18 = arith.constant 0 : index
    %get3A_19 = arith.constant 0 : index
    %get3A_20 = vector.load %arg5[%get3A_18, %get3A_19] : memref<5000x64xf32, #tpu.memory_space<vmem>>, vector<5000x64xf32>
    %squeeze3A = vector.shape_cast %get3A_10 : vector<1x5000x1xf32> to vector<5000x1xf32>
    %squeeze3A_21 = vector.shape_cast %get3A_14 : vector<1x5000x1xf32> to vector<5000x1xf32>
    %add3A = arith.addf %squeeze3A, %squeeze3A_21 : vector<5000x1xf32>
    %max3A = arith.constant 1.000000e+00 : f32
    %max3A_22 = vector.broadcast %max3A : f32 to vector<5000x1xf32>
    %max3A_23 = arith.maximumf %add3A, %max3A_22 : vector<5000x1xf32>
    %squeeze3A_24 = vector.shape_cast %get3A_2 : vector<1x5000x64xbf16> to vector<5000x64xbf16>
    %convert_element_type3A = arith.extf %squeeze3A_24 : vector<5000x64xbf16> to vector<5000x64xf32>
    %squeeze3A_25 = vector.shape_cast %get3A_6 : vector<1x5000x64xbf16> to vector<5000x64xbf16>
    %convert_element_type3A_26 = arith.extf %squeeze3A_25 : vector<5000x64xbf16> to vector<5000x64xf32>
    %add3A_27 = arith.addf %convert_element_type3A, %convert_element_type3A_26 : vector<5000x64xf32>
    %div3A = vector.broadcast %max3A_23 : vector<5000x1xf32> to vector<5000x64xf32>
    %div3A_28 = arith.divf %add3A_27, %div3A : vector<5000x64xf32>
    %add3A_29 = vector.broadcast %get3A_17 : vector<1x64xf32> to vector<5000x64xf32>
    %add3A_30 = arith.addf %div3A_28, %add3A_29 : vector<5000x64xf32>
    %add3A_31 = arith.addf %add3A_30, %get3A_20 : vector<5000x64xf32>
    %max3A_32 = arith.constant 0.000000e+00 : f32
    %max3A_33 = vector.broadcast %max3A_32 : f32 to vector<5000x64xf32>
    %max3A_34 = arith.maximumf %add3A_31, %max3A_33 : vector<5000x64xf32>
    %get3A_35 = arith.constant 0 : index
    %get3A_36 = arith.constant 0 : index
    %get3A_37 = vector.load %arg7[%get3A_35, %get3A_36] : memref<1x64xf32, #tpu.memory_space<vmem>>, vector<1x64xf32>
    %mul3A = vector.broadcast %get3A_37 : vector<1x64xf32> to vector<5000x64xf32>
    %mul3A_38 = arith.mulf %max3A_34, %mul3A : vector<5000x64xf32>
    %reduce_sum3A = arith.constant dense<0.000000e+00> : vector<5000xf32>
    %reduce_sum3A_39 = vector.multi_reduction <add>, %mul3A_38, %reduce_sum3A [1] : vector<5000x64xf32> to vector<5000xf32>
    %broadcast_in_dim3A = vector.shape_cast %reduce_sum3A_39 : vector<5000xf32> to vector<5000x1xf32>
    %get3A_40 = arith.constant 0 : index
    %get3A_41 = arith.constant 0 : index
    %get3A_42 = vector.load %arg8[%get3A_40, %get3A_41] : memref<1x1xf32, #tpu.memory_space<vmem>>, vector<1x1xf32>
    %add3A_43 = vector.broadcast %get3A_42 : vector<1x1xf32> to vector<5000x1xf32>
    %add3A_44 = arith.addf %broadcast_in_dim3A, %add3A_43 : vector<5000x1xf32>
    %swap3A = arith.constant 0 : index
    %swap3A_45 = arith.constant 0 : index
    %swap3A_46 = vector.load %arg9[%swap3A, %swap3A_45] : memref<5000x1xf32, #tpu.memory_space<vmem>>, vector<5000x1xf32>
    tpu.vector_store %arg9[%swap3A, %swap3A_45], %add3A_44 {strides = array<i32>} : memref<5000x1xf32, #tpu.memory_space<vmem>>, vector<5000x1xf32>,
    return
  }
  func.func @transform_0(%arg0: i32) -> (i32, i32, i32) {
    %c0_i32 = arith.constant 0 : i32
    %c0_i32_0 = arith.constant 0 : i32
    %c0_i32_1 = arith.constant 0 : i32
    return %c0_i32, %arg0, %c0_i32_0 : i32, i32, i32
  }
  func.func @transform_1(%arg0: i32) -> (i32, i32, i32) {
    %c1_i32 = arith.constant 1 : i32
    %c0_i32 = arith.constant 0 : i32
    %c0_i32_0 = arith.constant 0 : i32
    return %c1_i32, %arg0, %c0_i32 : i32, i32, i32
  }
  func.func @transform_2(%arg0: i32) -> (i32, i32, i32) {
    %c0_i32 = arith.constant 0 : i32
    %c0_i32_0 = arith.constant 0 : i32
    %c0_i32_1 = arith.constant 0 : i32
    return %c0_i32, %arg0, %c0_i32_0 : i32, i32, i32
  }
  func.func @transform_3(%arg0: i32) -> (i32, i32, i32) {
    %c1_i32 = arith.constant 1 : i32
    %c0_i32 = arith.constant 0 : i32
    %c0_i32_0 = arith.constant 0 : i32
    return %c1_i32, %arg0, %c0_i32 : i32, i32, i32
  }
  func.func @transform_4(%arg0: i32) -> (i32, i32) {
    %c0_i32 = arith.constant 0 : i32
    %c0_i32_0 = arith.constant 0 : i32
    return %arg0, %c0_i32 : i32, i32
  }
  func.func @transform_5(%arg0: i32) -> (i32, i32) {
    %c0_i32 = arith.constant 0 : i32
    %c0_i32_0 = arith.constant 0 : i32
    %c0_i32_1 = arith.constant 0 : i32
    return %c0_i32, %c0_i32_0 : i32, i32
  }
  func.func @transform_6(%arg0: i32) -> (i32, i32) {
    %c0_i32 = arith.constant 0 : i32
    %c0_i32_0 = arith.constant 0 : i32
    %c0_i32_1 = arith.constant 0 : i32
    return %c0_i32, %c0_i32_0 : i32, i32
  }
  func.func @transform_7(%arg0: i32) -> (i32, i32) {
    %c0_i32 = arith.constant 0 : i32
    %c0_i32_0 = arith.constant 0 : i32
    %c0_i32_1 = arith.constant 0 : i32
    return %c0_i32, %c0_i32_0 : i32, i32
  }
  func.func @transform_8(%arg0: i32) -> (i32, i32) {
    %c0_i32 = arith.constant 0 : i32
    %c0_i32_0 = arith.constant 0 : i32
    return %arg0, %c0_i32 : i32, i32
  }
}

</mosaic_0001>

<sc_bundles>
// kernel: kernel.10.cloned.1.call-start
scs
__scs_entry_jumppad:
0x0: {  	(pc) =	sbr.rel $0x88, $3  }
0x1: {  	(tag) =	ssettag $0x0;
	lr =	simm.s32 $0x1  }
0x2: {  	[smem:$0x3F97] =	sst lr;
	_ =	strace $0xD0000000  }
0x3: {  	_ = 	snop  }
0x4: {  	_ = 	snop  }
0x5: {  	_ = 	snop  }
0x6: {  	_ = 	snop  }
0x7: {  	_ = 	snop  }
__scs_overlays_trampoline_lowered:
0x8: {  	[smem:$0x3FA6] =	sst s0  }
0x9: {  	[smem:$0x3FA7] =	sst s1  }
0xa: {  	[smem:$0x3FA8] =	sst s2  }
0xb: {  	[smem:$0x3FA9] =	sst s3  }
0xc: {  	[smem:$0x3FAA] =	sst s4  }
0xd: {  	[smem:$0x3FAB] =	sst s5  }
0xe: {  	[smem:$0x3FAC] =	sst s6  }
0xf: {  	[smem:$0x3FAD] =	sst s7  }
0x10: {  	[smem:$0x3FAE] =	sst s8  }
0x11: {  	[smem:$0x3FAF] =	sst s9;
	s0 =	simm.s32 @!p0 $0x0  }
0x12: {  	s1 =	sld [smem:$0x3F95];
	s0 =	simm.s32 @p0 $0x1  }
0x13: {  	[smem:$0x3FB0] =	sst s0;
	s0 =	simm.s32 @!p1 $0x0  }
0x14: {  	s2 =	sld [smem:$0x3F94];
	s0 =	simm.s32 @p1 $0x1  }
0x15: {  	[smem:$0x3FB1] =	sst s0;
	s0 =	simm.s32 @!p2 $0x0  }
0x16: {  	s3 =	sld [smem:$0x3FDB];
	s0 =	simm.s32 @p2 $0x1  }
0x17: {  	s4 =	simm.s32 $0x1BF5;
	[smem:$0x3FB3] =	sst s0  }
0x18: {  	s0 =	sld [smem:$0x3F96];
	_ =	swait.ge [sflag:s4], $0x0  }
0x19: {  	s7 =	sld [smem:$0x3F97]  }
0x1a: {  	s8 =	sadd.s32 $0xFFFFE003, lr  }
0x1b: {  	s9 =	sadd.s32 $0xFFFFFEF7, lr;
	s5 =	simm.s32 $0xFFFFFFFF;
	p2 =	slt.u32 s8, $0xFFFFF086  }
0x1c: {  	p1 =	slt.u32 s9, $0xF7A;
	s5 =	simm.s32 @!p2 $0x0  }
0x1d: {  	s5 =	simm.s32 @p1 $0x1;
	p0 =	seq.s32 s7, s2  }
0x1e: {  	s7 =	smul.u32 @!p0 $0xF7A, s2;
	p2 =	seq.s32 @!p0 s5, $0x0  }
0x1f: {  	s9 =	smul.u32 $0xF7A, s1;
	s8 =	simm.s32 @!p0 $0x1BF5;
	p2 =	por !p2, p0  }
0x20: {  	[sflag:s8] =	ssyncset.s32 @!p0 $0xFFFFF086;
	s6 =	sadd.s32 @!p0 s3, s7;
	s7 =	simm.s32 @!p0 $0x108  }
0x21: {  	s3 =	sadd.s32 s3, s9;
	s6 =	sadd.s32 @!p0 $0x88, s6;
	s7 =	simm.s32 @p2 $0x1082  }
0x22: {  	[simem:s7], [sflag:s8] =	dma.local @!p0 [hbm:s6], $0xF7A  }
0x23: {  	s9 =	sor.u32 $0xD0000000, s2;
	s6 =	simm.s32 $0x108;
	_ =	swait.ge @!p0 [sflag:s8], $0x0  }
0x24: {  	s3 =	sadd.s32 $0x88, s3;
	s6 =	simm.s32 @!p1 $0x1082;
	[sflag:s4] =	ssyncset.s32 $0xFFFFF086  }
0x25: {  	[simem:s6], [sflag:s4] =	dma.local [hbm:s3], $0xF7A  }
0x26: {  	[smem:$0x3F97] =	sst s1;
	(tag) =	ssettag s2;
	_ =	strace s9  }
0x27: {  	s1 =	sld [smem:$0x3FA7]  }
0x28: {  	s2 =	sld [smem:$0x3FA8]  }
0x29: {  	s4 =	sld [smem:$0x3FAA]  }
0x2a: {  	p0 =	seq.s32 s5, $0x0;
	s5 =	sld [smem:$0x3FAB]  }
0x2b: {  	s6 =	sld [smem:$0x3FAC]  }
0x2c: {  	s7 =	sld [smem:$0x3FAD]  }
0x2d: {  	s3 =	simm.s32 $0x108;
	s8 =	sld [smem:$0x3FAE]  }
0x2e: {  	s3 =	simm.s32 @!p0 $0x1082;
	s9 =	sld [smem:$0x3FAF]  }
0x2f: {  	lr =	sadd.s32 s0, s3;
	s0 =	sld [smem:$0x3FA6]  }
0x30: {  	s3 =	sld [smem:$0x3FA9]  }
0x31: {  	[smem:$0x3FB2] =	sst s10  }
0x32: {  	s10 =	sld [smem:$0x3FB0];
	_ =	sdelay $0x3  }
0x33: {  	p0 =	seq.s32 s10, $0x1;
	s10 =	sld [smem:$0x3FB2];
	_ =	sdelay $0x3  }
0x34: {  	[smem:$0x3FB2] =	sst s10  }
0x35: {  	s10 =	sld [smem:$0x3FB1];
	_ =	sdelay $0x3  }
0x36: {  	p1 =	seq.s32 s10, $0x1;
	s10 =	sld [smem:$0x3FB2];
	_ =	sdelay $0x3  }
0x37: {  	[smem:$0x3FB2] =	sst s10  }
0x38: {  	s10 =	sld [smem:$0x3FB3]  }
0x39: {  	_ = 	snop;
	(pc) =	sbr.ind lr, $3  }
0x3a: {  	_ = 	snop  }
0x3b: {  	_ = 	snop  }
0x3c: {  	p2 =	seq.s32 s10, $0x1;
	s10 =	sld [smem:$0x3FB2]  }
0x3d: {  	_ =	shalt  }
0x3e: {  	_ =	shalt  }
0x3f: {  	_ =	shalt  }
0x40: {  	_ =	shalt  }
0x41: {  	_ =	shalt  }
0x42: {  	_ =	shalt  }
0x43: {  	_ =	shalt  }
0x44: {  	_ =	shalt  }
0x45: {  	_ =	shalt  }
0x46: {  	_ =	shalt  }
0x47: {  	_ =	shalt  }
0x48: {  	_ =	shalt  }
0x49: {  	_ =	shalt  }
0x4a: {  	_ =	shalt  }
0x4b: {  	_ =	shalt  }
0x4c: {  	_ =	shalt  }
0x4d: {  	_ =	shalt  }
0x4e: {  	_ =	shalt  }
0x4f: {  	_ =	shalt  }
0x50: {  	_ =	shalt  }
0x51: {  	_ =	shalt  }
0x52: {  	_ =	shalt  }
0x53: {  	_ =	shalt  }
0x54: {  	_ =	shalt  }
0x55: {  	_ =	shalt  }
0x56: {  	_ =	shalt  }
0x57: {  	_ =	shalt  }
0x58: {  	_ =	shalt  }
0x59: {  	_ =	shalt  }
0x5a: {  	_ =	shalt  }
0x5b: {  	_ =	shalt  }
0x5c: {  	_ =	shalt  }
0x5d: {  	_ =	shalt  }
0x5e: {  	_ =	shalt  }
0x5f: {  	_ =	shalt  }
0x60: {  	_ =	shalt  }
0x61: {  	_ =	shalt  }
0x62: {  	_ =	shalt  }
0x63: {  	_ =	shalt  }
0x64: {  	_ =	shalt  }
0x65: {  	_ =	shalt  }
0x66: {  	_ =	shalt  }
0x67: {  	_ =	shalt  }
0x68: {  	_ =	shalt  }
0x69: {  	_ =	shalt  }
0x6a: {  	_ =	shalt  }
0x6b: {  	_ =	shalt  }
0x6c: {  	_ =	shalt  }
0x6d: {  	_ =	shalt  }
0x6e: {  	_ =	shalt  }
0x6f: {  	_ =	shalt  }
0x70: {  	_ =	shalt  }
0x71: {  	_ =	shalt  }
0x72: {  	_ =	shalt  }
0x73: {  	_ =	shalt  }
0x74: {  	_ =	shalt  }
0x75: {  	_ =	shalt  }
0x76: {  	_ =	shalt  }
0x77: {  	_ =	shalt  }
0x78: {  	_ =	shalt  }
0x79: {  	_ =	shalt  }
0x7a: {  	_ =	shalt  }
0x7b: {  	_ =	shalt  }
0x7c: {  	_ =	shalt  }
0x7d: {  	_ =	shalt  }
0x7e: {  	_ =	shalt  }
0x7f: {  	_ =	shalt  }
0x80: {  	_ =	shalt  }
0x81: {  	_ =	shalt  }
0x82: {  	_ =	shalt  }
0x83: {  	_ =	shalt  }
0x84: {  	_ =	shalt  }
0x85: {  	_ =	shalt  }
0x86: {  	_ =	shalt  }
0x87: {  	_ =	shalt  }
.Lfunc_end0:
.L_simem_size_0:
called_computation.1_lowered:
.L_overlay_start_0:
0x88: {  	s2 =	sld [smem:$0x3FD9]  }
0x89: {  	s3 =	sld [smem:$0x3FFE];
	_ =	sdelay $0x1  }
0x8a: {  	s1 =	srdreg.scid  }
0x8b: {  	s0 =	sand.u32 $0x1, s1  }
0x8c: {  	s16 =	sshll.u32 s0, $0xA;
	s2 =	sadd.s32 s3, s2  }
0x8d: {  	s2 =	sadd.s32 s2, s16  }
0x8e: {  	[smem:$0x3FBE] =	sst s2  }
0x8f: {  	_ = 	snop  }
0x90: {  	(tm) =	ssettm $0x1  }
0x91: {  	s17 =	sld [smem:$0x3FFB];
	_ =	sdelay $0x3  }
0x92: {  	_ =	strace s17  }
0x93: {  	s2 =	sld [smem:$0x3FFC];
	_ =	sdelay $0x3  }
0x94: {  	_ =	strace s2  }
0x95: {  	s2 =	sld [smem:$0x3FFD];
	_ =	sdelay $0x3  }
0x96: {  	_ =	strace s2  }
0x97: {  	_ =	strace $0x8FFFFFFF  }
0x98: {  	s18 =	sld [smem:$0x3FDB];
	_ =	sdelay $0x1  }
0x99: {  	s19 =	simm.s32 $_scs_section_size  }
0x9a: {  	s4 =	simm.s32 $_size__tile_overlayer_lowered;
	s5 =	simm.s32 $_tile_overlayer_lowered  }
0x9b: {  	s22 =	simm.s32 $0x1BFF;
	s21 =	sshll.u32 s5, $0x1;
	s2 =	sadd.s32 s19, s18  }
0x9c: {  	s6 =	simm.s32 $0x0;
	s20 =	sshll.u32 s4, $0x1;
	s4 =	sadd.s32 s21, s2  }
0x9d: {  	[timem:s6], [sflag:s22] =	dma.local [hbm:s4], s20  }
0x9e: {  	_ =	swait.ge [sflag:s22], s20  }
0x9f: {  	s3 =	ssub.s32 $0x0, s20;
	[sflag:s22] =	ssyncset.done $0x0  }
0xa0: {  	[sflag:s22] =	ssyncadd.s32 s3;
	_ =	sdelay $0x1  }
0xa1: {  	s23 =	simm.s32 $0x1B8B  }
0xa2: {  	_ =	swait.ge [sflag:s23], $0x1  }
0xa3: {  	[sflag:s23] =	ssyncset.done $0x0  }
0xa4: {  	s25 =	simm.s32 $0x1B8E;
	s24 =	sld [smem:$0x3FFE];
	[sflag:s23] =	ssyncadd.s32 $0xFFFFFFFF  }
0xa5: {  	s26 =	simm.s32 $execute0_lowered;
	[smem:$0x3FD2] =	sst s25  }
0xa6: {  	s4 =	sshll.u32 s26, $0x1;
	_ =	strace $0x80000049;
	[dreg:$0x1] =	wrdreg $0xFFFFFFFF  }
0xa7: {  	s28 =	simm.s32 $_size_execute0_lowered;
	s2 =	sadd.s32 s2, s4;
	[dreg:$0x0] =	wrdreg $0x0  }
0xa8: {  	s4 =	sshll.u32 s28, $0x1;
	[dreg:$0x2] =	wrdreg s2  }
0xa9: {  	[dreg:$0x3] =	wrdreg s4  }
0xaa: {  	[dreg:$0x4] =	wrdreg $0xC0  }
0xab: {  	_ =	task [dreg:s6], $0x5FFFF  }
0xac: {  	[dreg:$0x1] =	wrdreg $0xFFFFFFFF  }
0xad: {  	[dreg:$0x0] =	wrdreg $0x60  }
0xae: {  	[dreg:$0x2] =	wrdreg s24  }
0xaf: {  	[dreg:$0x3] =	wrdreg $0x80200  }
0xb0: {  	[dreg:$0x4] =	wrdreg $0x9  }
0xb1: {  	_ =	task.clear_ibuf [dreg:s6], $0x5FFFF;
	_ =	strace $0x90000049  }
0xb2: {  	s29 =	simm.s32 $0x9;
	_ =	strace $0x8000004B  }
0xb3: {  	_ =	swait.ge [sflag:s29], $0x1  }
0xb4: {  	[sflag:s29] =	ssyncadd.s32 $0xFFFFFFFF  }
0xb5: {  	_ =	strace $0x9000004B  }
0xb6: {  	_ =	sfence  }
0xb7: {  	s30 =	sld [smem:$0x0];
	_ =	sdelay $0x2  }
0xb8: {  	s31 =	sshll.u32 s1, $0xD;
	s1 =	sshrl.u32 s1, $0x2  }
0xb9: {  	s3 =	sand.u32 $0x4000, s31;
	s1 =	sadd.s32 s1, s30  }
0xba: {  	s0 =	sor.u32 s3, s0;
	s1 =	sshll.u32 s1, $0x11  }
0xbb: {  	s0 =	sor.u32 s1, s0  }
0xbc: {  	s0 =	sadd.s32 $0x8F2B, s0  }
0xbd: {  	[sflag:s0] =	ssyncadd.remote.s32 $0x1  }
0xbe: {  	_ =	sfence.sel $0xFFFF  }
0xbf: {  	[dreg:$0x0] =	wrdreg $0xFFFFFFFF;
	(pc) =	sbr.abs _section_cstart, $3  }
0xc0: {  	[dreg:$0x1] =	wrdreg $0xFFFFFFFF  }
0xc1: {  	_ =	task.clear_ibuf [dreg:s6], $0x2FFFF;
	_ =	strace $0x9FFFFFFF  }
0xc2: {  	(tm) =	ssettm $0x7FFFFFFF  }
0xc3: {  	_ =	shalt  }
tec
execute0_lowered:
.L_overlay_start_1:
0x0: {  	(tag) =	ssettag $0x1  }
0x1: {  	s0 =	srdreg.scid;
	s1 =	rddreg [dreg:$0x0]  }
0x2: {  	s10 =	stileid.u32;
	s2 =	rddreg [dreg:$0x1]  }
0x3: {  	s12 =	simm.s32 $0xB;
	s13 =	simm.s32 $0x2710;
	s14 =	simm.s32 $0x50  }
0x4: {  	s15 =	simm.s32 $0x4E20;
	s16 =	simm.s32 $0x5820;
	s18 =	simm.s32 $0x6220  }
0x5: {  	s20 =	simm.s32 $0x6C20;
	s22 =	simm.s32 $0x7620;
	s23 =	simm.s32 $0x1  }
0x6: {  	s29 =	simm.s32 $0x7;
	s31 =	simm.s32 $0x3;
	s19 =	simm.s32 $0x4  }
0x7: {  	s30 =	simm.s32 $0x5;
	s17 =	simm.s32 $0xA;
	s6 =	smul.u32 $0xA00, s10  }
0x8: {  	s21 =	simm.s32 $0x0;
	s0 =	sand.u32 $0x1, s0;
	s9 =	smul.u32 $0x14000, s10  }
0x9: {  	s24 =	sadd.s32 $0x1F800, s1;
	s28 =	sshll.u32 s10, $0x6;
	s3 =	sshll.u32 s0, $0x4  }
0xa: {  	s7 =	smul.u32 $0xA000, s0;
	s0 =	ssub.s32 $0x2, s0;
	s4 =	sor.u32 s10, s3  }
0xb: {  	s3 =	simm.s32 $0x0;
	s25 =	sshrl.u32 s0, $0x1;
	s26 =	sshrl.u32 s9, $0x2  }
0xc: {  	s4 =	smul.u32 $0x2710, s4;
	[smem:$0x7FF] =	sst s3;
	s6 =	sadd.s32 s6, s7  }
0xd: {  	s0 =	ssub.s32 s0, s25;
	s11 =	sadd.s32 s26, s2;
	s26 =	simm.s32 $0x2  }
0xe: {  	s25 =	simm.s32 $0x9;
	_ =	strace $0x8000004A;
	[dreg:$0x3] =	wrdreg s24  }
0xf: {  	s10 =	smax.u32 s0, $0x1;
	s11 =	sshrl.u32 s11, $0x3;
	s24 =	simm.s32 $0x6  }
0x10: {  	s0 =	simm.s32 $0x8;
	s5 =	sshrl.u32 s4, $0x3;
	s4 =	sadd.s32 $0x2000, s1  }
0x11: {  	s8 =	sadd.s32 s5, s1;
	s1 =	sadd.s32 s6, s1;
	s6 =	sor.u32 $0x1C0B, s28  }
0x12: {  	s7 =	sadd.s32 $0xBE00, s8;
	s8 =	sadd.s32 $0x15A40, s8;
	s9 =	sadd.s32 $0x20200, s1  }
.LBB2_1:
0x13: {  	s1 =	rddreg [dreg:$0x3]  }
0x14: {  	[spmem:s11], [sflag:s6] =	dma.local [hbm:s1], $0xA00  }
0x15: {  	_ =	swait.ge [sflag:s12], $0xA00  }
0x16: {  	[sflag:s12] =	ssyncset.done $0x0  }
0x17: {  	[sflag:s12] =	ssyncadd.s32 $0xFFFFF600  }
0x18: {  	[tilespmem:s3], [sflag:$0xB] =	stream.linear.gather [hbm4b:s7+s3], $0x2710, $0x38;
	[tilespmem:$0xD020] =	vst v63  }
0x19: {  	_ =	swait.ge [sflag:s12], $0x2710  }
0x1a: {  	[sflag:s12] =	ssyncset.done $0x0  }
0x1b: {  	[sflag:s12] =	ssyncadd.s32 $0xFFFFD8F0  }
0x1c: {  	[tilespmem:s13], [sflag:$0xB] =	stream.linear.gather [hbm4b:s8+s3], $0x2710, $0x38;
	[tilespmem:$0xD020] =	vst v63  }
0x1d: {  	_ =	swait.ge [sflag:s12], $0x2710  }
0x1e: {  	[sflag:s12] =	ssyncset.done $0x0  }
0x1f: {  	[sflag:s12] =	ssyncadd.s32 $0xFFFFD8F0  }
0x20: {  	[bflag:$0x0] =	sbarrier.arrive $0xFFFF  }
0x21: {  	[tilespmem:s15], [sflag:$0x1] =	stream.indirect.gather [hbm4b:s4+s14], $0x20, s3, s14, $0xb8;
	[tilespmem:$0xD020] =	vst v63  }
0x22: {  	_ = 	snop  }
0x23: {  	[tilespmem:s16], [sflag:$0x2] =	stream.indirect.gather [hbm4b:s4+s14], $0x20, s14, s14, $0xb8;
	[tilespmem:$0xD020] =	vst v63  }
0x24: {  	s5 =	simm.s32 $0xA0  }
0x25: {  	[tilespmem:s18], [sflag:$0x3] =	stream.indirect.gather [hbm4b:s4+s14], $0x20, s5, s14, $0xb8;
	[tilespmem:$0xD020] =	vst v63  }
0x26: {  	s5 =	simm.s32 $0xF0  }
0x27: {  	[tilespmem:s20], [sflag:$0x4] =	stream.indirect.gather [hbm4b:s4+s14], $0x20, s5, s14, $0xb8;
	[tilespmem:$0xD020] =	vst v63  }
0x28: {  	s5 =	simm.s32 $0x140  }
0x29: {  	[tilespmem:s22], [sflag:$0x5] =	stream.indirect.gather [hbm4b:s4+s14], $0x20, s5, s14, $0xb8;
	[tilespmem:$0xD020] =	vst v63  }
0x2a: {  	_ =	swait.ge [sflag:s23], $0xA00  }
0x2b: {  	[sflag:s23] =	ssyncset.done $0x0  }
0x2c: {  	[sflag:s23] =	ssyncadd.s32 $0xFFFFF600  }
0x2d: {  	[spmem:s2] =	stream.indirect.scatter.add.bf16 [tilespmem:s15], [sflag:$0x6], $0x20, s13, s14, $0xb8;
	[tilespmem:$0xD020] =	vst v63  }
0x2e: {  	_ =	swait.ge [sflag:s24], $0xA00  }
0x2f: {  	[sflag:s24] =	ssyncset.done $0x0  }
0x30: {  	s5 =	simm.s32 $0x190;
	[sflag:s24] =	ssyncadd.s32 $0xFFFFF600  }
0x31: {  	[tilespmem:s15], [sflag:$0x1] =	stream.indirect.gather [hbm4b:s4+s14], $0x20, s5, s14, $0xb8;
	[tilespmem:$0xD020] =	vst v63  }
0x32: {  	_ =	swait.ge [sflag:s26], $0xA00  }
0x33: {  	[sflag:s26] =	ssyncset.done $0x0  }
0x34: {  	s5 =	simm.s32 $0x2760;
	[sflag:s26] =	ssyncadd.s32 $0xFFFFF600  }
0x35: {  	[spmem:s2] =	stream.indirect.scatter.add.bf16 [tilespmem:s16], [sflag:$0x7], $0x20, s5, s14, $0xb8;
	[tilespmem:$0xD020] =	vst v63  }
0x36: {  	_ =	swait.ge [sflag:s29], $0xA00  }
0x37: {  	[sflag:s29] =	ssyncset.done $0x0  }
0x38: {  	s5 =	simm.s32 $0x1E0;
	[sflag:s29] =	ssyncadd.s32 $0xFFFFF600  }
0x39: {  	[tilespmem:s16], [sflag:$0x2] =	stream.indirect.gather [hbm4b:s4+s14], $0x20, s5, s14, $0xb8;
	[tilespmem:$0xD020] =	vst v63  }
0x3a: {  	_ =	swait.ge [sflag:s31], $0xA00  }
0x3b: {  	[sflag:s31] =	ssyncset.done $0x0  }
0x3c: {  	s5 =	simm.s32 $0x27B0;
	[sflag:s31] =	ssyncadd.s32 $0xFFFFF600  }
0x3d: {  	[spmem:s2] =	stream.indirect.scatter.add.bf16 [tilespmem:s18], [sflag:$0x8], $0x20, s5, s14, $0xb8;
	[tilespmem:$0xD020] =	vst v63  }
0x3e: {  	_ =	swait.ge [sflag:s0], $0xA00  }
0x3f: {  	[sflag:s0] =	ssyncset.done $0x0  }
0x40: {  	s5 =	simm.s32 $0x230;
	[sflag:s0] =	ssyncadd.s32 $0xFFFFF600  }
0x41: {  	[tilespmem:s18], [sflag:$0x3] =	stream.indirect.gather [hbm4b:s4+s14], $0x20, s5, s14, $0xb8;
	[tilespmem:$0xD020] =	vst v63  }
0x42: {  	_ =	swait.ge [sflag:s19], $0xA00  }
0x43: {  	[sflag:s19] =	ssyncset.done $0x0  }
0x44: {  	s5 =	simm.s32 $0x2800;
	[sflag:s19] =	ssyncadd.s32 $0xFFFFF600  }
0x45: {  	[spmem:s2] =	stream.indirect.scatter.add.bf16 [tilespmem:s20], [sflag:$0x9], $0x20, s5, s14, $0xb8;
	[tilespmem:$0xD020] =	vst v63  }
0x46: {  	_ =	swait.ge [sflag:s25], $0xA00  }
0x47: {  	[sflag:s25] =	ssyncset.done $0x0  }
0x48: {  	s5 =	simm.s32 $0x280;
	[sflag:s25] =	ssyncadd.s32 $0xFFFFF600  }
0x49: {  	[tilespmem:s20], [sflag:$0x4] =	stream.indirect.gather [hbm4b:s4+s14], $0x20, s5, s14, $0xb8;
	[tilespmem:$0xD020] =	vst v63  }
0x4a: {  	_ =	swait.ge [sflag:s30], $0xA00  }
0x4b: {  	[sflag:s30] =	ssyncset.done $0x0  }
0x4c: {  	s5 =	simm.s32 $0x2850;
	[sflag:s30] =	ssyncadd.s32 $0xFFFFF600  }
0x4d: {  	[spmem:s2] =	stream.indirect.scatter.add.bf16 [tilespmem:s22], [sflag:$0xA], $0x20, s5, s14, $0xb8;
	[tilespmem:$0xD020] =	vst v63  }
0x4e: {  	_ =	swait.ge [sflag:s17], $0xA00  }
0x4f: {  	[sflag:s17] =	ssyncset.done $0x0  }
0x50: {  	s5 =	simm.s32 $0x2D0;
	[sflag:s17] =	ssyncadd.s32 $0xFFFFF600  }
0x51: {  	[tilespmem:s22], [sflag:$0x5] =	stream.indirect.gather [hbm4b:s4+s14], $0x20, s5, s14, $0xb8;
	[tilespmem:$0xD020] =	vst v63  }
0x52: {  	_ =	swait.ge [sflag:s23], $0xA00  }
0x53: {  	[sflag:s23] =	ssyncset.done $0x0  }
0x54: {  	s5 =	simm.s32 $0x28A0;
	[sflag:s23] =	ssyncadd.s32 $0xFFFFF600  }
0x55: {  	[spmem:s2] =	stream.indirect.scatter.add.bf16 [tilespmem:s15], [sflag:$0x6], $0x20, s5, s14, $0xb8;
	[tilespmem:$0xD020] =	vst v63  }
0x56: {  	_ =	swait.ge [sflag:s24], $0xA00  }
0x57: {  	[sflag:s24] =	ssyncset.done $0x0  }
0x58: {  	s5 =	simm.s32 $0x320;
	[sflag:s24] =	ssyncadd.s32 $0xFFFFF600  }
0x59: {  	[tilespmem:s15], [sflag:$0x1] =	stream.indirect.gather [hbm4b:s4+s14], $0x20, s5, s14, $0xb8;
	[tilespmem:$0xD020] =	vst v63  }
0x5a: {  	_ =	swait.ge [sflag:s26], $0xA00  }
0x5b: {  	[sflag:s26] =	ssyncset.done $0x0  }
0x5c: {  	s5 =	simm.s32 $0x28F0;
	[sflag:s26] =	ssyncadd.s32 $0xFFFFF600  }
0x5d: {  	[spmem:s2] =	stream.indirect.scatter.add.bf16 [tilespmem:s16], [sflag:$0x7], $0x20, s5, s14, $0xb8;
	[tilespmem:$0xD020] =	vst v63  }
0x5e: {  	_ =	swait.ge [sflag:s29], $0xA00  }
0x5f: {  	[sflag:s29] =	ssyncset.done $0x0  }
0x60: {  	s5 =	simm.s32 $0x370;
	[sflag:s29] =	ssyncadd.s32 $0xFFFFF600  }
0x61: {  	[tilespmem:s16], [sflag:$0x2] =	stream.indirect.gather [hbm4b:s4+s14], $0x20, s5, s14, $0xb8;
	[tilespmem:$0xD020] =	vst v63  }
0x62: {  	_ =	swait.ge [sflag:s31], $0xA00  }
0x63: {  	[sflag:s31] =	ssyncset.done $0x0  }
0x64: {  	s5 =	simm.s32 $0x2940;
	[sflag:s31] =	ssyncadd.s32 $0xFFFFF600  }
0x65: {  	[spmem:s2] =	stream.indirect.scatter.add.bf16 [tilespmem:s18], [sflag:$0x8], $0x20, s5, s14, $0xb8;
	[tilespmem:$0xD020] =	vst v63  }
0x66: {  	_ =	swait.ge [sflag:s0], $0xA00  }
0x67: {  	[sflag:s0] =	ssyncset.done $0x0  }
0x68: {  	s5 =	simm.s32 $0x3C0;
	[sflag:s0] =	ssyncadd.s32 $0xFFFFF600  }
0x69: {  	[tilespmem:s18], [sflag:$0x3] =	stream.indirect.gather [hbm4b:s4+s14], $0x20, s5, s14, $0xb8;
	[tilespmem:$0xD020] =	vst v63  }
0x6a: {  	_ =	swait.ge [sflag:s19], $0xA00  }
0x6b: {  	[sflag:s19] =	ssyncset.done $0x0  }
0x6c: {  	s5 =	simm.s32 $0x2990;
	[sflag:s19] =	ssyncadd.s32 $0xFFFFF600  }
0x6d: {  	[spmem:s2] =	stream.indirect.scatter.add.bf16 [tilespmem:s20], [sflag:$0x9], $0x20, s5, s14, $0xb8;
	[tilespmem:$0xD020] =	vst v63  }
0x6e: {  	_ =	swait.ge [sflag:s25], $0xA00  }
0x6f: {  	[sflag:s25] =	ssyncset.done $0x0  }
0x70: {  	s5 =	simm.s32 $0x410;
	[sflag:s25] =	ssyncadd.s32 $0xFFFFF600  }
0x71: {  	[tilespmem:s20], [sflag:$0x4] =	stream.indirect.gather [hbm4b:s4+s14], $0x20, s5, s14, $0xb8;
	[tilespmem:$0xD020] =	vst v63  }
0x72: {  	_ =	swait.ge [sflag:s30], $0xA00  }
0x73: {  	[sflag:s30] =	ssyncset.done $0x0  }
0x74: {  	s28 =	simm.s32 $0x640;
	s1 =	simm.s32 $0x29E0;
	[sflag:s30] =	ssyncadd.s32 $0xFFFFF600  }
.LBB2_2:
0x75: {  	[spmem:s2] =	stream.indirect.scatter.add.bf16 [tilespmem:s22], [sflag:$0xA], $0x20, s1, s14, $0xb8;
	[tilespmem:$0xD020] =	vst v63  }
0x76: {  	s1 =	smov.u32 s28;
	s28 =	sadd.s32 $0x640, s28;
	_ =	swait.ge [sflag:s17], $0xA00  }
0x77: {  	s1 =	sshra.s32 s1, $0x2;
	p0 =	sne.s32 s28, $0x8FC0;
	[sflag:s17] =	ssyncset.done $0x0  }
0x78: {  	s5 =	sadd.s32 $0x2D0, s1;
	[sflag:s17] =	ssyncadd.s32 $0xFFFFF600  }
0x79: {  	[tilespmem:s22], [sflag:$0x5] =	stream.indirect.gather [hbm4b:s4+s14], $0x20, s5, s14, $0xb8;
	[tilespmem:$0xD020] =	vst v63  }
0x7a: {  	_ =	swait.ge [sflag:s23], $0xA00  }
0x7b: {  	[sflag:s23] =	ssyncset.done $0x0  }
0x7c: {  	s5 =	sadd.s32 $0x28A0, s1;
	[sflag:s23] =	ssyncadd.s32 $0xFFFFF600  }
0x7d: {  	[spmem:s2] =	stream.indirect.scatter.add.bf16 [tilespmem:s15], [sflag:$0x6], $0x20, s5, s14, $0xb8;
	[tilespmem:$0xD020] =	vst v63  }
0x7e: {  	_ =	swait.ge [sflag:s24], $0xA00  }
0x7f: {  	[sflag:s24] =	ssyncset.done $0x0  }
0x80: {  	s5 =	sadd.s32 $0x320, s1;
	[sflag:s24] =	ssyncadd.s32 $0xFFFFF600  }
0x81: {  	[tilespmem:s15], [sflag:$0x1] =	stream.indirect.gather [hbm4b:s4+s14], $0x20, s5, s14, $0xb8;
	[tilespmem:$0xD020] =	vst v63  }
0x82: {  	_ =	swait.ge [sflag:s26], $0xA00  }
0x83: {  	[sflag:s26] =	ssyncset.done $0x0  }
0x84: {  	s5 =	sadd.s32 $0x28F0, s1;
	[sflag:s26] =	ssyncadd.s32 $0xFFFFF600  }
0x85: {  	[spmem:s2] =	stream.indirect.scatter.add.bf16 [tilespmem:s16], [sflag:$0x7], $0x20, s5, s14, $0xb8;
	[tilespmem:$0xD020] =	vst v63  }
0x86: {  	_ =	swait.ge [sflag:s29], $0xA00  }
0x87: {  	[sflag:s29] =	ssyncset.done $0x0  }
0x88: {  	s5 =	sadd.s32 $0x370, s1;
	[sflag:s29] =	ssyncadd.s32 $0xFFFFF600  }
0x89: {  	[tilespmem:s16], [sflag:$0x2] =	stream.indirect.gather [hbm4b:s4+s14], $0x20, s5, s14, $0xb8;
	[tilespmem:$0xD020] =	vst v63  }
0x8a: {  	_ =	swait.ge [sflag:s31], $0xA00  }
0x8b: {  	[sflag:s31] =	ssyncset.done $0x0  }
0x8c: {  	s5 =	sadd.s32 $0x2940, s1;
	[sflag:s31] =	ssyncadd.s32 $0xFFFFF600  }
0x8d: {  	[spmem:s2] =	stream.indirect.scatter.add.bf16 [tilespmem:s18], [sflag:$0x8], $0x20, s5, s14, $0xb8;
	[tilespmem:$0xD020] =	vst v63  }
0x8e: {  	_ =	swait.ge [sflag:s0], $0xA00  }
0x8f: {  	[sflag:s0] =	ssyncset.done $0x0  }
0x90: {  	s5 =	sadd.s32 $0x3C0, s1;
	[sflag:s0] =	ssyncadd.s32 $0xFFFFF600  }
0x91: {  	[tilespmem:s18], [sflag:$0x3] =	stream.indirect.gather [hbm4b:s4+s14], $0x20, s5, s14, $0xb8;
	[tilespmem:$0xD020] =	vst v63  }
0x92: {  	_ =	swait.ge [sflag:s19], $0xA00  }
0x93: {  	[sflag:s19] =	ssyncset.done $0x0  }
0x94: {  	s5 =	sadd.s32 $0x2990, s1;
	[sflag:s19] =	ssyncadd.s32 $0xFFFFF600  }
0x95: {  	[spmem:s2] =	stream.indirect.scatter.add.bf16 [tilespmem:s20], [sflag:$0x9], $0x20, s5, s14, $0xb8;
	[tilespmem:$0xD020] =	vst v63  }
0x96: {  	_ =	swait.ge [sflag:s25], $0xA00  }
0x97: {  	[sflag:s25] =	ssyncset.done $0x0  }
.Ltmp0:
0x98: {  	s5 =	sadd.s32 $0x410, s1;
	[sflag:s25] =	ssyncadd.s32 $0xFFFFF600;
	(pc) =	sbr.rel @p0 .LBB2_2-.Ltmp0, $4  }
0x99: {  	[tilespmem:s20], [sflag:$0x4] =	stream.indirect.gather [hbm4b:s4+s14], $0x20, s5, s14, $0xb8;
	[tilespmem:$0xD020] =	vst v63  }
0x9a: {  	_ =	swait.ge [sflag:s30], $0xA00  }
0x9b: {  	[sflag:s30] =	ssyncset.done $0x0  }
0x9c: {  	s1 =	sadd.s32 $0x29E0, s1;
	[sflag:s30] =	ssyncadd.s32 $0xFFFFF600  }
0x9d: {  	[spmem:s2] =	stream.indirect.scatter.add.bf16 [tilespmem:s22], [sflag:$0xA], $0x20, s1, s14, $0xb8;
	[tilespmem:$0xD020] =	vst v63  }
0x9e: {  	_ =	swait.ge [sflag:s17], $0xA00  }
0x9f: {  	s1 =	sshra.s32 s28, $0x2;
	[sflag:s17] =	ssyncset.done $0x0  }
0xa0: {  	s5 =	sadd.s32 $0x2D0, s1;
	[sflag:s17] =	ssyncadd.s32 $0xFFFFF600  }
0xa1: {  	[tilespmem:s22], [sflag:$0x5] =	stream.indirect.gather [hbm4b:s4+s14], $0x20, s5, s14, $0xb8;
	[tilespmem:$0xD020] =	vst v63  }
0xa2: {  	_ =	swait.ge [sflag:s23], $0xA00  }
0xa3: {  	[sflag:s23] =	ssyncset.done $0x0  }
0xa4: {  	s28 =	sadd.s32 $0x28A0, s1;
	[sflag:s23] =	ssyncadd.s32 $0xFFFFF600  }
0xa5: {  	[spmem:s2] =	stream.indirect.scatter.add.bf16 [tilespmem:s15], [sflag:$0x6], $0x20, s28, s14, $0xb8;
	[tilespmem:$0xD020] =	vst v63  }
0xa6: {  	_ =	swait.ge [sflag:s26], $0xA00  }
0xa7: {  	[sflag:s26] =	ssyncset.done $0x0  }
0xa8: {  	s28 =	sadd.s32 $0x28F0, s1;
	[sflag:s26] =	ssyncadd.s32 $0xFFFFF600  }
0xa9: {  	[spmem:s2] =	stream.indirect.scatter.add.bf16 [tilespmem:s16], [sflag:$0x7], $0x20, s28, s14, $0xb8;
	[tilespmem:$0xD020] =	vst v63  }
0xaa: {  	_ =	swait.ge [sflag:s31], $0xA00  }
0xab: {  	[sflag:s31] =	ssyncset.done $0x0  }
0xac: {  	s28 =	sadd.s32 $0x2940, s1;
	[sflag:s31] =	ssyncadd.s32 $0xFFFFF600  }
0xad: {  	[spmem:s2] =	stream.indirect.scatter.add.bf16 [tilespmem:s18], [sflag:$0x8], $0x20, s28, s14, $0xb8;
	[tilespmem:$0xD020] =	vst v63  }
0xae: {  	_ =	swait.ge [sflag:s19], $0xA00  }
0xaf: {  	[sflag:s19] =	ssyncset.done $0x0  }
0xb0: {  	s28 =	sadd.s32 $0x2990, s1;
	[sflag:s19] =	ssyncadd.s32 $0xFFFFF600  }
0xb1: {  	[spmem:s2] =	stream.indirect.scatter.add.bf16 [tilespmem:s20], [sflag:$0x9], $0x20, s28, s14, $0xb8;
	[tilespmem:$0xD020] =	vst v63  }
0xb2: {  	_ =	swait.ge [sflag:s30], $0xA00  }
0xb3: {  	[sflag:s30] =	ssyncset.done $0x0  }
0xb4: {  	s1 =	sadd.s32 $0x29E0, s1;
	[sflag:s30] =	ssyncadd.s32 $0xFFFFF600  }
0xb5: {  	[spmem:s2] =	stream.indirect.scatter.add.bf16 [tilespmem:s22], [sflag:$0xA], $0x20, s1, s14, $0xb8;
	[tilespmem:$0xD020] =	vst v63  }
0xb6: {  	_ =	swait.ge [sflag:s24], $0xA00  }
0xb7: {  	[sflag:s24] =	ssyncset.done $0x0  }
0xb8: {  	[sflag:s24] =	ssyncadd.s32 $0xFFFFF600  }
0xb9: {  	_ =	swait.ge [sflag:s29], $0xA00  }
0xba: {  	[sflag:s29] =	ssyncset.done $0x0  }
0xbb: {  	[sflag:s29] =	ssyncadd.s32 $0xFFFFF600  }
0xbc: {  	_ =	swait.ge [sflag:s0], $0xA00  }
0xbd: {  	[sflag:s0] =	ssyncset.done $0x0  }
0xbe: {  	[sflag:s0] =	ssyncadd.s32 $0xFFFFF600  }
0xbf: {  	_ =	swait.ge [sflag:s25], $0xA00  }
0xc0: {  	[sflag:s25] =	ssyncset.done $0x0  }
0xc1: {  	[sflag:s25] =	ssyncadd.s32 $0xFFFFF600  }
0xc2: {  	_ =	swait.ge [sflag:s17], $0xA00  }
0xc3: {  	s21 =	sadd.s32 $0x1, s21;
	[sflag:s17] =	ssyncset.done $0x0  }
0xc4: {  	p0 =	sne.s32 s21, s10;
	[sflag:s17] =	ssyncadd.s32 $0xFFFFF600  }
.Ltmp1:
0xc5: {  	[bflag:$0x0] =	sbarrier.arrive $0xFFFF;
	(pc) =	sbr.rel @p0 .LBB2_1-.Ltmp1, $4  }
0xc6: {  	[hbm:s9], [sflag:s6] =	dma.local [spmem:s11], $0xA00  }
0xc7: {  	_ =	swait.ge [sflag:s12], $0xA00  }
0xc8: {  	[sflag:s12] =	ssyncset.done $0x0  }
0xc9: {  	[sflag:s12] =	ssyncadd.s32 $0xFFFFF600  }
0xca: {  	_ =	sfence.sel $0x180000  }
0xcb: {  	[bflag:$0x0] =	sbarrier.arrive $0xFFFF  }
0xcc: {  	_ =	strace $0x9000004A  }
0xcd: {  	s0 =	stileid.u32;
	[bflag:$0x2] =	sbarrier.arrive $0xFFFF  }
0xce: {  	p0 =	sne.s32 s0, $0x0;
	s0 =	rddreg [dreg:$0x2]  }
0xcf: {  	s0 =	sadd.s32 @!p0 $0x100000, s0  }
0xd0: {  	[sflag:s0] =	ssyncadd.tile.s32 @!p0 $0x1;
	_ =	shalt  }
.Lfunc_end2:
_tile_overlayer_lowered:
.L_overlay_start_2:
0xd1: {  	(tag) =	ssettag $0x2  }
0xd2: {  	s0 =	rddreg [dreg:$0x0];
	s2 =	stileid.u32  }
0xd3: {  	s1 =	rddreg [dreg:$0x1];
	p0 =	sne.s32 s2, $0x0  }
0xd4: {  	s3 =	rddreg [dreg:$0x2];
	[bflag:$0x3] =	sbarrier.arrive $0xFFFF;
	s2 =	simm.s32 @!p0 $0x1C0B  }
0xd5: {  	[timem:s3], [sflag:s2] =	dma.local @!p0 [hbm:s0], s1  }
0xd6: {  	s0 =	simm.s32 @!p0 $0xB  }
0xd7: {  	_ =	swait.ge @!p0 [sflag:s0], s1  }
0xd8: {  	s1 =	ssub.s32 @!p0 $0x0, s1;
	[sflag:s0] =	ssyncset.done @!p0 $0x0  }
0xd9: {  	[sflag:s0] =	ssyncadd.s32 @!p0 s1  }
0xda: {  	[bflag:$0x3] =	sbarrier.arrive $0xFFFF  }
0xdb: {  	_ =	shalt  }

// kernel: kernel.7.cloned.1.call-start
scs
__scs_entry_jumppad:
0x0: {  	(pc) =	sbr.rel $0x88, $3  }
0x1: {  	(tag) =	ssettag $0x0;
	lr =	simm.s32 $0x1  }
0x2: {  	[smem:$0x3F97] =	sst lr;
	_ =	strace $0xD0000000  }
0x3: {  	_ = 	snop  }
0x4: {  	_ = 	snop  }
0x5: {  	_ = 	snop  }
0x6: {  	_ = 	snop  }
0x7: {  	_ = 	snop  }
__scs_overlays_trampoline_lowered:
0x8: {  	[smem:$0x3FA6] =	sst s0  }
0x9: {  	[smem:$0x3FA7] =	sst s1  }
0xa: {  	[smem:$0x3FA8] =	sst s2  }
0xb: {  	[smem:$0x3FA9] =	sst s3  }
0xc: {  	[smem:$0x3FAA] =	sst s4  }
0xd: {  	[smem:$0x3FAB] =	sst s5  }
0xe: {  	[smem:$0x3FAC] =	sst s6  }
0xf: {  	[smem:$0x3FAD] =	sst s7  }
0x10: {  	[smem:$0x3FAE] =	sst s8  }
0x11: {  	[smem:$0x3FAF] =	sst s9;
	s0 =	simm.s32 @!p0 $0x0  }
0x12: {  	s1 =	sld [smem:$0x3F95];
	s0 =	simm.s32 @p0 $0x1  }
0x13: {  	[smem:$0x3FB0] =	sst s0;
	s0 =	simm.s32 @!p1 $0x0  }
0x14: {  	s2 =	sld [smem:$0x3F94];
	s0 =	simm.s32 @p1 $0x1  }
0x15: {  	[smem:$0x3FB1] =	sst s0;
	s0 =	simm.s32 @!p2 $0x0  }
0x16: {  	s3 =	sld [smem:$0x3FDB];
	s0 =	simm.s32 @p2 $0x1  }
0x17: {  	s4 =	simm.s32 $0x1BF5;
	[smem:$0x3FB3] =	sst s0  }
0x18: {  	s0 =	sld [smem:$0x3F96];
	_ =	swait.ge [sflag:s4], $0x0  }
0x19: {  	s7 =	sld [smem:$0x3F97]  }
0x1a: {  	s8 =	sadd.s32 $0xFFFFE003, lr  }
0x1b: {  	s9 =	sadd.s32 $0xFFFFFEF7, lr;
	s5 =	simm.s32 $0xFFFFFFFF;
	p2 =	slt.u32 s8, $0xFFFFF086  }
0x1c: {  	p1 =	slt.u32 s9, $0xF7A;
	s5 =	simm.s32 @!p2 $0x0  }
0x1d: {  	s5 =	simm.s32 @p1 $0x1;
	p0 =	seq.s32 s7, s2  }
0x1e: {  	s7 =	smul.u32 @!p0 $0xF7A, s2;
	p2 =	seq.s32 @!p0 s5, $0x0  }
0x1f: {  	s9 =	smul.u32 $0xF7A, s1;
	s8 =	simm.s32 @!p0 $0x1BF5;
	p2 =	por !p2, p0  }
0x20: {  	[sflag:s8] =	ssyncset.s32 @!p0 $0xFFFFF086;
	s6 =	sadd.s32 @!p0 s3, s7;
	s7 =	simm.s32 @!p0 $0x108  }
0x21: {  	s3 =	sadd.s32 s3, s9;
	s6 =	sadd.s32 @!p0 $0x88, s6;
	s7 =	simm.s32 @p2 $0x1082  }
0x22: {  	[simem:s7], [sflag:s8] =	dma.local @!p0 [hbm:s6], $0xF7A  }
0x23: {  	s9 =	sor.u32 $0xD0000000, s2;
	s6 =	simm.s32 $0x108;
	_ =	swait.ge @!p0 [sflag:s8], $0x0  }
0x24: {  	s3 =	sadd.s32 $0x88, s3;
	s6 =	simm.s32 @!p1 $0x1082;
	[sflag:s4] =	ssyncset.s32 $0xFFFFF086  }
0x25: {  	[simem:s6], [sflag:s4] =	dma.local [hbm:s3], $0xF7A  }
0x26: {  	[smem:$0x3F97] =	sst s1;
	(tag) =	ssettag s2;
	_ =	strace s9  }
0x27: {  	s1 =	sld [smem:$0x3FA7]  }
0x28: {  	s2 =	sld [smem:$0x3FA8]  }
0x29: {  	s4 =	sld [smem:$0x3FAA]  }
0x2a: {  	p0 =	seq.s32 s5, $0x0;
	s5 =	sld [smem:$0x3FAB]  }
0x2b: {  	s6 =	sld [smem:$0x3FAC]  }
0x2c: {  	s7 =	sld [smem:$0x3FAD]  }
0x2d: {  	s3 =	simm.s32 $0x108;
	s8 =	sld [smem:$0x3FAE]  }
0x2e: {  	s3 =	simm.s32 @!p0 $0x1082;
	s9 =	sld [smem:$0x3FAF]  }
0x2f: {  	lr =	sadd.s32 s0, s3;
	s0 =	sld [smem:$0x3FA6]  }
0x30: {  	s3 =	sld [smem:$0x3FA9]  }
0x31: {  	[smem:$0x3FB2] =	sst s10  }
0x32: {  	s10 =	sld [smem:$0x3FB0];
	_ =	sdelay $0x3  }
0x33: {  	p0 =	seq.s32 s10, $0x1;
	s10 =	sld [smem:$0x3FB2];
	_ =	sdelay $0x3  }
0x34: {  	[smem:$0x3FB2] =	sst s10  }
0x35: {  	s10 =	sld [smem:$0x3FB1];
	_ =	sdelay $0x3  }
0x36: {  	p1 =	seq.s32 s10, $0x1;
	s10 =	sld [smem:$0x3FB2];
	_ =	sdelay $0x3  }
0x37: {  	[smem:$0x3FB2] =	sst s10  }
0x38: {  	s10 =	sld [smem:$0x3FB3]  }
0x39: {  	_ = 	snop;
	(pc) =	sbr.ind lr, $3  }
0x3a: {  	_ = 	snop  }
0x3b: {  	_ = 	snop  }
0x3c: {  	p2 =	seq.s32 s10, $0x1;
	s10 =	sld [smem:$0x3FB2]  }
0x3d: {  	_ =	shalt  }
0x3e: {  	_ =	shalt  }
0x3f: {  	_ =	shalt  }
0x40: {  	_ =	shalt  }
0x41: {  	_ =	shalt  }
0x42: {  	_ =	shalt  }
0x43: {  	_ =	shalt  }
0x44: {  	_ =	shalt  }
0x45: {  	_ =	shalt  }
0x46: {  	_ =	shalt  }
0x47: {  	_ =	shalt  }
0x48: {  	_ =	shalt  }
0x49: {  	_ =	shalt  }
0x4a: {  	_ =	shalt  }
0x4b: {  	_ =	shalt  }
0x4c: {  	_ =	shalt  }
0x4d: {  	_ =	shalt  }
0x4e: {  	_ =	shalt  }
0x4f: {  	_ =	shalt  }
0x50: {  	_ =	shalt  }
0x51: {  	_ =	shalt  }
0x52: {  	_ =	shalt  }
0x53: {  	_ =	shalt  }
0x54: {  	_ =	shalt  }
0x55: {  	_ =	shalt  }
0x56: {  	_ =	shalt  }
0x57: {  	_ =	shalt  }
0x58: {  	_ =	shalt  }
0x59: {  	_ =	shalt  }
0x5a: {  	_ =	shalt  }
0x5b: {  	_ =	shalt  }
0x5c: {  	_ =	shalt  }
0x5d: {  	_ =	shalt  }
0x5e: {  	_ =	shalt  }
0x5f: {  	_ =	shalt  }
0x60: {  	_ =	shalt  }
0x61: {  	_ =	shalt  }
0x62: {  	_ =	shalt  }
0x63: {  	_ =	shalt  }
0x64: {  	_ =	shalt  }
0x65: {  	_ =	shalt  }
0x66: {  	_ =	shalt  }
0x67: {  	_ =	shalt  }
0x68: {  	_ =	shalt  }
0x69: {  	_ =	shalt  }
0x6a: {  	_ =	shalt  }
0x6b: {  	_ =	shalt  }
0x6c: {  	_ =	shalt  }
0x6d: {  	_ =	shalt  }
0x6e: {  	_ =	shalt  }
0x6f: {  	_ =	shalt  }
0x70: {  	_ =	shalt  }
0x71: {  	_ =	shalt  }
0x72: {  	_ =	shalt  }
0x73: {  	_ =	shalt  }
0x74: {  	_ =	shalt  }
0x75: {  	_ =	shalt  }
0x76: {  	_ =	shalt  }
0x77: {  	_ =	shalt  }
0x78: {  	_ =	shalt  }
0x79: {  	_ =	shalt  }
0x7a: {  	_ =	shalt  }
0x7b: {  	_ =	shalt  }
0x7c: {  	_ =	shalt  }
0x7d: {  	_ =	shalt  }
0x7e: {  	_ =	shalt  }
0x7f: {  	_ =	shalt  }
0x80: {  	_ =	shalt  }
0x81: {  	_ =	shalt  }
0x82: {  	_ =	shalt  }
0x83: {  	_ =	shalt  }
0x84: {  	_ =	shalt  }
0x85: {  	_ =	shalt  }
0x86: {  	_ =	shalt  }
0x87: {  	_ =	shalt  }
.Lfunc_end0:
.L_simem_size_0:
called_computation_lowered:
.L_overlay_start_0:
0x88: {  	s2 =	sld [smem:$0x3FD9]  }
0x89: {  	s3 =	sld [smem:$0x3FFE];
	_ =	sdelay $0x1  }
0x8a: {  	s1 =	srdreg.scid  }
0x8b: {  	s0 =	sand.u32 $0x1, s1  }
0x8c: {  	s17 =	sshll.u32 s0, $0xA;
	s2 =	sadd.s32 s3, s2  }
0x8d: {  	s2 =	sadd.s32 s2, s17  }
0x8e: {  	[smem:$0x3FBE] =	sst s2  }
0x8f: {  	_ = 	snop  }
0x90: {  	s2 =	sld [smem:$0x3FD0];
	(tm) =	ssettm $0x1  }
0x91: {  	s18 =	sld [smem:$0x3FFB];
	_ =	sdelay $0x3  }
0x92: {  	_ =	strace s18  }
0x93: {  	s3 =	sld [smem:$0x3FFC];
	_ =	sdelay $0x3  }
0x94: {  	_ =	strace s3  }
0x95: {  	s3 =	sld [smem:$0x3FFD];
	_ =	sdelay $0x3  }
0x96: {  	_ =	strace s3  }
0x97: {  	_ =	strace $0x8FFFFFFF  }
0x98: {  	s19 =	sld [smem:$0x3FDB];
	_ =	sdelay $0x1  }
0x99: {  	s4 =	simm.s32 $_scs_section_size  }
0x9a: {  	s5 =	simm.s32 $_size__tile_overlayer_lowered;
	s6 =	simm.s32 $_tile_overlayer_lowered  }
0x9b: {  	s22 =	simm.s32 $0x1BFF;
	s21 =	sshll.u32 s6, $0x1;
	s3 =	sadd.s32 s4, s19  }
0x9c: {  	s7 =	simm.s32 $0x0;
	s20 =	sshll.u32 s5, $0x1;
	s5 =	sadd.s32 s21, s3  }
0x9d: {  	[timem:s7], [sflag:s22] =	dma.local [hbm:s5], s20  }
0x9e: {  	_ =	swait.ge [sflag:s22], s20  }
0x9f: {  	s4 =	ssub.s32 $0x0, s20;
	[sflag:s22] =	ssyncset.done $0x0  }
0xa0: {  	[sflag:s22] =	ssyncadd.s32 s4;
	_ =	sdelay $0x1  }
0xa1: {  	s23 =	simm.s32 $0x1B8B  }
0xa2: {  	_ =	swait.ge [sflag:s23], $0x1  }
0xa3: {  	[sflag:s23] =	ssyncset.done $0x0  }
0xa4: {  	s25 =	simm.s32 $0x1B8E;
	s24 =	sld [smem:$0x3FFE];
	[sflag:s23] =	ssyncadd.s32 $0xFFFFFFFF  }
0xa5: {  	s26 =	simm.s32 $execute0_lowered;
	[smem:$0x3FD2] =	sst s25  }
0xa6: {  	s5 =	sshll.u32 s26, $0x1;
	_ =	strace $0x80000046;
	[dreg:$0x1] =	wrdreg $0xFFFFFFFF  }
0xa7: {  	s28 =	simm.s32 $_size_execute0_lowered;
	s3 =	sadd.s32 s3, s5;
	[dreg:$0x0] =	wrdreg $0x0  }
0xa8: {  	s5 =	sshll.u32 s28, $0x1;
	[dreg:$0x2] =	wrdreg s3  }
0xa9: {  	[dreg:$0x3] =	wrdreg s5  }
0xaa: {  	[dreg:$0x4] =	wrdreg $0xC0  }
0xab: {  	_ =	task [dreg:s7], $0x5FFFF  }
0xac: {  	[dreg:$0x1] =	wrdreg $0xFFFFFFFF  }
0xad: {  	[dreg:$0x0] =	wrdreg $0x60  }
0xae: {  	[dreg:$0x2] =	wrdreg s24  }
0xaf: {  	[dreg:$0x3] =	wrdreg s2  }
0xb0: {  	[dreg:$0x4] =	wrdreg $0x80700  }
0xb1: {  	[dreg:$0x5] =	wrdreg $0xD0700  }
0xb2: {  	[dreg:$0x6] =	wrdreg $0x9  }
0xb3: {  	_ =	task.clear_ibuf [dreg:s7], $0x7FFFF;
	_ =	strace $0x90000046  }
0xb4: {  	s29 =	simm.s32 $0x9;
	_ =	strace $0x80000048  }
0xb5: {  	_ =	swait.ge [sflag:s29], $0x1  }
0xb6: {  	[sflag:s29] =	ssyncadd.s32 $0xFFFFFFFF  }
0xb7: {  	_ =	strace $0x90000048  }
0xb8: {  	_ =	sfence  }
0xb9: {  	s30 =	sld [smem:$0x0];
	_ =	sdelay $0x2  }
0xba: {  	s31 =	sshll.u32 s1, $0xD;
	s1 =	sshrl.u32 s1, $0x2  }
0xbb: {  	s3 =	sand.u32 $0x4000, s31;
	s1 =	sadd.s32 s1, s30  }
0xbc: {  	s0 =	sor.u32 s3, s0;
	s1 =	sshll.u32 s1, $0x11  }
0xbd: {  	s0 =	sor.u32 s1, s0  }
0xbe: {  	s0 =	sadd.s32 $0x8F2B, s0  }
0xbf: {  	[sflag:s0] =	ssyncadd.remote.s32 $0x1  }
0xc0: {  	_ =	sfence.sel $0xFFFF  }
0xc1: {  	[dreg:$0x0] =	wrdreg $0xFFFFFFFF;
	(pc) =	sbr.abs _section_cstart, $3  }
0xc2: {  	[dreg:$0x1] =	wrdreg $0xFFFFFFFF  }
0xc3: {  	_ =	task.clear_ibuf [dreg:s7], $0x2FFFF;
	_ =	strace $0x9FFFFFFF  }
0xc4: {  	(tm) =	ssettm $0x7FFFFFFF  }
0xc5: {  	_ =	shalt  }
tec
execute0_lowered:
.L_overlay_start_1:
0x0: {  	(tag) =	ssettag $0x1  }
0x1: {  	s1 =	rddreg [dreg:$0x0]  }
0x2: {  	s0 =	srdreg.scid;
	s3 =	rddreg [dreg:$0x2]  }
0x3: {  	s12 =	stileid.u32;
	s4 =	rddreg [dreg:$0x3];
	s5 =	simm.s32 $0x0  }
0x4: {  	s16 =	simm.s32 $0x10;
	s28 =	simm.s32 $0x7620;
	s29 =	simm.s32 $0x1  }
0x5: {  	s30 =	simm.s32 $0x6;
	s31 =	simm.s32 $0x2;
	s18 =	simm.s32 $0xB  }
0x6: {  	s13 =	simm.s32 $0xF;
	s14 =	simm.s32 $0x0;
	s0 =	sand.u32 $0x1, s0  }
0x7: {  	s7 =	smul.u32 $0x280, s12;
	[smem:$0x7FF] =	sst s5;
	s6 =	sadd.s32 $0x2000, s1  }
0x8: {  	s9 =	sadd.s32 $0x1F800, s1;
	s19 =	sadd.s32 $0x20200, s1;
	s10 =	smul.u32 $0x14000, s12  }
0x9: {  	s24 =	sshll.u32 s12, $0x6;
	_ =	strace $0x80000047;
	[dreg:$0x5] =	wrdreg s9  }
0xa: {  	s2 =	sshll.u32 s0, $0x4;
	s8 =	smul.u32 $0x2800, s0;
	[dreg:$0x6] =	wrdreg s19  }
0xb: {  	s0 =	ssub.s32 $0x2, s0;
	s9 =	sor.u32 $0x1C10, s24;
	s19 =	simm.s32 $0x8020  }
0xc: {  	s24 =	simm.s32 $0x6220;
	s2 =	sor.u32 s12, s2;
	s21 =	sshrl.u32 s0, $0x1  }
0xd: {  	s22 =	sshrl.u32 s10, $0x2;
	s12 =	simm.s32 $0xA;
	s2 =	smul.u32 $0x2710, s2  }
0xe: {  	s8 =	sadd.s32 s7, s8;
	s0 =	ssub.s32 s0, s21;
	s23 =	sadd.s32 s22, s3  }
0xf: {  	s7 =	sadd.s32 s7, s4;
	s21 =	simm.s32 $0x4E20;
	s22 =	simm.s32 $0x5820  }
0x10: {  	s20 =	sshll.u32 s8, $0x2;
	s8 =	sshrl.u32 s8, $0x3;
	s0 =	smax.u32 s0, $0x1  }
0x11: {  	s15 =	sshrl.u32 s23, $0x3;
	s17 =	sshrl.u32 s7, $0x3;
	s2 =	sshrl.u32 s2, $0x3  }
0x12: {  	s11 =	sadd.s32 s20, s1;
	[dreg:$0xb] =	wrdreg s0;
	s20 =	simm.s32 $0x50  }
.Ltmp0:
0x13: {  	s2 =	sadd.s32 s2, s1;
	s26 =	sadd.s32 $0x20E00, s11;
	(pc) =	sbr.rel .LBB2_1-.Ltmp0, $4  }
0x14: {  	s0 =	simm.s32 $0x4;
	s25 =	sadd.s32 $0xBE00, s2;
	[dreg:$0x9] =	wrdreg s26  }
0x15: {  	s1 =	sadd.s32 s8, s1;
	s2 =	sadd.s32 $0x15A40, s2;
	[dreg:$0x7] =	wrdreg s25  }
0x16: {  	s1 =	sadd.s32 $0x20400, s1;
	s26 =	simm.s32 $0x6C20;
	[dreg:$0x8] =	wrdreg s2  }
0x17: {  	[dreg:$0xa] =	wrdreg s1;
	s2 =	simm.s32 $0x3;
	s1 =	simm.s32 $0x5  }
.LBB2_7:
0x18: {  	_ =	swait.ge [sflag:s30], $0xA00  }
0x19: {  	[sflag:s30] =	ssyncset.done $0x0  }
0x1a: {  	[sflag:s30] =	ssyncadd.s32 $0xFFFFF600  }
0x1b: {  	_ =	swait.ge [sflag:s18], $0x50  }
0x1c: {  	[sflag:s18] =	ssyncset.done $0x0  }
0x1d: {  	s7 =	simm.s32 $0x7;
	[sflag:s18] =	ssyncadd.s32 $0xFFFFFFB0  }
0x1e: {  	_ =	swait.ge [sflag:s7], $0xA00  }
0x1f: {  	[sflag:s7] =	ssyncset.done $0x0  }
0x20: {  	s11 =	simm.s32 $0xC;
	[sflag:s7] =	ssyncadd.s32 $0xFFFFF600  }
0x21: {  	_ =	swait.ge [sflag:s11], $0x50  }
0x22: {  	[sflag:s11] =	ssyncset.done $0x0  }
0x23: {  	s23 =	simm.s32 $0x8;
	[sflag:s11] =	ssyncadd.s32 $0xFFFFFFB0  }
0x24: {  	_ =	swait.ge [sflag:s23], $0xA00  }
0x25: {  	[sflag:s23] =	ssyncset.done $0x0  }
0x26: {  	s25 =	simm.s32 $0xD;
	[sflag:s23] =	ssyncadd.s32 $0xFFFFF600  }
0x27: {  	_ =	swait.ge [sflag:s25], $0x50  }
0x28: {  	[sflag:s25] =	ssyncset.done $0x0  }
0x29: {  	s8 =	simm.s32 $0x9;
	[sflag:s25] =	ssyncadd.s32 $0xFFFFFFB0  }
0x2a: {  	_ =	swait.ge [sflag:s8], $0xA00  }
0x2b: {  	[sflag:s8] =	ssyncset.done $0x0  }
0x2c: {  	s10 =	simm.s32 $0xE;
	[sflag:s8] =	ssyncadd.s32 $0xFFFFF600  }
0x2d: {  	_ =	swait.ge [sflag:s10], $0x50  }
0x2e: {  	[sflag:s10] =	ssyncset.done $0x0  }
0x2f: {  	[sflag:s10] =	ssyncadd.s32 $0xFFFFFFB0  }
0x30: {  	_ =	swait.ge [sflag:s12], $0xA00  }
0x31: {  	[sflag:s12] =	ssyncset.done $0x0  }
0x32: {  	[sflag:s12] =	ssyncadd.s32 $0xFFFFF600  }
0x33: {  	_ =	swait.ge [sflag:s13], $0x50  }
0x34: {  	[sflag:s13] =	ssyncset.done $0x0  }
0x35: {  	[sflag:s13] =	ssyncadd.s32 $0xFFFFFFB0  }
0x36: {  	[bflag:$0x0] =	sbarrier.arrive $0xFFFF  }
0x37: {  	s11 =	rddreg [dreg:$0x9]  }
0x38: {  	[hbm:s11], [sflag:s9] =	dma.local [spmem:s15], $0xA00  }
0x39: {  	_ =	swait.ge [sflag:s16], $0xA00  }
0x3a: {  	[sflag:s16] =	ssyncset.done $0x0  }
0x3b: {  	s23 =	rddreg [dreg:$0xa];
	[sflag:s16] =	ssyncadd.s32 $0xFFFFF600  }
0x3c: {  	[hbm:s23], [sflag:s9] =	dma.local [spmem:s17], $0x50  }
0x3d: {  	_ =	swait.ge [sflag:s16], $0x50  }
0x3e: {  	s14 =	sadd.s32 $0x1, s14;
	s25 =	rddreg [dreg:$0xb]  }
0x3f: {  	p0 =	sne.s32 s14, s25  }
.Ltmp1:
0x40: {  	_ = 	snop;
	(pc) =	sbr.rel @!p0 .LBB2_8-.Ltmp1, $3  }
0x41: {  	_ =	sdelay $0x1  }
0x42: {  	[sflag:s16] =	ssyncset.done $0x0  }
0x43: {  	[sflag:s16] =	ssyncadd.s32 $0xFFFFFFB0  }
.LBB2_1:
0x44: {  	s7 =	rddreg [dreg:$0x5]  }
0x45: {  	[spmem:s15], [sflag:s9] =	dma.local [hbm:s7], $0xA00  }
0x46: {  	_ =	swait.ge [sflag:s16], $0xA00  }
0x47: {  	[sflag:s16] =	ssyncset.done $0x0  }
0x48: {  	[sflag:s16] =	ssyncadd.s32 $0xFFFFF600  }
0x49: {  	s25 =	rddreg [dreg:$0x1]  }
0x4a: {  	[spmem:s17], [sflag:s9] =	dma.local [hbm:s25], $0x50  }
0x4b: {  	_ =	swait.ge [sflag:s16], $0x50  }
0x4c: {  	[sflag:s16] =	ssyncset.done $0x0  }
0x4d: {  	s8 =	rddreg [dreg:$0x7];
	[sflag:s16] =	ssyncadd.s32 $0xFFFFFFB0  }
0x4e: {  	[tilespmem:s5], [sflag:$0x10] =	stream.linear.gather [hbm4b:s8+s5], $0x2710, $0x38;
	[tilespmem:$0xD2F0] =	vst v63  }
0x4f: {  	_ =	swait.ge [sflag:s16], $0x2710  }
0x50: {  	[sflag:s16] =	ssyncset.done $0x0  }
0x51: {  	s8 =	simm.s32 $0x2710;
	s10 =	rddreg [dreg:$0x8];
	[sflag:s16] =	ssyncadd.s32 $0xFFFFD8F0  }
0x52: {  	[tilespmem:s8], [sflag:$0x10] =	stream.linear.gather [hbm4b:s10+s5], $0x2710, $0x38;
	[tilespmem:$0xD2F0] =	vst v63  }
0x53: {  	_ =	swait.ge [sflag:s16], $0x2710  }
0x54: {  	[sflag:s16] =	ssyncset.done $0x0  }
0x55: {  	s11 =	rddreg [dreg:$0x6];
	[sflag:s16] =	ssyncadd.s32 $0xFFFFD8F0  }
0x56: {  	[tilespmem:s19], [sflag:$0x10] =	stream.linear.gather [hbm4b:s11+s5], $0x50, $0x38;
	[tilespmem:$0xD2F0] =	vst v63  }
0x57: {  	_ =	swait.ge [sflag:s16], $0x50  }
0x58: {  	[sflag:s16] =	ssyncset.done $0x0  }
0x59: {  	[sflag:s16] =	ssyncadd.s32 $0xFFFFFFB0  }
0x5a: {  	[bflag:$0x0] =	sbarrier.arrive $0xFFFF  }
0x5b: {  	[tilespmem:s21], [sflag:$0x1] =	stream.indirect.gather [hbm4b:s6+s20], $0x20, s5, s20, $0xb8;
	[tilespmem:$0xD2F0] =	vst v63  }
0x5c: {  	_ = 	snop  }
0x5d: {  	[tilespmem:s22], [sflag:$0x2] =	stream.indirect.gather [hbm4b:s6+s20], $0x20, s20, s20, $0xb8;
	[tilespmem:$0xD2F0] =	vst v63  }
.Ltmp2:
0x5e: {  	_ = 	snop;
	(pc) =	sbr.rel .LBB2_2-.Ltmp2, $4  }
0x5f: {  	s23 =	simm.s32 $0xA0  }
0x60: {  	[tilespmem:s24], [sflag:$0x3] =	stream.indirect.gather [hbm4b:s6+s20], $0x20, s23, s20, $0xb8;
	[tilespmem:$0xD2F0] =	vst v63  }
0x61: {  	s25 =	simm.s32 $0xF0;
	s23 =	simm.s32 $0x0  }
0x62: {  	[tilespmem:s26], [sflag:$0x4] =	stream.indirect.gather [hbm4b:s6+s20], $0x20, s25, s20, $0xb8;
	[tilespmem:$0xD2F0] =	vst v63  }
.LBB2_3:
0x63: {  	[spmem:s4] =	stream.indirect.scatter.add.f32 [tilespmem:s19], [sflag:$0xB], $0x1, s7, s20, $0xb8;
	[tilespmem:$0xD2F0] =	vst v63  }
.LBB2_5:
0x64: {  	_ =	swait.ge [sflag:s30], $0xA00  }
0x65: {  	[sflag:s30] =	ssyncset.done $0x0  }
0x66: {  	s7 =	sadd.s32 $0x190, s25;
	p1 =	por $0x0, $0x0;
	[sflag:s30] =	ssyncadd.s32 $0xFFFFF600  }
0x67: {  	[tilespmem:s21], [sflag:$0x1] =	stream.indirect.gather [hbm4b:s6+s20], $0x20, s7, s20, $0xb8;
	[tilespmem:$0xD2F0] =	vst v63  }
.LBB2_6:
0x68: {  	_ =	swait.ge [sflag:s31], $0xA00  }
0x69: {  	[sflag:s31] =	ssyncset.done $0x0  }
0x6a: {  	s7 =	sadd.s32 $0x2760, s25;
	s8 =	simm.s32 @!p0 $0xC;
	[sflag:s31] =	ssyncadd.s32 $0xFFFFF600  }
0x6b: {  	[spmem:s3] =	stream.indirect.scatter.add.bf16 [tilespmem:s22], [sflag:$0x7], $0x20, s7, s20, $0xb8;
	[tilespmem:$0xD2F0] =	vst v63  }
0x6c: {  	_ =	swait.ge @!p0 [sflag:s8], $0x50  }
0x6d: {  	[sflag:s8] =	ssyncset.done @!p0 $0x0  }
0x6e: {  	[sflag:s8] =	ssyncadd.s32 @!p0 $0xFFFFFFB0  }
0x6f: {  	[spmem:s4] =	stream.indirect.scatter.add.f32 [tilespmem:s19], [sflag:$0xC], $0x1, s7, s20, $0xb8;
	[tilespmem:$0xD2F0] =	vst v63  }
0x70: {  	s7 =	simm.s32 @!p1 $0x7  }
0x71: {  	_ =	swait.ge @!p1 [sflag:s7], $0xA00  }
0x72: {  	[sflag:s7] =	ssyncset.done @!p1 $0x0  }
0x73: {  	[sflag:s7] =	ssyncadd.s32 @!p1 $0xFFFFF600;
	s7 =	sshra.s32 @!p1 s23, $0x2  }
0x74: {  	s10 =	simm.s32 @!p1 $0x50;
	s11 =	simm.s32 @!p1 $0x5820;
	s8 =	sadd.s32 @!p1 $0x1E0, s7  }
0x75: {  	[tilespmem:s11], [sflag:$0x2] =	stream.indirect.gather @!p1 [hbm4b:s6+s10], $0x20, s8, s10, $0xb8;
	[tilespmem:$0xD2F0] =	vst v63  }
0x76: {  	_ =	swait.ge [sflag:s2], $0xA00  }
0x77: {  	[sflag:s2] =	ssyncset.done $0x0  }
0x78: {  	s8 =	sadd.s32 $0x27B0, s25;
	s11 =	simm.s32 @!p0 $0xD;
	[sflag:s2] =	ssyncadd.s32 $0xFFFFF600  }
0x79: {  	[spmem:s3] =	stream.indirect.scatter.add.bf16 [tilespmem:s24], [sflag:$0x8], $0x20, s8, s20, $0xb8;
	[tilespmem:$0xD2F0] =	vst v63  }
0x7a: {  	_ =	swait.ge @!p0 [sflag:s11], $0x50  }
0x7b: {  	[sflag:s11] =	ssyncset.done @!p0 $0x0  }
0x7c: {  	[sflag:s11] =	ssyncadd.s32 @!p0 $0xFFFFFFB0  }
0x7d: {  	[spmem:s4] =	stream.indirect.scatter.add.f32 [tilespmem:s19], [sflag:$0xD], $0x1, s8, s20, $0xb8;
	[tilespmem:$0xD2F0] =	vst v63  }
0x7e: {  	s8 =	simm.s32 @!p1 $0x8  }
0x7f: {  	_ =	swait.ge @!p1 [sflag:s8], $0xA00  }
0x80: {  	[sflag:s8] =	ssyncset.done @!p1 $0x0  }
0x81: {  	s11 =	simm.s32 @!p1 $0x6220;
	[sflag:s8] =	ssyncadd.s32 @!p1 $0xFFFFF600;
	s8 =	sadd.s32 @!p1 $0x230, s7  }
0x82: {  	[tilespmem:s11], [sflag:$0x3] =	stream.indirect.gather @!p1 [hbm4b:s6+s10], $0x20, s8, s10, $0xb8;
	[tilespmem:$0xD2F0] =	vst v63  }
0x83: {  	_ =	swait.ge [sflag:s0], $0xA00  }
0x84: {  	[sflag:s0] =	ssyncset.done $0x0  }
0x85: {  	s8 =	sadd.s32 $0x2800, s25;
	s11 =	simm.s32 @!p0 $0xE;
	[sflag:s0] =	ssyncadd.s32 $0xFFFFF600  }
0x86: {  	[spmem:s3] =	stream.indirect.scatter.add.bf16 [tilespmem:s26], [sflag:$0x9], $0x20, s8, s20, $0xb8;
	[tilespmem:$0xD2F0] =	vst v63  }
0x87: {  	_ =	swait.ge @!p0 [sflag:s11], $0x50  }
0x88: {  	[sflag:s11] =	ssyncset.done @!p0 $0x0  }
0x89: {  	[sflag:s11] =	ssyncadd.s32 @!p0 $0xFFFFFFB0  }
0x8a: {  	[spmem:s4] =	stream.indirect.scatter.add.f32 [tilespmem:s19], [sflag:$0xE], $0x1, s8, s20, $0xb8;
	[tilespmem:$0xD2F0] =	vst v63  }
0x8b: {  	s8 =	simm.s32 @!p1 $0x9  }
0x8c: {  	_ =	swait.ge @!p1 [sflag:s8], $0xA00  }
0x8d: {  	[sflag:s8] =	ssyncset.done @!p1 $0x0  }
0x8e: {  	s7 =	sadd.s32 @!p1 $0x280, s7;
	[sflag:s8] =	ssyncadd.s32 @!p1 $0xFFFFF600;
	s8 =	simm.s32 @!p1 $0x6C20  }
0x8f: {  	[tilespmem:s8], [sflag:$0x4] =	stream.indirect.gather @!p1 [hbm4b:s6+s10], $0x20, s7, s10, $0xb8;
	[tilespmem:$0xD2F0] =	vst v63  }
0x90: {  	_ =	swait.ge [sflag:s1], $0xA00  }
0x91: {  	[sflag:s1] =	ssyncset.done $0x0  }
0x92: {  	s25 =	sadd.s32 $0x2850, s25;
	s8 =	simm.s32 @!p0 $0xF;
	[sflag:s1] =	ssyncadd.s32 $0xFFFFF600  }
0x93: {  	[spmem:s3] =	stream.indirect.scatter.add.bf16 [tilespmem:s28], [sflag:$0xA], $0x20, s25, s20, $0xb8;
	[tilespmem:$0xD2F0] =	vst v63  }
0x94: {  	_ =	swait.ge @!p0 [sflag:s8], $0x50  }
0x95: {  	s23 =	sadd.s32 $0x640, s23;
	[sflag:s8] =	ssyncset.done @!p0 $0x0  }
0x96: {  	[sflag:s8] =	ssyncadd.s32 @!p0 $0xFFFFFFB0;
	p0 =	sne.s32 s23, $0x9C40  }
.Ltmp3:
0x97: {  	_ = 	snop;
	(pc) =	sbr.rel @!p0 .LBB2_7-.Ltmp3, $2  }
0x98: {  	_ =	sdelay $0x2  }
0x99: {  	[spmem:s4] =	stream.indirect.scatter.add.f32 [tilespmem:s19], [sflag:$0xF], $0x1, s25, s20, $0xb8;
	[tilespmem:$0xD2F0] =	vst v63  }
.LBB2_2:
0x9a: {  	p0 =	seq.s32 s23, $0x0  }
0x9b: {  	s7 =	simm.s32 @!p0 $0xA  }
0x9c: {  	_ =	swait.ge @!p0 [sflag:s7], $0xA00  }
0x9d: {  	s25 =	sshra.s32 s23, $0x2;
	[sflag:s7] =	ssyncset.done @!p0 $0x0  }
0x9e: {  	p1 =	sne.s32 s23, $0x0;
	s11 =	sadd.s32 $0x140, s25;
	[sflag:s7] =	ssyncadd.s32 @!p0 $0xFFFFF600  }
0x9f: {  	[tilespmem:s28], [sflag:$0x5] =	stream.indirect.gather [hbm4b:s6+s20], $0x20, s11, s20, $0xb8;
	[tilespmem:$0xD2F0] =	vst v63  }
.Ltmp4:
0xa0: {  	_ = 	snop;
	(pc) =	sbr.rel @!p1 .LBB2_3-.Ltmp4, $4  }
0xa1: {  	_ =	swait.ge [sflag:s29], $0xA00  }
0xa2: {  	[sflag:s29] =	ssyncset.done $0x0  }
0xa3: {  	s7 =	sadd.s32 $0x2710, s25;
	[sflag:s29] =	ssyncadd.s32 $0xFFFFF600  }
0xa4: {  	[spmem:s3] =	stream.indirect.scatter.add.bf16 [tilespmem:s21], [sflag:$0x6], $0x20, s7, s20, $0xb8;
	[tilespmem:$0xD2F0] =	vst v63  }
0xa5: {  	p2 =	seq.s32 s23, $0x9600  }
.Ltmp5:
0xa6: {  	_ = 	snop;
	(pc) =	sbr.rel @p2 .LBB2_6-.Ltmp5, $4  }
.Ltmp6:
0xa7: {  	_ =	swait.ge [sflag:s18], $0x50;
	(pc) =	sbr.rel @!p2 .LBB2_5-.Ltmp6, $4  }
0xa8: {  	[sflag:s18] =	ssyncset.done $0x0  }
0xa9: {  	p1 =	por $0x1, $0x1;
	[sflag:s18] =	ssyncadd.s32 $0xFFFFFFB0  }
0xaa: {  	[spmem:s4] =	stream.indirect.scatter.add.f32 [tilespmem:s19], [sflag:$0xB], $0x1, s7, s20, $0xb8;
	[tilespmem:$0xD2F0] =	vst v63  }
0xab: {  	_ = 	snop  }
.LBB2_8:
0xac: {  	_ =	sfence.sel $0x180000  }
0xad: {  	[bflag:$0x0] =	sbarrier.arrive $0xFFFF  }
0xae: {  	_ =	strace $0x90000047  }
0xaf: {  	s0 =	stileid.u32;
	[bflag:$0x2] =	sbarrier.arrive $0xFFFF  }
0xb0: {  	p0 =	sne.s32 s0, $0x0;
	s0 =	rddreg [dreg:$0x4]  }
0xb1: {  	s0 =	sadd.s32 @!p0 $0x100000, s0  }
0xb2: {  	[sflag:s0] =	ssyncadd.tile.s32 @!p0 $0x1;
	_ =	shalt  }
.Lfunc_end2:
_tile_overlayer_lowered:
.L_overlay_start_2:
0xb3: {  	(tag) =	ssettag $0x2  }
0xb4: {  	s0 =	rddreg [dreg:$0x0];
	s2 =	stileid.u32  }
0xb5: {  	s1 =	rddreg [dreg:$0x1];
	p0 =	sne.s32 s2, $0x0  }
0xb6: {  	s3 =	rddreg [dreg:$0x2];
	[bflag:$0x3] =	sbarrier.arrive $0xFFFF;
	s2 =	simm.s32 @!p0 $0x1C10  }
0xb7: {  	[timem:s3], [sflag:s2] =	dma.local @!p0 [hbm:s0], s1  }
0xb8: {  	s0 =	simm.s32 @!p0 $0x10  }
0xb9: {  	_ =	swait.ge @!p0 [sflag:s0], s1  }
0xba: {  	s1 =	ssub.s32 @!p0 $0x0, s1;
	[sflag:s0] =	ssyncset.done @!p0 $0x0  }
0xbb: {  	[sflag:s0] =	ssyncadd.s32 @!p0 s1  }
0xbc: {  	[bflag:$0x3] =	sbarrier.arrive $0xFFFF  }
0xbd: {  	_ =	shalt  }

</sc_bundles>
